<compile_context>
chip_gen: v7x
topology: tpu7x:2x2x1
jax: 0.10.2.dev20260603
libtpu: 0.0.44.dev20260713+nightly
codegen_flags: <defaults>
</compile_context>

<pallas_src>
import jax
import jax.numpy as jnp
from jax.experimental import pallas as pl
from jax.experimental.pallas import tpu as pltpu
from jax.experimental.pallas import tpu_sc as plsc

W = 168
D = 512
B = 16384
NW = 32
BPW = B // NW
CH = 32
NBUF = 4
LANES = 16


def kernel(t, cycleQueue):
    t32 = t.astype(jnp.int32)
    mesh = plsc.VectorSubcoreMesh(core_axis_name="core", subcore_axis_name="subcore")

    @pl.kernel(
        out_type=jax.ShapeDtypeStruct((B, D), jnp.float32),
        mesh=mesh,
        scratch_types=[
            pltpu.VMEM((BPW,), jnp.int32),
            pltpu.VMEM((NBUF, CH, D), jnp.float32),
            pltpu.SemaphoreType.DMA((NBUF,)),
            pltpu.SemaphoreType.DMA((NBUF,)),
        ],
    )
    def run(t_hbm, q_hbm, o_hbm, idx_v, rows_v, gsem, osem):
        wid = jax.lax.axis_index("subcore") * 2 + jax.lax.axis_index("core")
        base = wid * BPW
        pltpu.sync_copy(t_hbm.at[pl.ds(base, BPW)], idx_v)

        @pl.loop(0, BPW, step=LANES)
        def _(c):
            sl = pl.ds(c, LANES)
            idx_v.at[sl][...] = jax.lax.rem(idx_v.at[sl][...], jnp.int32(W))

        NCH = BPW // CH

        def g_copy(i):
            b = i % NBUF
            return pltpu.make_async_copy(
                q_hbm.at[idx_v.at[pl.ds(i * CH, CH)]], rows_v.at[b], gsem.at[b]
            )

        def o_copy(i):
            b = i % NBUF
            return pltpu.make_async_copy(
                rows_v.at[b], o_hbm.at[pl.ds(base + i * CH, CH)], osem.at[b]
            )

        for i in range(NBUF):
            g_copy(i).start()
        for i in range(NCH):
            g_copy(i).wait()
            o_copy(i).start()
            if i + NBUF < NCH:
                o_copy(i).wait()
                g_copy(i + NBUF).start()
        for i in range(max(0, NCH - NBUF), NCH):
            o_copy(i).wait()

    return run(t32, cycleQueue)

# --- scband reference (transcript-rebuilt; emitter-appended) ---
"""Pipeline reference for scband-cycle-net-69630009802775 (READ-ONLY COPY).

The authoritative reference and input builder live on the scoring server;
editing this copy changes nothing except your own understanding.
"""

import jax, jax.numpy as jnp
import numpy as np

W = 168
D = 512
B = 16384

def setup_inputs(seed: int = 0) -> dict:
    key = jax.random.key(seed)
    k1, k2 = jax.random.split(key)
    t = jax.random.randint(k1, (B,), 0, 1000000, dtype=jnp.int64) if jax.config.jax_enable_x64 else jax.random.randint(k1, (B,), 0, 1000000, dtype=jnp.int32)
    cycleQueue = jax.random.normal(k2, (W, D), dtype=jnp.float32)
    return {"t": t, "cycleQueue": cycleQueue}

def reference(t, cycleQueue):
    # CycleNet.forward: idx = t % W; C_t = cycleQueue[idx, :]
    idx = t % W
    C_t = jnp.take(cycleQueue, idx, axis=0)
    return C_t

if __name__ == "__main__":
    import jax
    _d = setup_inputs()
    print(jax.jit(kernel)(*tuple(_d.values())))

</pallas_src>

<mosaic_0001>
#map = affine_map<(d0, d1) -> (0)>
#map1 = affine_map<(d0, d1) -> (0, 0)>
module attributes {stable_mosaic.version = 14 : i64} {
  func.func @run(%arg0: i32, %arg1: i32, %arg2: memref<16384xi32, #tpu.memory_space<hbm>>, %arg3: memref<168x512xf32, #tpu.memory_space<hbm>>, %arg4: memref<16384x512xf32, #tpu.memory_space<hbm>>, %arg5: memref<512xi32, #tpu.memory_space<vmem>>, %arg6: memref<4x32x512xf32, #tpu.memory_space<vmem>>, %arg7: memref<4x!tpu.dma_semaphore, #tpu.memory_space<semaphore_mem>>, %arg8: memref<4x!tpu.dma_semaphore, #tpu.memory_space<semaphore_mem>>) attributes {dimension_semantics = [#tpu.dimension_semantics<core_parallel>, #tpu.dimension_semantics<subcore_parallel>], iteration_bounds = array<i64: 2, 16>, scalar_prefetch = 0 : i64, scratch_operands = 4 : i64, tpu.core_type = #tpu.core_type<sc_vector_subcore>, window_params = [{transform_indices = #map}, {transform_indices = #map1}, {transform_indices = #map1}]} {
    %mul3A = arith.constant 2 : i32
    %mul3A_0 = arith.muli %arg1, %mul3A : i32
    %add3A = arith.addi %mul3A_0, %arg0 : i32
    %mul3A_1 = arith.constant 512 : i32
    %mul3A_2 = arith.muli %add3A, %mul3A_1 : i32
    "tpu.region"() ({
      %run_scoped3A = tpu.sem_alloc : memref<!tpu.dma_semaphore, #tpu.memory_space<semaphore_mem>>
      %dma_start3A_997 = tpu.memref_slice %arg2[%mul3A_2] : memref<16384xi32, #tpu.memory_space<hbm>> -> memref<512xi32, #tpu.memory_space<hbm>>
      %dma_start3A_998 = tpu.memref_slice %arg2[%mul3A_2] : memref<16384xi32, #tpu.memory_space<hbm>> -> memref<512xi32, #tpu.memory_space<hbm>>
      tpu.enqueue_dma source(%dma_start3A_998 : memref<512xi32, #tpu.memory_space<hbm>>) target(%arg5 : memref<512xi32, #tpu.memory_space<vmem>>) target_semaphore(%run_scoped3A : memref<!tpu.dma_semaphore, #tpu.memory_space<semaphore_mem>>)
      %dma_wait3A_999 = tpu.memref_slice %arg2[%mul3A_2] : memref<16384xi32, #tpu.memory_space<hbm>> -> memref<512xi32, #tpu.memory_space<hbm>>
      %dma_wait3A_1000 = tpu.memref_slice %arg2[%mul3A_2] : memref<16384xi32, #tpu.memory_space<hbm>> -> memref<512xi32, #tpu.memory_space<hbm>>
      tpu.wait_dma2 semaphore(%run_scoped3A : memref<!tpu.dma_semaphore, #tpu.memory_space<semaphore_mem>>) src(%dma_wait3A_1000 : memref<512xi32, #tpu.memory_space<hbm>>) dst(%arg5 : memref<512xi32, #tpu.memory_space<vmem>>)
      tpu.yield
    }) : () -> ()
    %scan3A = arith.constant 0 : i32
    %scan3A_3 = arith.constant 32 : i32
    %scan3A_4 = arith.addi %scan3A, %scan3A_3 : i32
    %scan3A_5 = arith.constant 1 : i32
    scf.for %scan3A_997 = %scan3A to %scan3A_4 step %scan3A_5  : i32 {
      %mul3A_998 = arith.constant 16 : i32
      %mul3A_999 = arith.muli %scan3A_997, %mul3A_998 : i32
      %add3A_1000 = arith.constant 0 : i32
      %add3A_1001 = arith.addi %add3A_1000, %mul3A_999 : i32
      %get3A = arith.index_cast %add3A_1001 : i32 to index
      %get3A_1002 = tpu.vector_load %arg5[%get3A] {strides = array<i32>} : memref<512xi32, #tpu.memory_space<vmem>>, vector<16xi32>,
      %get3A_1003 = vector.shape_cast %get3A_1002 : vector<16xi32> to vector<16xi32>
      %rem3A = arith.constant 168 : i32
      %rem3A_1004 = vector.broadcast %rem3A : i32 to vector<16xi32>
      %rem3A_1005 = arith.remsi %get3A_1003, %rem3A_1004 : vector<16xi32>
      %swap3A = arith.index_cast %add3A_1001 : i32 to index
      %swap3A_1006 = tpu.vector_load %arg5[%swap3A] {strides = array<i32>} : memref<512xi32, #tpu.memory_space<vmem>>, vector<16xi32>,
      %swap3A_1007 = vector.shape_cast %swap3A_1006 : vector<16xi32> to vector<16xi32>
      %swap3A_1008 = vector.shape_cast %rem3A_1005 : vector<16xi32> to vector<16xi32>
      tpu.vector_store %arg5[%swap3A], %swap3A_1008 {strides = array<i32>} : memref<512xi32, #tpu.memory_space<vmem>>, vector<16xi32>,
    }
    %scan3A_6 = arith.constant 32 : i32
    %dma_start3A = arith.constant 0 : i32
    %dma_start3A_7 = arith.constant 0 : i32
    %dma_start3A_8 = arith.constant 0 : i32
    %dma_start3A_9 = arith.constant 0 : i32
    %dma_start3A_10 = tpu.memref_slice %arg6[%dma_start3A, %dma_start3A_8, %dma_start3A_9] : memref<4x32x512xf32, #tpu.memory_space<vmem>> -> memref<1x32x512xf32, #tpu.memory_space<vmem>>
    %dma_start3A_11 = tpu.memref_squeeze %dma_start3A_10 : memref<1x32x512xf32, #tpu.memory_space<vmem>> -> memref<32x512xf32, #tpu.memory_space<vmem>>
    %dma_start3A_12 = arith.constant 0 : i32
    %dma_start3A_13 = tpu.memref_slice %arg5[%dma_start3A_12] : memref<512xi32, #tpu.memory_space<vmem>> -> memref<32xi32, #tpu.memory_space<vmem>>
    %dma_start3A_14 = arith.constant 0 : i32
    %dma_start3A_15 = arith.constant 0 : i32
    %dma_start3A_16 = tpu.memref_slice %arg3[%dma_start3A_14, %dma_start3A_15] : memref<168x512xf32, #tpu.memory_space<hbm>> -> memref<168x512xf32, #tpu.memory_space<hbm>>
    %dma_start3A_17 = tpu.memref_slice %arg7[%dma_start3A_7] : memref<4x!tpu.dma_semaphore, #tpu.memory_space<semaphore_mem>> -> memref<1x!tpu.dma_semaphore, #tpu.memory_space<semaphore_mem>>
    %dma_start3A_18 = tpu.memref_squeeze %dma_start3A_17 : memref<1x!tpu.dma_semaphore, #tpu.memory_space<semaphore_mem>> -> memref<!tpu.dma_semaphore, #tpu.memory_space<semaphore_mem>>
    tpu.enqueue_indirect_dma source(%dma_start3A_16 : memref<168x512xf32, #tpu.memory_space<hbm>>) target(%dma_start3A_11 : memref<32x512xf32, #tpu.memory_space<vmem>>) offsets(%dma_start3A_13 : memref<32xi32, #tpu.memory_space<vmem>>) semaphore(%dma_start3A_18 : memref<!tpu.dma_semaphore, #tpu.memory_space<semaphore_mem>>)
    %dma_start3A_19 = arith.constant 1 : i32
    %dma_start3A_20 = arith.constant 1 : i32
    %dma_start3A_21 = arith.constant 0 : i32
    %dma_start3A_22 = arith.constant 0 : i32
    %dma_start3A_23 = tpu.memref_slice %arg6[%dma_start3A_19, %dma_start3A_21, %dma_start3A_22] : memref<4x32x512xf32, #tpu.memory_space<vmem>> -> memref<1x32x512xf32, #tpu.memory_space<vmem>>
    %dma_start3A_24 = tpu.memref_squeeze %dma_start3A_23 : memref<1x32x512xf32, #tpu.memory_space<vmem>> -> memref<32x512xf32, #tpu.memory_space<vmem>>
    %dma_start3A_25 = arith.constant 32 : i32
    %dma_start3A_26 = tpu.memref_slice %arg5[%dma_start3A_25] : memref<512xi32, #tpu.memory_space<vmem>> -> memref<32xi32, #tpu.memory_space<vmem>>
    %dma_start3A_27 = arith.constant 0 : i32
    %dma_start3A_28 = arith.constant 0 : i32
    %dma_start3A_29 = tpu.memref_slice %arg3[%dma_start3A_27, %dma_start3A_28] : memref<168x512xf32, #tpu.memory_space<hbm>> -> memref<168x512xf32, #tpu.memory_space<hbm>>
    %dma_start3A_30 = tpu.memref_slice %arg7[%dma_start3A_20] : memref<4x!tpu.dma_semaphore, #tpu.memory_space<semaphore_mem>> -> memref<1x!tpu.dma_semaphore, #tpu.memory_space<semaphore_mem>>
    %dma_start3A_31 = tpu.memref_squeeze %dma_start3A_30 : memref<1x!tpu.dma_semaphore, #tpu.memory_space<semaphore_mem>> -> memref<!tpu.dma_semaphore, #tpu.memory_space<semaphore_mem>>
    tpu.enqueue_indirect_dma source(%dma_start3A_29 : memref<168x512xf32, #tpu.memory_space<hbm>>) target(%dma_start3A_24 : memref<32x512xf32, #tpu.memory_space<vmem>>) offsets(%dma_start3A_26 : memref<32xi32, #tpu.memory_space<vmem>>) semaphore(%dma_start3A_31 : memref<!tpu.dma_semaphore, #tpu.memory_space<semaphore_mem>>)
    %dma_start3A_32 = arith.constant 2 : i32
    %dma_start3A_33 = arith.constant 2 : i32
    %dma_start3A_34 = arith.constant 0 : i32
    %dma_start3A_35 = arith.constant 0 : i32
    %dma_start3A_36 = tpu.memref_slice %arg6[%dma_start3A_32, %dma_start3A_34, %dma_start3A_35] : memref<4x32x512xf32, #tpu.memory_space<vmem>> -> memref<1x32x512xf32, #tpu.memory_space<vmem>>
    %dma_start3A_37 = tpu.memref_squeeze %dma_start3A_36 : memref<1x32x512xf32, #tpu.memory_space<vmem>> -> memref<32x512xf32, #tpu.memory_space<vmem>>
    %dma_start3A_38 = arith.constant 64 : i32
    %dma_start3A_39 = tpu.memref_slice %arg5[%dma_start3A_38] : memref<512xi32, #tpu.memory_space<vmem>> -> memref<32xi32, #tpu.memory_space<vmem>>
    %dma_start3A_40 = arith.constant 0 : i32
    %dma_start3A_41 = arith.constant 0 : i32
    %dma_start3A_42 = tpu.memref_slice %arg3[%dma_start3A_40, %dma_start3A_41] : memref<168x512xf32, #tpu.memory_space<hbm>> -> memref<168x512xf32, #tpu.memory_space<hbm>>
    %dma_start3A_43 = tpu.memref_slice %arg7[%dma_start3A_33] : memref<4x!tpu.dma_semaphore, #tpu.memory_space<semaphore_mem>> -> memref<1x!tpu.dma_semaphore, #tpu.memory_space<semaphore_mem>>
    %dma_start3A_44 = tpu.memref_squeeze %dma_start3A_43 : memref<1x!tpu.dma_semaphore, #tpu.memory_space<semaphore_mem>> -> memref<!tpu.dma_semaphore, #tpu.memory_space<semaphore_mem>>
    tpu.enqueue_indirect_dma source(%dma_start3A_42 : memref<168x512xf32, #tpu.memory_space<hbm>>) target(%dma_start3A_37 : memref<32x512xf32, #tpu.memory_space<vmem>>) offsets(%dma_start3A_39 : memref<32xi32, #tpu.memory_space<vmem>>) semaphore(%dma_start3A_44 : memref<!tpu.dma_semaphore, #tpu.memory_space<semaphore_mem>>)
    %dma_start3A_45 = arith.constant 3 : i32
    %dma_start3A_46 = arith.constant 3 : i32
    %dma_start3A_47 = arith.constant 0 : i32
    %dma_start3A_48 = arith.constant 0 : i32
    %dma_start3A_49 = tpu.memref_slice %arg6[%dma_start3A_45, %dma_start3A_47, %dma_start3A_48] : memref<4x32x512xf32, #tpu.memory_space<vmem>> -> memref<1x32x512xf32, #tpu.memory_space<vmem>>
    %dma_start3A_50 = tpu.memref_squeeze %dma_start3A_49 : memref<1x32x512xf32, #tpu.memory_space<vmem>> -> memref<32x512xf32, #tpu.memory_space<vmem>>
    %dma_start3A_51 = arith.constant 96 : i32
    %dma_start3A_52 = tpu.memref_slice %arg5[%dma_start3A_51] : memref<512xi32, #tpu.memory_space<vmem>> -> memref<32xi32, #tpu.memory_space<vmem>>
    %dma_start3A_53 = arith.constant 0 : i32
    %dma_start3A_54 = arith.constant 0 : i32
    %dma_start3A_55 = tpu.memref_slice %arg3[%dma_start3A_53, %dma_start3A_54] : memref<168x512xf32, #tpu.memory_space<hbm>> -> memref<168x512xf32, #tpu.memory_space<hbm>>
    %dma_start3A_56 = tpu.memref_slice %arg7[%dma_start3A_46] : memref<4x!tpu.dma_semaphore, #tpu.memory_space<semaphore_mem>> -> memref<1x!tpu.dma_semaphore, #tpu.memory_space<semaphore_mem>>
    %dma_start3A_57 = tpu.memref_squeeze %dma_start3A_56 : memref<1x!tpu.dma_semaphore, #tpu.memory_space<semaphore_mem>> -> memref<!tpu.dma_semaphore, #tpu.memory_space<semaphore_mem>>
    tpu.enqueue_indirect_dma source(%dma_start3A_55 : memref<168x512xf32, #tpu.memory_space<hbm>>) target(%dma_start3A_50 : memref<32x512xf32, #tpu.memory_space<vmem>>) offsets(%dma_start3A_52 : memref<32xi32, #tpu.memory_space<vmem>>) semaphore(%dma_start3A_57 : memref<!tpu.dma_semaphore, #tpu.memory_space<semaphore_mem>>)
    %dma_wait3A = arith.constant 0 : i32
    %dma_wait3A_58 = arith.constant 0 : i32
    %dma_wait3A_59 = arith.constant 0 : i32
    %dma_wait3A_60 = arith.constant 0 : i32
    %dma_wait3A_61 = tpu.memref_slice %arg6[%dma_wait3A, %dma_wait3A_59, %dma_wait3A_60] : memref<4x32x512xf32, #tpu.memory_space<vmem>> -> memref<1x32x512xf32, #tpu.memory_space<vmem>>
    %dma_wait3A_62 = tpu.memref_squeeze %dma_wait3A_61 : memref<1x32x512xf32, #tpu.memory_space<vmem>> -> memref<32x512xf32, #tpu.memory_space<vmem>>
    %dma_wait3A_63 = arith.constant 0 : i32
    %dma_wait3A_64 = tpu.memref_slice %arg5[%dma_wait3A_63] : memref<512xi32, #tpu.memory_space<vmem>> -> memref<32xi32, #tpu.memory_space<vmem>>
    %dma_wait3A_65 = arith.constant 0 : i32
    %dma_wait3A_66 = arith.constant 0 : i32
    %dma_wait3A_67 = tpu.memref_slice %arg3[%dma_wait3A_65, %dma_wait3A_66] : memref<168x512xf32, #tpu.memory_space<hbm>> -> memref<168x512xf32, #tpu.memory_space<hbm>>
    %dma_wait3A_68 = tpu.memref_slice %arg7[%dma_wait3A_58] : memref<4x!tpu.dma_semaphore, #tpu.memory_space<semaphore_mem>> -> memref<1x!tpu.dma_semaphore, #tpu.memory_space<semaphore_mem>>
    %dma_wait3A_69 = tpu.memref_squeeze %dma_wait3A_68 : memref<1x!tpu.dma_semaphore, #tpu.memory_space<semaphore_mem>> -> memref<!tpu.dma_semaphore, #tpu.memory_space<semaphore_mem>>
    tpu.wait_indirect_dma semaphore(%dma_wait3A_69 : memref<!tpu.dma_semaphore, #tpu.memory_space<semaphore_mem>>) src(%dma_wait3A_67 : memref<168x512xf32, #tpu.memory_space<hbm>>) dst(%dma_wait3A_62 : memref<32x512xf32, #tpu.memory_space<vmem>>)
    %add3A_70 = arith.constant 0 : i32
    %add3A_71 = arith.addi %mul3A_2, %add3A_70 : i32
    %dma_start3A_72 = arith.constant 0 : i32
    %dma_start3A_73 = arith.constant 0 : i32
    %dma_start3A_74 = arith.constant 0 : i32
    %dma_start3A_75 = arith.constant 0 : i32
    %dma_start3A_76 = tpu.memref_slice %arg6[%dma_start3A_72, %dma_start3A_74, %dma_start3A_75] : memref<4x32x512xf32, #tpu.memory_space<vmem>> -> memref<1x32x512xf32, #tpu.memory_space<vmem>>
    %dma_start3A_77 = tpu.memref_squeeze %dma_start3A_76 : memref<1x32x512xf32, #tpu.memory_space<vmem>> -> memref<32x512xf32, #tpu.memory_space<vmem>>
    %dma_start3A_78 = arith.constant 0 : i32
    %dma_start3A_79 = tpu.memref_slice %arg4[%add3A_71, %dma_start3A_78] : memref<16384x512xf32, #tpu.memory_space<hbm>> -> memref<32x512xf32, #tpu.memory_space<hbm>>
    %dma_start3A_80 = tpu.memref_slice %arg8[%dma_start3A_73] : memref<4x!tpu.dma_semaphore, #tpu.memory_space<semaphore_mem>> -> memref<1x!tpu.dma_semaphore, #tpu.memory_space<semaphore_mem>>
    %dma_start3A_81 = tpu.memref_squeeze %dma_start3A_80 : memref<1x!tpu.dma_semaphore, #tpu.memory_space<semaphore_mem>> -> memref<!tpu.dma_semaphore, #tpu.memory_space<semaphore_mem>>
    %dma_start3A_82 = arith.constant 0 : i32
    %dma_start3A_83 = tpu.memref_slice %arg4[%add3A_71, %dma_start3A_82] : memref<16384x512xf32, #tpu.memory_space<hbm>> -> memref<32x512xf32, #tpu.memory_space<hbm>>
    %dma_start3A_84 = arith.constant 0 : i32
    %dma_start3A_85 = arith.constant 0 : i32
    %dma_start3A_86 = tpu.memref_slice %arg6[%dma_start3A_72, %dma_start3A_84, %dma_start3A_85] : memref<4x32x512xf32, #tpu.memory_space<vmem>> -> memref<1x32x512xf32, #tpu.memory_space<vmem>>
    %dma_start3A_87 = tpu.memref_squeeze %dma_start3A_86 : memref<1x32x512xf32, #tpu.memory_space<vmem>> -> memref<32x512xf32, #tpu.memory_space<vmem>>
    tpu.enqueue_dma source(%dma_start3A_87 : memref<32x512xf32, #tpu.memory_space<vmem>>) target(%dma_start3A_83 : memref<32x512xf32, #tpu.memory_space<hbm>>) target_semaphore(%dma_start3A_81 : memref<!tpu.dma_semaphore, #tpu.memory_space<semaphore_mem>>)
    %add3A_88 = arith.constant 0 : i32
    %add3A_89 = arith.addi %mul3A_2, %add3A_88 : i32
    %dma_wait3A_90 = arith.constant 0 : i32
    %dma_wait3A_91 = arith.constant 0 : i32
    %dma_wait3A_92 = arith.constant 0 : i32
    %dma_wait3A_93 = arith.constant 0 : i32
    %dma_wait3A_94 = tpu.memref_slice %arg6[%dma_wait3A_90, %dma_wait3A_92, %dma_wait3A_93] : memref<4x32x512xf32, #tpu.memory_space<vmem>> -> memref<1x32x512xf32, #tpu.memory_space<vmem>>
    %dma_wait3A_95 = tpu.memref_squeeze %dma_wait3A_94 : memref<1x32x512xf32, #tpu.memory_space<vmem>> -> memref<32x512xf32, #tpu.memory_space<vmem>>
    %dma_wait3A_96 = arith.constant 0 : i32
    %dma_wait3A_97 = tpu.memref_slice %arg4[%add3A_89, %dma_wait3A_96] : memref<16384x512xf32, #tpu.memory_space<hbm>> -> memref<32x512xf32, #tpu.memory_space<hbm>>
    %dma_wait3A_98 = tpu.memref_slice %arg8[%dma_wait3A_91] : memref<4x!tpu.dma_semaphore, #tpu.memory_space<semaphore_mem>> -> memref<1x!tpu.dma_semaphore, #tpu.memory_space<semaphore_mem>>
    %dma_wait3A_99 = tpu.memref_squeeze %dma_wait3A_98 : memref<1x!tpu.dma_semaphore, #tpu.memory_space<semaphore_mem>> -> memref<!tpu.dma_semaphore, #tpu.memory_space<semaphore_mem>>
    %dma_wait3A_100 = arith.constant 0 : i32
    %dma_wait3A_101 = tpu.memref_slice %arg4[%add3A_89, %dma_wait3A_100] : memref<16384x512xf32, #tpu.memory_space<hbm>> -> memref<32x512xf32, #tpu.memory_space<hbm>>
    %dma_wait3A_102 = arith.constant 0 : i32
    %dma_wait3A_103 = arith.constant 0 : i32
    %dma_wait3A_104 = tpu.memref_slice %arg6[%dma_wait3A_90, %dma_wait3A_102, %dma_wait3A_103] : memref<4x32x512xf32, #tpu.memory_space<vmem>> -> memref<1x32x512xf32, #tpu.memory_space<vmem>>
    %dma_wait3A_105 = tpu.memref_squeeze %dma_wait3A_104 : memref<1x32x512xf32, #tpu.memory_space<vmem>> -> memref<32x512xf32, #tpu.memory_space<vmem>>
    tpu.wait_dma2 semaphore(%dma_wait3A_99 : memref<!tpu.dma_semaphore, #tpu.memory_space<semaphore_mem>>) src(%dma_wait3A_105 : memref<32x512xf32, #tpu.memory_space<vmem>>) dst(%dma_wait3A_101 : memref<32x512xf32, #tpu.memory_space<hbm>>)
    %dma_start3A_106 = arith.constant 0 : i32
    %dma_start3A_107 = arith.constant 0 : i32
    %dma_start3A_108 = arith.constant 0 : i32
    %dma_start3A_109 = arith.constant 0 : i32
    %dma_start3A_110 = tpu.memref_slice %arg6[%dma_start3A_106, %dma_start3A_108, %dma_start3A_109] : memref<4x32x512xf32, #tpu.memory_space<vmem>> -> memref<1x32x512xf32, #tpu.memory_space<vmem>>
    %dma_start3A_111 = tpu.memref_squeeze %dma_start3A_110 : memref<1x32x512xf32, #tpu.memory_space<vmem>> -> memref<32x512xf32, #tpu.memory_space<vmem>>
    %dma_start3A_112 = arith.constant 128 : i32
    %dma_start3A_113 = tpu.memref_slice %arg5[%dma_start3A_112] : memref<512xi32, #tpu.memory_space<vmem>> -> memref<32xi32, #tpu.memory_space<vmem>>
    %dma_start3A_114 = arith.constant 0 : i32
    %dma_start3A_115 = arith.constant 0 : i32
    %dma_start3A_116 = tpu.memref_slice %arg3[%dma_start3A_114, %dma_start3A_115] : memref<168x512xf32, #tpu.memory_space<hbm>> -> memref<168x512xf32, #tpu.memory_space<hbm>>
    %dma_start3A_117 = tpu.memref_slice %arg7[%dma_start3A_107] : memref<4x!tpu.dma_semaphore, #tpu.memory_space<semaphore_mem>> -> memref<1x!tpu.dma_semaphore, #tpu.memory_space<semaphore_mem>>
    %dma_start3A_118 = tpu.memref_squeeze %dma_start3A_117 : memref<1x!tpu.dma_semaphore, #tpu.memory_space<semaphore_mem>> -> memref<!tpu.dma_semaphore, #tpu.memory_space<semaphore_mem>>
    tpu.enqueue_indirect_dma source(%dma_start3A_116 : memref<168x512xf32, #tpu.memory_space<hbm>>) target(%dma_start3A_111 : memref<32x512xf32, #tpu.memory_space<vmem>>) offsets(%dma_start3A_113 : memref<32xi32, #tpu.memory_space<vmem>>) semaphore(%dma_start3A_118 : memref<!tpu.dma_semaphore, #tpu.memory_space<semaphore_mem>>)
    %dma_wait3A_119 = arith.constant 1 : i32
    %dma_wait3A_120 = arith.constant 1 : i32
    %dma_wait3A_121 = arith.constant 0 : i32
    %dma_wait3A_122 = arith.constant 0 : i32
    %dma_wait3A_123 = tpu.memref_slice %arg6[%dma_wait3A_119, %dma_wait3A_121, %dma_wait3A_122] : memref<4x32x512xf32, #tpu.memory_space<vmem>> -> memref<1x32x512xf32, #tpu.memory_space<vmem>>
    %dma_wait3A_124 = tpu.memref_squeeze %dma_wait3A_123 : memref<1x32x512xf32, #tpu.memory_space<vmem>> -> memref<32x512xf32, #tpu.memory_space<vmem>>
    %dma_wait3A_125 = arith.constant 32 : i32
    %dma_wait3A_126 = tpu.memref_slice %arg5[%dma_wait3A_125] : memref<512xi32, #tpu.memory_space<vmem>> -> memref<32xi32, #tpu.memory_space<vmem>>
    %dma_wait3A_127 = arith.constant 0 : i32
    %dma_wait3A_128 = arith.constant 0 : i32
    %dma_wait3A_129 = tpu.memref_slice %arg3[%dma_wait3A_127, %dma_wait3A_128] : memref<168x512xf32, #tpu.memory_space<hbm>> -> memref<168x512xf32, #tpu.memory_space<hbm>>
    %dma_wait3A_130 = tpu.memref_slice %arg7[%dma_wait3A_120] : memref<4x!tpu.dma_semaphore, #tpu.memory_space<semaphore_mem>> -> memref<1x!tpu.dma_semaphore, #tpu.memory_space<semaphore_mem>>
    %dma_wait3A_131 = tpu.memref_squeeze %dma_wait3A_130 : memref<1x!tpu.dma_semaphore, #tpu.memory_space<semaphore_mem>> -> memref<!tpu.dma_semaphore, #tpu.memory_space<semaphore_mem>>
    tpu.wait_indirect_dma semaphore(%dma_wait3A_131 : memref<!tpu.dma_semaphore, #tpu.memory_space<semaphore_mem>>) src(%dma_wait3A_129 : memref<168x512xf32, #tpu.memory_space<hbm>>) dst(%dma_wait3A_124 : memref<32x512xf32, #tpu.memory_space<vmem>>)
    %add3A_132 = arith.constant 32 : i32
    %add3A_133 = arith.addi %mul3A_2, %add3A_132 : i32
    %dma_start3A_134 = arith.constant 1 : i32
    %dma_start3A_135 = arith.constant 1 : i32
    %dma_start3A_136 = arith.constant 0 : i32
    %dma_start3A_137 = arith.constant 0 : i32
    %dma_start3A_138 = tpu.memref_slice %arg6[%dma_start3A_134, %dma_start3A_136, %dma_start3A_137] : memref<4x32x512xf32, #tpu.memory_space<vmem>> -> memref<1x32x512xf32, #tpu.memory_space<vmem>>
    %dma_start3A_139 = tpu.memref_squeeze %dma_start3A_138 : memref<1x32x512xf32, #tpu.memory_space<vmem>> -> memref<32x512xf32, #tpu.memory_space<vmem>>
    %dma_start3A_140 = arith.constant 0 : i32
    %dma_start3A_141 = tpu.memref_slice %arg4[%add3A_133, %dma_start3A_140] : memref<16384x512xf32, #tpu.memory_space<hbm>> -> memref<32x512xf32, #tpu.memory_space<hbm>>
    %dma_start3A_142 = tpu.memref_slice %arg8[%dma_start3A_135] : memref<4x!tpu.dma_semaphore, #tpu.memory_space<semaphore_mem>> -> memref<1x!tpu.dma_semaphore, #tpu.memory_space<semaphore_mem>>
    %dma_start3A_143 = tpu.memref_squeeze %dma_start3A_142 : memref<1x!tpu.dma_semaphore, #tpu.memory_space<semaphore_mem>> -> memref<!tpu.dma_semaphore, #tpu.memory_space<semaphore_mem>>
    %dma_start3A_144 = arith.constant 0 : i32
    %dma_start3A_145 = tpu.memref_slice %arg4[%add3A_133, %dma_start3A_144] : memref<16384x512xf32, #tpu.memory_space<hbm>> -> memref<32x512xf32, #tpu.memory_space<hbm>>
    %dma_start3A_146 = arith.constant 0 : i32
    %dma_start3A_147 = arith.constant 0 : i32
    %dma_start3A_148 = tpu.memref_slice %arg6[%dma_start3A_134, %dma_start3A_146, %dma_start3A_147] : memref<4x32x512xf32, #tpu.memory_space<vmem>> -> memref<1x32x512xf32, #tpu.memory_space<vmem>>
    %dma_start3A_149 = tpu.memref_squeeze %dma_start3A_148 : memref<1x32x512xf32, #tpu.memory_space<vmem>> -> memref<32x512xf32, #tpu.memory_space<vmem>>
    tpu.enqueue_dma source(%dma_start3A_149 : memref<32x512xf32, #tpu.memory_space<vmem>>) target(%dma_start3A_145 : memref<32x512xf32, #tpu.memory_space<hbm>>) target_semaphore(%dma_start3A_143 : memref<!tpu.dma_semaphore, #tpu.memory_space<semaphore_mem>>)
    %add3A_150 = arith.constant 32 : i32
    %add3A_151 = arith.addi %mul3A_2, %add3A_150 : i32
    %dma_wait3A_152 = arith.constant 1 : i32
    %dma_wait3A_153 = arith.constant 1 : i32
    %dma_wait3A_154 = arith.constant 0 : i32
    %dma_wait3A_155 = arith.constant 0 : i32
    %dma_wait3A_156 = tpu.memref_slice %arg6[%dma_wait3A_152, %dma_wait3A_154, %dma_wait3A_155] : memref<4x32x512xf32, #tpu.memory_space<vmem>> -> memref<1x32x512xf32, #tpu.memory_space<vmem>>
    %dma_wait3A_157 = tpu.memref_squeeze %dma_wait3A_156 : memref<1x32x512xf32, #tpu.memory_space<vmem>> -> memref<32x512xf32, #tpu.memory_space<vmem>>
    %dma_wait3A_158 = arith.constant 0 : i32
    %dma_wait3A_159 = tpu.memref_slice %arg4[%add3A_151, %dma_wait3A_158] : memref<16384x512xf32, #tpu.memory_space<hbm>> -> memref<32x512xf32, #tpu.memory_space<hbm>>
    %dma_wait3A_160 = tpu.memref_slice %arg8[%dma_wait3A_153] : memref<4x!tpu.dma_semaphore, #tpu.memory_space<semaphore_mem>> -> memref<1x!tpu.dma_semaphore, #tpu.memory_space<semaphore_mem>>
    %dma_wait3A_161 = tpu.memref_squeeze %dma_wait3A_160 : memref<1x!tpu.dma_semaphore, #tpu.memory_space<semaphore_mem>> -> memref<!tpu.dma_semaphore, #tpu.memory_space<semaphore_mem>>
    %dma_wait3A_162 = arith.constant 0 : i32
    %dma_wait3A_163 = tpu.memref_slice %arg4[%add3A_151, %dma_wait3A_162] : memref<16384x512xf32, #tpu.memory_space<hbm>> -> memref<32x512xf32, #tpu.memory_space<hbm>>
    %dma_wait3A_164 = arith.constant 0 : i32
    %dma_wait3A_165 = arith.constant 0 : i32
    %dma_wait3A_166 = tpu.memref_slice %arg6[%dma_wait3A_152, %dma_wait3A_164, %dma_wait3A_165] : memref<4x32x512xf32, #tpu.memory_space<vmem>> -> memref<1x32x512xf32, #tpu.memory_space<vmem>>
    %dma_wait3A_167 = tpu.memref_squeeze %dma_wait3A_166 : memref<1x32x512xf32, #tpu.memory_space<vmem>> -> memref<32x512xf32, #tpu.memory_space<vmem>>
    tpu.wait_dma2 semaphore(%dma_wait3A_161 : memref<!tpu.dma_semaphore, #tpu.memory_space<semaphore_mem>>) src(%dma_wait3A_167 : memref<32x512xf32, #tpu.memory_space<vmem>>) dst(%dma_wait3A_163 : memref<32x512xf32, #tpu.memory_space<hbm>>)
    %dma_start3A_168 = arith.constant 1 : i32
    %dma_start3A_169 = arith.constant 1 : i32
    %dma_start3A_170 = arith.constant 0 : i32
    %dma_start3A_171 = arith.constant 0 : i32
    %dma_start3A_172 = tpu.memref_slice %arg6[%dma_start3A_168, %dma_start3A_170, %dma_start3A_171] : memref<4x32x512xf32, #tpu.memory_space<vmem>> -> memref<1x32x512xf32, #tpu.memory_space<vmem>>
    %dma_start3A_173 = tpu.memref_squeeze %dma_start3A_172 : memref<1x32x512xf32, #tpu.memory_space<vmem>> -> memref<32x512xf32, #tpu.memory_space<vmem>>
    %dma_start3A_174 = arith.constant 160 : i32
    %dma_start3A_175 = tpu.memref_slice %arg5[%dma_start3A_174] : memref<512xi32, #tpu.memory_space<vmem>> -> memref<32xi32, #tpu.memory_space<vmem>>
    %dma_start3A_176 = arith.constant 0 : i32
    %dma_start3A_177 = arith.constant 0 : i32
    %dma_start3A_178 = tpu.memref_slice %arg3[%dma_start3A_176, %dma_start3A_177] : memref<168x512xf32, #tpu.memory_space<hbm>> -> memref<168x512xf32, #tpu.memory_space<hbm>>
    %dma_start3A_179 = tpu.memref_slice %arg7[%dma_start3A_169] : memref<4x!tpu.dma_semaphore, #tpu.memory_space<semaphore_mem>> -> memref<1x!tpu.dma_semaphore, #tpu.memory_space<semaphore_mem>>
    %dma_start3A_180 = tpu.memref_squeeze %dma_start3A_179 : memref<1x!tpu.dma_semaphore, #tpu.memory_space<semaphore_mem>> -> memref<!tpu.dma_semaphore, #tpu.memory_space<semaphore_mem>>
    tpu.enqueue_indirect_dma source(%dma_start3A_178 : memref<168x512xf32, #tpu.memory_space<hbm>>) target(%dma_start3A_173 : memref<32x512xf32, #tpu.memory_space<vmem>>) offsets(%dma_start3A_175 : memref<32xi32, #tpu.memory_space<vmem>>) semaphore(%dma_start3A_180 : memref<!tpu.dma_semaphore, #tpu.memory_space<semaphore_mem>>)
    %dma_wait3A_181 = arith.constant 2 : i32
    %dma_wait3A_182 = arith.constant 2 : i32
    %dma_wait3A_183 = arith.constant 0 : i32
    %dma_wait3A_184 = arith.constant 0 : i32
    %dma_wait3A_185 = tpu.memref_slice %arg6[%dma_wait3A_181, %dma_wait3A_183, %dma_wait3A_184] : memref<4x32x512xf32, #tpu.memory_space<vmem>> -> memref<1x32x512xf32, #tpu.memory_space<vmem>>
    %dma_wait3A_186 = tpu.memref_squeeze %dma_wait3A_185 : memref<1x32x512xf32, #tpu.memory_space<vmem>> -> memref<32x512xf32, #tpu.memory_space<vmem>>
    %dma_wait3A_187 = arith.constant 64 : i32
    %dma_wait3A_188 = tpu.memref_slice %arg5[%dma_wait3A_187] : memref<512xi32, #tpu.memory_space<vmem>> -> memref<32xi32, #tpu.memory_space<vmem>>
    %dma_wait3A_189 = arith.constant 0 : i32
    %dma_wait3A_190 = arith.constant 0 : i32
    %dma_wait3A_191 = tpu.memref_slice %arg3[%dma_wait3A_189, %dma_wait3A_190] : memref<168x512xf32, #tpu.memory_space<hbm>> -> memref<168x512xf32, #tpu.memory_space<hbm>>
    %dma_wait3A_192 = tpu.memref_slice %arg7[%dma_wait3A_182] : memref<4x!tpu.dma_semaphore, #tpu.memory_space<semaphore_mem>> -> memref<1x!tpu.dma_semaphore, #tpu.memory_space<semaphore_mem>>
    %dma_wait3A_193 = tpu.memref_squeeze %dma_wait3A_192 : memref<1x!tpu.dma_semaphore, #tpu.memory_space<semaphore_mem>> -> memref<!tpu.dma_semaphore, #tpu.memory_space<semaphore_mem>>
    tpu.wait_indirect_dma semaphore(%dma_wait3A_193 : memref<!tpu.dma_semaphore, #tpu.memory_space<semaphore_mem>>) src(%dma_wait3A_191 : memref<168x512xf32, #tpu.memory_space<hbm>>) dst(%dma_wait3A_186 : memref<32x512xf32, #tpu.memory_space<vmem>>)
    %add3A_194 = arith.constant 64 : i32
    %add3A_195 = arith.addi %mul3A_2, %add3A_194 : i32
    %dma_start3A_196 = arith.constant 2 : i32
    %dma_start3A_197 = arith.constant 2 : i32
    %dma_start3A_198 = arith.constant 0 : i32
    %dma_start3A_199 = arith.constant 0 : i32
    %dma_start3A_200 = tpu.memref_slice %arg6[%dma_start3A_196, %dma_start3A_198, %dma_start3A_199] : memref<4x32x512xf32, #tpu.memory_space<vmem>> -> memref<1x32x512xf32, #tpu.memory_space<vmem>>
    %dma_start3A_201 = tpu.memref_squeeze %dma_start3A_200 : memref<1x32x512xf32, #tpu.memory_space<vmem>> -> memref<32x512xf32, #tpu.memory_space<vmem>>
    %dma_start3A_202 = arith.constant 0 : i32
    %dma_start3A_203 = tpu.memref_slice %arg4[%add3A_195, %dma_start3A_202] : memref<16384x512xf32, #tpu.memory_space<hbm>> -> memref<32x512xf32, #tpu.memory_space<hbm>>
    %dma_start3A_204 = tpu.memref_slice %arg8[%dma_start3A_197] : memref<4x!tpu.dma_semaphore, #tpu.memory_space<semaphore_mem>> -> memref<1x!tpu.dma_semaphore, #tpu.memory_space<semaphore_mem>>
    %dma_start3A_205 = tpu.memref_squeeze %dma_start3A_204 : memref<1x!tpu.dma_semaphore, #tpu.memory_space<semaphore_mem>> -> memref<!tpu.dma_semaphore, #tpu.memory_space<semaphore_mem>>
    %dma_start3A_206 = arith.constant 0 : i32
    %dma_start3A_207 = tpu.memref_slice %arg4[%add3A_195, %dma_start3A_206] : memref<16384x512xf32, #tpu.memory_space<hbm>> -> memref<32x512xf32, #tpu.memory_space<hbm>>
    %dma_start3A_208 = arith.constant 0 : i32
    %dma_start3A_209 = arith.constant 0 : i32
    %dma_start3A_210 = tpu.memref_slice %arg6[%dma_start3A_196, %dma_start3A_208, %dma_start3A_209] : memref<4x32x512xf32, #tpu.memory_space<vmem>> -> memref<1x32x512xf32, #tpu.memory_space<vmem>>
    %dma_start3A_211 = tpu.memref_squeeze %dma_start3A_210 : memref<1x32x512xf32, #tpu.memory_space<vmem>> -> memref<32x512xf32, #tpu.memory_space<vmem>>
    tpu.enqueue_dma source(%dma_start3A_211 : memref<32x512xf32, #tpu.memory_space<vmem>>) target(%dma_start3A_207 : memref<32x512xf32, #tpu.memory_space<hbm>>) target_semaphore(%dma_start3A_205 : memref<!tpu.dma_semaphore, #tpu.memory_space<semaphore_mem>>)
    %add3A_212 = arith.constant 64 : i32
    %add3A_213 = arith.addi %mul3A_2, %add3A_212 : i32
    %dma_wait3A_214 = arith.constant 2 : i32
    %dma_wait3A_215 = arith.constant 2 : i32
    %dma_wait3A_216 = arith.constant 0 : i32
    %dma_wait3A_217 = arith.constant 0 : i32
    %dma_wait3A_218 = tpu.memref_slice %arg6[%dma_wait3A_214, %dma_wait3A_216, %dma_wait3A_217] : memref<4x32x512xf32, #tpu.memory_space<vmem>> -> memref<1x32x512xf32, #tpu.memory_space<vmem>>
    %dma_wait3A_219 = tpu.memref_squeeze %dma_wait3A_218 : memref<1x32x512xf32, #tpu.memory_space<vmem>> -> memref<32x512xf32, #tpu.memory_space<vmem>>
    %dma_wait3A_220 = arith.constant 0 : i32
    %dma_wait3A_221 = tpu.memref_slice %arg4[%add3A_213, %dma_wait3A_220] : memref<16384x512xf32, #tpu.memory_space<hbm>> -> memref<32x512xf32, #tpu.memory_space<hbm>>
    %dma_wait3A_222 = tpu.memref_slice %arg8[%dma_wait3A_215] : memref<4x!tpu.dma_semaphore, #tpu.memory_space<semaphore_mem>> -> memref<1x!tpu.dma_semaphore, #tpu.memory_space<semaphore_mem>>
    %dma_wait3A_223 = tpu.memref_squeeze %dma_wait3A_222 : memref<1x!tpu.dma_semaphore, #tpu.memory_space<semaphore_mem>> -> memref<!tpu.dma_semaphore, #tpu.memory_space<semaphore_mem>>
    %dma_wait3A_224 = arith.constant 0 : i32
    %dma_wait3A_225 = tpu.memref_slice %arg4[%add3A_213, %dma_wait3A_224] : memref<16384x512xf32, #tpu.memory_space<hbm>> -> memref<32x512xf32, #tpu.memory_space<hbm>>
    %dma_wait3A_226 = arith.constant 0 : i32
    %dma_wait3A_227 = arith.constant 0 : i32
    %dma_wait3A_228 = tpu.memref_slice %arg6[%dma_wait3A_214, %dma_wait3A_226, %dma_wait3A_227] : memref<4x32x512xf32, #tpu.memory_space<vmem>> -> memref<1x32x512xf32, #tpu.memory_space<vmem>>
    %dma_wait3A_229 = tpu.memref_squeeze %dma_wait3A_228 : memref<1x32x512xf32, #tpu.memory_space<vmem>> -> memref<32x512xf32, #tpu.memory_space<vmem>>
    tpu.wait_dma2 semaphore(%dma_wait3A_223 : memref<!tpu.dma_semaphore, #tpu.memory_space<semaphore_mem>>) src(%dma_wait3A_229 : memref<32x512xf32, #tpu.memory_space<vmem>>) dst(%dma_wait3A_225 : memref<32x512xf32, #tpu.memory_space<hbm>>)
    %dma_start3A_230 = arith.constant 2 : i32
    %dma_start3A_231 = arith.constant 2 : i32
    %dma_start3A_232 = arith.constant 0 : i32
    %dma_start3A_233 = arith.constant 0 : i32
    %dma_start3A_234 = tpu.memref_slice %arg6[%dma_start3A_230, %dma_start3A_232, %dma_start3A_233] : memref<4x32x512xf32, #tpu.memory_space<vmem>> -> memref<1x32x512xf32, #tpu.memory_space<vmem>>
    %dma_start3A_235 = tpu.memref_squeeze %dma_start3A_234 : memref<1x32x512xf32, #tpu.memory_space<vmem>> -> memref<32x512xf32, #tpu.memory_space<vmem>>
    %dma_start3A_236 = arith.constant 192 : i32
    %dma_start3A_237 = tpu.memref_slice %arg5[%dma_start3A_236] : memref<512xi32, #tpu.memory_space<vmem>> -> memref<32xi32, #tpu.memory_space<vmem>>
    %dma_start3A_238 = arith.constant 0 : i32
    %dma_start3A_239 = arith.constant 0 : i32
    %dma_start3A_240 = tpu.memref_slice %arg3[%dma_start3A_238, %dma_start3A_239] : memref<168x512xf32, #tpu.memory_space<hbm>> -> memref<168x512xf32, #tpu.memory_space<hbm>>
    %dma_start3A_241 = tpu.memref_slice %arg7[%dma_start3A_231] : memref<4x!tpu.dma_semaphore, #tpu.memory_space<semaphore_mem>> -> memref<1x!tpu.dma_semaphore, #tpu.memory_space<semaphore_mem>>
    %dma_start3A_242 = tpu.memref_squeeze %dma_start3A_241 : memref<1x!tpu.dma_semaphore, #tpu.memory_space<semaphore_mem>> -> memref<!tpu.dma_semaphore, #tpu.memory_space<semaphore_mem>>
    tpu.enqueue_indirect_dma source(%dma_start3A_240 : memref<168x512xf32, #tpu.memory_space<hbm>>) target(%dma_start3A_235 : memref<32x512xf32, #tpu.memory_space<vmem>>) offsets(%dma_start3A_237 : memref<32xi32, #tpu.memory_space<vmem>>) semaphore(%dma_start3A_242 : memref<!tpu.dma_semaphore, #tpu.memory_space<semaphore_mem>>)
    %dma_wait3A_243 = arith.constant 3 : i32
    %dma_wait3A_244 = arith.constant 3 : i32
    %dma_wait3A_245 = arith.constant 0 : i32
    %dma_wait3A_246 = arith.constant 0 : i32
    %dma_wait3A_247 = tpu.memref_slice %arg6[%dma_wait3A_243, %dma_wait3A_245, %dma_wait3A_246] : memref<4x32x512xf32, #tpu.memory_space<vmem>> -> memref<1x32x512xf32, #tpu.memory_space<vmem>>
    %dma_wait3A_248 = tpu.memref_squeeze %dma_wait3A_247 : memref<1x32x512xf32, #tpu.memory_space<vmem>> -> memref<32x512xf32, #tpu.memory_space<vmem>>
    %dma_wait3A_249 = arith.constant 96 : i32
    %dma_wait3A_250 = tpu.memref_slice %arg5[%dma_wait3A_249] : memref<512xi32, #tpu.memory_space<vmem>> -> memref<32xi32, #tpu.memory_space<vmem>>
    %dma_wait3A_251 = arith.constant 0 : i32
    %dma_wait3A_252 = arith.constant 0 : i32
    %dma_wait3A_253 = tpu.memref_slice %arg3[%dma_wait3A_251, %dma_wait3A_252] : memref<168x512xf32, #tpu.memory_space<hbm>> -> memref<168x512xf32, #tpu.memory_space<hbm>>
    %dma_wait3A_254 = tpu.memref_slice %arg7[%dma_wait3A_244] : memref<4x!tpu.dma_semaphore, #tpu.memory_space<semaphore_mem>> -> memref<1x!tpu.dma_semaphore, #tpu.memory_space<semaphore_mem>>
    %dma_wait3A_255 = tpu.memref_squeeze %dma_wait3A_254 : memref<1x!tpu.dma_semaphore, #tpu.memory_space<semaphore_mem>> -> memref<!tpu.dma_semaphore, #tpu.memory_space<semaphore_mem>>
    tpu.wait_indirect_dma semaphore(%dma_wait3A_255 : memref<!tpu.dma_semaphore, #tpu.memory_space<semaphore_mem>>) src(%dma_wait3A_253 : memref<168x512xf32, #tpu.memory_space<hbm>>) dst(%dma_wait3A_248 : memref<32x512xf32, #tpu.memory_space<vmem>>)
    %add3A_256 = arith.constant 96 : i32
    %add3A_257 = arith.addi %mul3A_2, %add3A_256 : i32
    %dma_start3A_258 = arith.constant 3 : i32
    %dma_start3A_259 = arith.constant 3 : i32
    %dma_start3A_260 = arith.constant 0 : i32
    %dma_start3A_261 = arith.constant 0 : i32
    %dma_start3A_262 = tpu.memref_slice %arg6[%dma_start3A_258, %dma_start3A_260, %dma_start3A_261] : memref<4x32x512xf32, #tpu.memory_space<vmem>> -> memref<1x32x512xf32, #tpu.memory_space<vmem>>
    %dma_start3A_263 = tpu.memref_squeeze %dma_start3A_262 : memref<1x32x512xf32, #tpu.memory_space<vmem>> -> memref<32x512xf32, #tpu.memory_space<vmem>>
    %dma_start3A_264 = arith.constant 0 : i32
    %dma_start3A_265 = tpu.memref_slice %arg4[%add3A_257, %dma_start3A_264] : memref<16384x512xf32, #tpu.memory_space<hbm>> -> memref<32x512xf32, #tpu.memory_space<hbm>>
    %dma_start3A_266 = tpu.memref_slice %arg8[%dma_start3A_259] : memref<4x!tpu.dma_semaphore, #tpu.memory_space<semaphore_mem>> -> memref<1x!tpu.dma_semaphore, #tpu.memory_space<semaphore_mem>>
    %dma_start3A_267 = tpu.memref_squeeze %dma_start3A_266 : memref<1x!tpu.dma_semaphore, #tpu.memory_space<semaphore_mem>> -> memref<!tpu.dma_semaphore, #tpu.memory_space<semaphore_mem>>
    %dma_start3A_268 = arith.constant 0 : i32
    %dma_start3A_269 = tpu.memref_slice %arg4[%add3A_257, %dma_start3A_268] : memref<16384x512xf32, #tpu.memory_space<hbm>> -> memref<32x512xf32, #tpu.memory_space<hbm>>
    %dma_start3A_270 = arith.constant 0 : i32
    %dma_start3A_271 = arith.constant 0 : i32
    %dma_start3A_272 = tpu.memref_slice %arg6[%dma_start3A_258, %dma_start3A_270, %dma_start3A_271] : memref<4x32x512xf32, #tpu.memory_space<vmem>> -> memref<1x32x512xf32, #tpu.memory_space<vmem>>
    %dma_start3A_273 = tpu.memref_squeeze %dma_start3A_272 : memref<1x32x512xf32, #tpu.memory_space<vmem>> -> memref<32x512xf32, #tpu.memory_space<vmem>>
    tpu.enqueue_dma source(%dma_start3A_273 : memref<32x512xf32, #tpu.memory_space<vmem>>) target(%dma_start3A_269 : memref<32x512xf32, #tpu.memory_space<hbm>>) target_semaphore(%dma_start3A_267 : memref<!tpu.dma_semaphore, #tpu.memory_space<semaphore_mem>>)
    %add3A_274 = arith.constant 96 : i32
    %add3A_275 = arith.addi %mul3A_2, %add3A_274 : i32
    %dma_wait3A_276 = arith.constant 3 : i32
    %dma_wait3A_277 = arith.constant 3 : i32
    %dma_wait3A_278 = arith.constant 0 : i32
    %dma_wait3A_279 = arith.constant 0 : i32
    %dma_wait3A_280 = tpu.memref_slice %arg6[%dma_wait3A_276, %dma_wait3A_278, %dma_wait3A_279] : memref<4x32x512xf32, #tpu.memory_space<vmem>> -> memref<1x32x512xf32, #tpu.memory_space<vmem>>
    %dma_wait3A_281 = tpu.memref_squeeze %dma_wait3A_280 : memref<1x32x512xf32, #tpu.memory_space<vmem>> -> memref<32x512xf32, #tpu.memory_space<vmem>>
    %dma_wait3A_282 = arith.constant 0 : i32
    %dma_wait3A_283 = tpu.memref_slice %arg4[%add3A_275, %dma_wait3A_282] : memref<16384x512xf32, #tpu.memory_space<hbm>> -> memref<32x512xf32, #tpu.memory_space<hbm>>
    %dma_wait3A_284 = tpu.memref_slice %arg8[%dma_wait3A_277] : memref<4x!tpu.dma_semaphore, #tpu.memory_space<semaphore_mem>> -> memref<1x!tpu.dma_semaphore, #tpu.memory_space<semaphore_mem>>
    %dma_wait3A_285 = tpu.memref_squeeze %dma_wait3A_284 : memref<1x!tpu.dma_semaphore, #tpu.memory_space<semaphore_mem>> -> memref<!tpu.dma_semaphore, #tpu.memory_space<semaphore_mem>>
    %dma_wait3A_286 = arith.constant 0 : i32
    %dma_wait3A_287 = tpu.memref_slice %arg4[%add3A_275, %dma_wait3A_286] : memref<16384x512xf32, #tpu.memory_space<hbm>> -> memref<32x512xf32, #tpu.memory_space<hbm>>
    %dma_wait3A_288 = arith.constant 0 : i32
    %dma_wait3A_289 = arith.constant 0 : i32
    %dma_wait3A_290 = tpu.memref_slice %arg6[%dma_wait3A_276, %dma_wait3A_288, %dma_wait3A_289] : memref<4x32x512xf32, #tpu.memory_space<vmem>> -> memref<1x32x512xf32, #tpu.memory_space<vmem>>
    %dma_wait3A_291 = tpu.memref_squeeze %dma_wait3A_290 : memref<1x32x512xf32, #tpu.memory_space<vmem>> -> memref<32x512xf32, #tpu.memory_space<vmem>>
    tpu.wait_dma2 semaphore(%dma_wait3A_285 : memref<!tpu.dma_semaphore, #tpu.memory_space<semaphore_mem>>) src(%dma_wait3A_291 : memref<32x512xf32, #tpu.memory_space<vmem>>) dst(%dma_wait3A_287 : memref<32x512xf32, #tpu.memory_space<hbm>>)
    %dma_start3A_292 = arith.constant 3 : i32
    %dma_start3A_293 = arith.constant 3 : i32
    %dma_start3A_294 = arith.constant 0 : i32
    %dma_start3A_295 = arith.constant 0 : i32
    %dma_start3A_296 = tpu.memref_slice %arg6[%dma_start3A_292, %dma_start3A_294, %dma_start3A_295] : memref<4x32x512xf32, #tpu.memory_space<vmem>> -> memref<1x32x512xf32, #tpu.memory_space<vmem>>
    %dma_start3A_297 = tpu.memref_squeeze %dma_start3A_296 : memref<1x32x512xf32, #tpu.memory_space<vmem>> -> memref<32x512xf32, #tpu.memory_space<vmem>>
    %dma_start3A_298 = arith.constant 224 : i32
    %dma_start3A_299 = tpu.memref_slice %arg5[%dma_start3A_298] : memref<512xi32, #tpu.memory_space<vmem>> -> memref<32xi32, #tpu.memory_space<vmem>>
    %dma_start3A_300 = arith.constant 0 : i32
    %dma_start3A_301 = arith.constant 0 : i32
    %dma_start3A_302 = tpu.memref_slice %arg3[%dma_start3A_300, %dma_start3A_301] : memref<168x512xf32, #tpu.memory_space<hbm>> -> memref<168x512xf32, #tpu.memory_space<hbm>>
    %dma_start3A_303 = tpu.memref_slice %arg7[%dma_start3A_293] : memref<4x!tpu.dma_semaphore, #tpu.memory_space<semaphore_mem>> -> memref<1x!tpu.dma_semaphore, #tpu.memory_space<semaphore_mem>>
    %dma_start3A_304 = tpu.memref_squeeze %dma_start3A_303 : memref<1x!tpu.dma_semaphore, #tpu.memory_space<semaphore_mem>> -> memref<!tpu.dma_semaphore, #tpu.memory_space<semaphore_mem>>
    tpu.enqueue_indirect_dma source(%dma_start3A_302 : memref<168x512xf32, #tpu.memory_space<hbm>>) target(%dma_start3A_297 : memref<32x512xf32, #tpu.memory_space<vmem>>) offsets(%dma_start3A_299 : memref<32xi32, #tpu.memory_space<vmem>>) semaphore(%dma_start3A_304 : memref<!tpu.dma_semaphore, #tpu.memory_space<semaphore_mem>>)
    %dma_wait3A_305 = arith.constant 0 : i32
    %dma_wait3A_306 = arith.constant 0 : i32
    %dma_wait3A_307 = arith.constant 0 : i32
    %dma_wait3A_308 = arith.constant 0 : i32
    %dma_wait3A_309 = tpu.memref_slice %arg6[%dma_wait3A_305, %dma_wait3A_307, %dma_wait3A_308] : memref<4x32x512xf32, #tpu.memory_space<vmem>> -> memref<1x32x512xf32, #tpu.memory_space<vmem>>
    %dma_wait3A_310 = tpu.memref_squeeze %dma_wait3A_309 : memref<1x32x512xf32, #tpu.memory_space<vmem>> -> memref<32x512xf32, #tpu.memory_space<vmem>>
    %dma_wait3A_311 = arith.constant 128 : i32
    %dma_wait3A_312 = tpu.memref_slice %arg5[%dma_wait3A_311] : memref<512xi32, #tpu.memory_space<vmem>> -> memref<32xi32, #tpu.memory_space<vmem>>
    %dma_wait3A_313 = arith.constant 0 : i32
    %dma_wait3A_314 = arith.constant 0 : i32
    %dma_wait3A_315 = tpu.memref_slice %arg3[%dma_wait3A_313, %dma_wait3A_314] : memref<168x512xf32, #tpu.memory_space<hbm>> -> memref<168x512xf32, #tpu.memory_space<hbm>>
    %dma_wait3A_316 = tpu.memref_slice %arg7[%dma_wait3A_306] : memref<4x!tpu.dma_semaphore, #tpu.memory_space<semaphore_mem>> -> memref<1x!tpu.dma_semaphore, #tpu.memory_space<semaphore_mem>>
    %dma_wait3A_317 = tpu.memref_squeeze %dma_wait3A_316 : memref<1x!tpu.dma_semaphore, #tpu.memory_space<semaphore_mem>> -> memref<!tpu.dma_semaphore, #tpu.memory_space<semaphore_mem>>
    tpu.wait_indirect_dma semaphore(%dma_wait3A_317 : memref<!tpu.dma_semaphore, #tpu.memory_space<semaphore_mem>>) src(%dma_wait3A_315 : memref<168x512xf32, #tpu.memory_space<hbm>>) dst(%dma_wait3A_310 : memref<32x512xf32, #tpu.memory_space<vmem>>)
    %add3A_318 = arith.constant 128 : i32
    %add3A_319 = arith.addi %mul3A_2, %add3A_318 : i32
    %dma_start3A_320 = arith.constant 0 : i32
    %dma_start3A_321 = arith.constant 0 : i32
    %dma_start3A_322 = arith.constant 0 : i32
    %dma_start3A_323 = arith.constant 0 : i32
    %dma_start3A_324 = tpu.memref_slice %arg6[%dma_start3A_320, %dma_start3A_322, %dma_start3A_323] : memref<4x32x512xf32, #tpu.memory_space<vmem>> -> memref<1x32x512xf32, #tpu.memory_space<vmem>>
    %dma_start3A_325 = tpu.memref_squeeze %dma_start3A_324 : memref<1x32x512xf32, #tpu.memory_space<vmem>> -> memref<32x512xf32, #tpu.memory_space<vmem>>
    %dma_start3A_326 = arith.constant 0 : i32
    %dma_start3A_327 = tpu.memref_slice %arg4[%add3A_319, %dma_start3A_326] : memref<16384x512xf32, #tpu.memory_space<hbm>> -> memref<32x512xf32, #tpu.memory_space<hbm>>
    %dma_start3A_328 = tpu.memref_slice %arg8[%dma_start3A_321] : memref<4x!tpu.dma_semaphore, #tpu.memory_space<semaphore_mem>> -> memref<1x!tpu.dma_semaphore, #tpu.memory_space<semaphore_mem>>
    %dma_start3A_329 = tpu.memref_squeeze %dma_start3A_328 : memref<1x!tpu.dma_semaphore, #tpu.memory_space<semaphore_mem>> -> memref<!tpu.dma_semaphore, #tpu.memory_space<semaphore_mem>>
    %dma_start3A_330 = arith.constant 0 : i32
    %dma_start3A_331 = tpu.memref_slice %arg4[%add3A_319, %dma_start3A_330] : memref<16384x512xf32, #tpu.memory_space<hbm>> -> memref<32x512xf32, #tpu.memory_space<hbm>>
    %dma_start3A_332 = arith.constant 0 : i32
    %dma_start3A_333 = arith.constant 0 : i32
    %dma_start3A_334 = tpu.memref_slice %arg6[%dma_start3A_320, %dma_start3A_332, %dma_start3A_333] : memref<4x32x512xf32, #tpu.memory_space<vmem>> -> memref<1x32x512xf32, #tpu.memory_space<vmem>>
    %dma_start3A_335 = tpu.memref_squeeze %dma_start3A_334 : memref<1x32x512xf32, #tpu.memory_space<vmem>> -> memref<32x512xf32, #tpu.memory_space<vmem>>
    tpu.enqueue_dma source(%dma_start3A_335 : memref<32x512xf32, #tpu.memory_space<vmem>>) target(%dma_start3A_331 : memref<32x512xf32, #tpu.memory_space<hbm>>) target_semaphore(%dma_start3A_329 : memref<!tpu.dma_semaphore, #tpu.memory_space<semaphore_mem>>)
    %add3A_336 = arith.constant 128 : i32
    %add3A_337 = arith.addi %mul3A_2, %add3A_336 : i32
    %dma_wait3A_338 = arith.constant 0 : i32
    %dma_wait3A_339 = arith.constant 0 : i32
    %dma_wait3A_340 = arith.constant 0 : i32
    %dma_wait3A_341 = arith.constant 0 : i32
    %dma_wait3A_342 = tpu.memref_slice %arg6[%dma_wait3A_338, %dma_wait3A_340, %dma_wait3A_341] : memref<4x32x512xf32, #tpu.memory_space<vmem>> -> memref<1x32x512xf32, #tpu.memory_space<vmem>>
    %dma_wait3A_343 = tpu.memref_squeeze %dma_wait3A_342 : memref<1x32x512xf32, #tpu.memory_space<vmem>> -> memref<32x512xf32, #tpu.memory_space<vmem>>
    %dma_wait3A_344 = arith.constant 0 : i32
    %dma_wait3A_345 = tpu.memref_slice %arg4[%add3A_337, %dma_wait3A_344] : memref<16384x512xf32, #tpu.memory_space<hbm>> -> memref<32x512xf32, #tpu.memory_space<hbm>>
    %dma_wait3A_346 = tpu.memref_slice %arg8[%dma_wait3A_339] : memref<4x!tpu.dma_semaphore, #tpu.memory_space<semaphore_mem>> -> memref<1x!tpu.dma_semaphore, #tpu.memory_space<semaphore_mem>>
    %dma_wait3A_347 = tpu.memref_squeeze %dma_wait3A_346 : memref<1x!tpu.dma_semaphore, #tpu.memory_space<semaphore_mem>> -> memref<!tpu.dma_semaphore, #tpu.memory_space<semaphore_mem>>
    %dma_wait3A_348 = arith.constant 0 : i32
    %dma_wait3A_349 = tpu.memref_slice %arg4[%add3A_337, %dma_wait3A_348] : memref<16384x512xf32, #tpu.memory_space<hbm>> -> memref<32x512xf32, #tpu.memory_space<hbm>>
    %dma_wait3A_350 = arith.constant 0 : i32
    %dma_wait3A_351 = arith.constant 0 : i32
    %dma_wait3A_352 = tpu.memref_slice %arg6[%dma_wait3A_338, %dma_wait3A_350, %dma_wait3A_351] : memref<4x32x512xf32, #tpu.memory_space<vmem>> -> memref<1x32x512xf32, #tpu.memory_space<vmem>>
    %dma_wait3A_353 = tpu.memref_squeeze %dma_wait3A_352 : memref<1x32x512xf32, #tpu.memory_space<vmem>> -> memref<32x512xf32, #tpu.memory_space<vmem>>
    tpu.wait_dma2 semaphore(%dma_wait3A_347 : memref<!tpu.dma_semaphore, #tpu.memory_space<semaphore_mem>>) src(%dma_wait3A_353 : memref<32x512xf32, #tpu.memory_space<vmem>>) dst(%dma_wait3A_349 : memref<32x512xf32, #tpu.memory_space<hbm>>)
    %dma_start3A_354 = arith.constant 0 : i32
    %dma_start3A_355 = arith.constant 0 : i32
    %dma_start3A_356 = arith.constant 0 : i32
    %dma_start3A_357 = arith.constant 0 : i32
    %dma_start3A_358 = tpu.memref_slice %arg6[%dma_start3A_354, %dma_start3A_356, %dma_start3A_357] : memref<4x32x512xf32, #tpu.memory_space<vmem>> -> memref<1x32x512xf32, #tpu.memory_space<vmem>>
    %dma_start3A_359 = tpu.memref_squeeze %dma_start3A_358 : memref<1x32x512xf32, #tpu.memory_space<vmem>> -> memref<32x512xf32, #tpu.memory_space<vmem>>
    %dma_start3A_360 = arith.constant 256 : i32
    %dma_start3A_361 = tpu.memref_slice %arg5[%dma_start3A_360] : memref<512xi32, #tpu.memory_space<vmem>> -> memref<32xi32, #tpu.memory_space<vmem>>
    %dma_start3A_362 = arith.constant 0 : i32
    %dma_start3A_363 = arith.constant 0 : i32
    %dma_start3A_364 = tpu.memref_slice %arg3[%dma_start3A_362, %dma_start3A_363] : memref<168x512xf32, #tpu.memory_space<hbm>> -> memref<168x512xf32, #tpu.memory_space<hbm>>
    %dma_start3A_365 = tpu.memref_slice %arg7[%dma_start3A_355] : memref<4x!tpu.dma_semaphore, #tpu.memory_space<semaphore_mem>> -> memref<1x!tpu.dma_semaphore, #tpu.memory_space<semaphore_mem>>
    %dma_start3A_366 = tpu.memref_squeeze %dma_start3A_365 : memref<1x!tpu.dma_semaphore, #tpu.memory_space<semaphore_mem>> -> memref<!tpu.dma_semaphore, #tpu.memory_space<semaphore_mem>>
    tpu.enqueue_indirect_dma source(%dma_start3A_364 : memref<168x512xf32, #tpu.memory_space<hbm>>) target(%dma_start3A_359 : memref<32x512xf32, #tpu.memory_space<vmem>>) offsets(%dma_start3A_361 : memref<32xi32, #tpu.memory_space<vmem>>) semaphore(%dma_start3A_366 : memref<!tpu.dma_semaphore, #tpu.memory_space<semaphore_mem>>)
    %dma_wait3A_367 = arith.constant 1 : i32
    %dma_wait3A_368 = arith.constant 1 : i32
    %dma_wait3A_369 = arith.constant 0 : i32
    %dma_wait3A_370 = arith.constant 0 : i32
    %dma_wait3A_371 = tpu.memref_slice %arg6[%dma_wait3A_367, %dma_wait3A_369, %dma_wait3A_370] : memref<4x32x512xf32, #tpu.memory_space<vmem>> -> memref<1x32x512xf32, #tpu.memory_space<vmem>>
    %dma_wait3A_372 = tpu.memref_squeeze %dma_wait3A_371 : memref<1x32x512xf32, #tpu.memory_space<vmem>> -> memref<32x512xf32, #tpu.memory_space<vmem>>
    %dma_wait3A_373 = arith.constant 160 : i32
    %dma_wait3A_374 = tpu.memref_slice %arg5[%dma_wait3A_373] : memref<512xi32, #tpu.memory_space<vmem>> -> memref<32xi32, #tpu.memory_space<vmem>>
    %dma_wait3A_375 = arith.constant 0 : i32
    %dma_wait3A_376 = arith.constant 0 : i32
    %dma_wait3A_377 = tpu.memref_slice %arg3[%dma_wait3A_375, %dma_wait3A_376] : memref<168x512xf32, #tpu.memory_space<hbm>> -> memref<168x512xf32, #tpu.memory_space<hbm>>
    %dma_wait3A_378 = tpu.memref_slice %arg7[%dma_wait3A_368] : memref<4x!tpu.dma_semaphore, #tpu.memory_space<semaphore_mem>> -> memref<1x!tpu.dma_semaphore, #tpu.memory_space<semaphore_mem>>
    %dma_wait3A_379 = tpu.memref_squeeze %dma_wait3A_378 : memref<1x!tpu.dma_semaphore, #tpu.memory_space<semaphore_mem>> -> memref<!tpu.dma_semaphore, #tpu.memory_space<semaphore_mem>>
    tpu.wait_indirect_dma semaphore(%dma_wait3A_379 : memref<!tpu.dma_semaphore, #tpu.memory_space<semaphore_mem>>) src(%dma_wait3A_377 : memref<168x512xf32, #tpu.memory_space<hbm>>) dst(%dma_wait3A_372 : memref<32x512xf32, #tpu.memory_space<vmem>>)
    %add3A_380 = arith.constant 160 : i32
    %add3A_381 = arith.addi %mul3A_2, %add3A_380 : i32
    %dma_start3A_382 = arith.constant 1 : i32
    %dma_start3A_383 = arith.constant 1 : i32
    %dma_start3A_384 = arith.constant 0 : i32
    %dma_start3A_385 = arith.constant 0 : i32
    %dma_start3A_386 = tpu.memref_slice %arg6[%dma_start3A_382, %dma_start3A_384, %dma_start3A_385] : memref<4x32x512xf32, #tpu.memory_space<vmem>> -> memref<1x32x512xf32, #tpu.memory_space<vmem>>
    %dma_start3A_387 = tpu.memref_squeeze %dma_start3A_386 : memref<1x32x512xf32, #tpu.memory_space<vmem>> -> memref<32x512xf32, #tpu.memory_space<vmem>>
    %dma_start3A_388 = arith.constant 0 : i32
    %dma_start3A_389 = tpu.memref_slice %arg4[%add3A_381, %dma_start3A_388] : memref<16384x512xf32, #tpu.memory_space<hbm>> -> memref<32x512xf32, #tpu.memory_space<hbm>>
    %dma_start3A_390 = tpu.memref_slice %arg8[%dma_start3A_383] : memref<4x!tpu.dma_semaphore, #tpu.memory_space<semaphore_mem>> -> memref<1x!tpu.dma_semaphore, #tpu.memory_space<semaphore_mem>>
    %dma_start3A_391 = tpu.memref_squeeze %dma_start3A_390 : memref<1x!tpu.dma_semaphore, #tpu.memory_space<semaphore_mem>> -> memref<!tpu.dma_semaphore, #tpu.memory_space<semaphore_mem>>
    %dma_start3A_392 = arith.constant 0 : i32
    %dma_start3A_393 = tpu.memref_slice %arg4[%add3A_381, %dma_start3A_392] : memref<16384x512xf32, #tpu.memory_space<hbm>> -> memref<32x512xf32, #tpu.memory_space<hbm>>
    %dma_start3A_394 = arith.constant 0 : i32
    %dma_start3A_395 = arith.constant 0 : i32
    %dma_start3A_396 = tpu.memref_slice %arg6[%dma_start3A_382, %dma_start3A_394, %dma_start3A_395] : memref<4x32x512xf32, #tpu.memory_space<vmem>> -> memref<1x32x512xf32, #tpu.memory_space<vmem>>
    %dma_start3A_397 = tpu.memref_squeeze %dma_start3A_396 : memref<1x32x512xf32, #tpu.memory_space<vmem>> -> memref<32x512xf32, #tpu.memory_space<vmem>>
    tpu.enqueue_dma source(%dma_start3A_397 : memref<32x512xf32, #tpu.memory_space<vmem>>) target(%dma_start3A_393 : memref<32x512xf32, #tpu.memory_space<hbm>>) target_semaphore(%dma_start3A_391 : memref<!tpu.dma_semaphore, #tpu.memory_space<semaphore_mem>>)
    %add3A_398 = arith.constant 160 : i32
    %add3A_399 = arith.addi %mul3A_2, %add3A_398 : i32
    %dma_wait3A_400 = arith.constant 1 : i32
    %dma_wait3A_401 = arith.constant 1 : i32
    %dma_wait3A_402 = arith.constant 0 : i32
    %dma_wait3A_403 = arith.constant 0 : i32
    %dma_wait3A_404 = tpu.memref_slice %arg6[%dma_wait3A_400, %dma_wait3A_402, %dma_wait3A_403] : memref<4x32x512xf32, #tpu.memory_space<vmem>> -> memref<1x32x512xf32, #tpu.memory_space<vmem>>
    %dma_wait3A_405 = tpu.memref_squeeze %dma_wait3A_404 : memref<1x32x512xf32, #tpu.memory_space<vmem>> -> memref<32x512xf32, #tpu.memory_space<vmem>>
    %dma_wait3A_406 = arith.constant 0 : i32
    %dma_wait3A_407 = tpu.memref_slice %arg4[%add3A_399, %dma_wait3A_406] : memref<16384x512xf32, #tpu.memory_space<hbm>> -> memref<32x512xf32, #tpu.memory_space<hbm>>
    %dma_wait3A_408 = tpu.memref_slice %arg8[%dma_wait3A_401] : memref<4x!tpu.dma_semaphore, #tpu.memory_space<semaphore_mem>> -> memref<1x!tpu.dma_semaphore, #tpu.memory_space<semaphore_mem>>
    %dma_wait3A_409 = tpu.memref_squeeze %dma_wait3A_408 : memref<1x!tpu.dma_semaphore, #tpu.memory_space<semaphore_mem>> -> memref<!tpu.dma_semaphore, #tpu.memory_space<semaphore_mem>>
    %dma_wait3A_410 = arith.constant 0 : i32
    %dma_wait3A_411 = tpu.memref_slice %arg4[%add3A_399, %dma_wait3A_410] : memref<16384x512xf32, #tpu.memory_space<hbm>> -> memref<32x512xf32, #tpu.memory_space<hbm>>
    %dma_wait3A_412 = arith.constant 0 : i32
    %dma_wait3A_413 = arith.constant 0 : i32
    %dma_wait3A_414 = tpu.memref_slice %arg6[%dma_wait3A_400, %dma_wait3A_412, %dma_wait3A_413] : memref<4x32x512xf32, #tpu.memory_space<vmem>> -> memref<1x32x512xf32, #tpu.memory_space<vmem>>
    %dma_wait3A_415 = tpu.memref_squeeze %dma_wait3A_414 : memref<1x32x512xf32, #tpu.memory_space<vmem>> -> memref<32x512xf32, #tpu.memory_space<vmem>>
    tpu.wait_dma2 semaphore(%dma_wait3A_409 : memref<!tpu.dma_semaphore, #tpu.memory_space<semaphore_mem>>) src(%dma_wait3A_415 : memref<32x512xf32, #tpu.memory_space<vmem>>) dst(%dma_wait3A_411 : memref<32x512xf32, #tpu.memory_space<hbm>>)
    %dma_start3A_416 = arith.constant 1 : i32
    %dma_start3A_417 = arith.constant 1 : i32
    %dma_start3A_418 = arith.constant 0 : i32
    %dma_start3A_419 = arith.constant 0 : i32
    %dma_start3A_420 = tpu.memref_slice %arg6[%dma_start3A_416, %dma_start3A_418, %dma_start3A_419] : memref<4x32x512xf32, #tpu.memory_space<vmem>> -> memref<1x32x512xf32, #tpu.memory_space<vmem>>
    %dma_start3A_421 = tpu.memref_squeeze %dma_start3A_420 : memref<1x32x512xf32, #tpu.memory_space<vmem>> -> memref<32x512xf32, #tpu.memory_space<vmem>>
    %dma_start3A_422 = arith.constant 288 : i32
    %dma_start3A_423 = tpu.memref_slice %arg5[%dma_start3A_422] : memref<512xi32, #tpu.memory_space<vmem>> -> memref<32xi32, #tpu.memory_space<vmem>>
    %dma_start3A_424 = arith.constant 0 : i32
    %dma_start3A_425 = arith.constant 0 : i32
    %dma_start3A_426 = tpu.memref_slice %arg3[%dma_start3A_424, %dma_start3A_425] : memref<168x512xf32, #tpu.memory_space<hbm>> -> memref<168x512xf32, #tpu.memory_space<hbm>>
    %dma_start3A_427 = tpu.memref_slice %arg7[%dma_start3A_417] : memref<4x!tpu.dma_semaphore, #tpu.memory_space<semaphore_mem>> -> memref<1x!tpu.dma_semaphore, #tpu.memory_space<semaphore_mem>>
    %dma_start3A_428 = tpu.memref_squeeze %dma_start3A_427 : memref<1x!tpu.dma_semaphore, #tpu.memory_space<semaphore_mem>> -> memref<!tpu.dma_semaphore, #tpu.memory_space<semaphore_mem>>
    tpu.enqueue_indirect_dma source(%dma_start3A_426 : memref<168x512xf32, #tpu.memory_space<hbm>>) target(%dma_start3A_421 : memref<32x512xf32, #tpu.memory_space<vmem>>) offsets(%dma_start3A_423 : memref<32xi32, #tpu.memory_space<vmem>>) semaphore(%dma_start3A_428 : memref<!tpu.dma_semaphore, #tpu.memory_space<semaphore_mem>>)
    %dma_wait3A_429 = arith.constant 2 : i32
    %dma_wait3A_430 = arith.constant 2 : i32
    %dma_wait3A_431 = arith.constant 0 : i32
    %dma_wait3A_432 = arith.constant 0 : i32
    %dma_wait3A_433 = tpu.memref_slice %arg6[%dma_wait3A_429, %dma_wait3A_431, %dma_wait3A_432] : memref<4x32x512xf32, #tpu.memory_space<vmem>> -> memref<1x32x512xf32, #tpu.memory_space<vmem>>
    %dma_wait3A_434 = tpu.memref_squeeze %dma_wait3A_433 : memref<1x32x512xf32, #tpu.memory_space<vmem>> -> memref<32x512xf32, #tpu.memory_space<vmem>>
    %dma_wait3A_435 = arith.constant 192 : i32
    %dma_wait3A_436 = tpu.memref_slice %arg5[%dma_wait3A_435] : memref<512xi32, #tpu.memory_space<vmem>> -> memref<32xi32, #tpu.memory_space<vmem>>
    %dma_wait3A_437 = arith.constant 0 : i32
    %dma_wait3A_438 = arith.constant 0 : i32
    %dma_wait3A_439 = tpu.memref_slice %arg3[%dma_wait3A_437, %dma_wait3A_438] : memref<168x512xf32, #tpu.memory_space<hbm>> -> memref<168x512xf32, #tpu.memory_space<hbm>>
    %dma_wait3A_440 = tpu.memref_slice %arg7[%dma_wait3A_430] : memref<4x!tpu.dma_semaphore, #tpu.memory_space<semaphore_mem>> -> memref<1x!tpu.dma_semaphore, #tpu.memory_space<semaphore_mem>>
    %dma_wait3A_441 = tpu.memref_squeeze %dma_wait3A_440 : memref<1x!tpu.dma_semaphore, #tpu.memory_space<semaphore_mem>> -> memref<!tpu.dma_semaphore, #tpu.memory_space<semaphore_mem>>
    tpu.wait_indirect_dma semaphore(%dma_wait3A_441 : memref<!tpu.dma_semaphore, #tpu.memory_space<semaphore_mem>>) src(%dma_wait3A_439 : memref<168x512xf32, #tpu.memory_space<hbm>>) dst(%dma_wait3A_434 : memref<32x512xf32, #tpu.memory_space<vmem>>)
    %add3A_442 = arith.constant 192 : i32
    %add3A_443 = arith.addi %mul3A_2, %add3A_442 : i32
    %dma_start3A_444 = arith.constant 2 : i32
    %dma_start3A_445 = arith.constant 2 : i32
    %dma_start3A_446 = arith.constant 0 : i32
    %dma_start3A_447 = arith.constant 0 : i32
    %dma_start3A_448 = tpu.memref_slice %arg6[%dma_start3A_444, %dma_start3A_446, %dma_start3A_447] : memref<4x32x512xf32, #tpu.memory_space<vmem>> -> memref<1x32x512xf32, #tpu.memory_space<vmem>>
    %dma_start3A_449 = tpu.memref_squeeze %dma_start3A_448 : memref<1x32x512xf32, #tpu.memory_space<vmem>> -> memref<32x512xf32, #tpu.memory_space<vmem>>
    %dma_start3A_450 = arith.constant 0 : i32
    %dma_start3A_451 = tpu.memref_slice %arg4[%add3A_443, %dma_start3A_450] : memref<16384x512xf32, #tpu.memory_space<hbm>> -> memref<32x512xf32, #tpu.memory_space<hbm>>
    %dma_start3A_452 = tpu.memref_slice %arg8[%dma_start3A_445] : memref<4x!tpu.dma_semaphore, #tpu.memory_space<semaphore_mem>> -> memref<1x!tpu.dma_semaphore, #tpu.memory_space<semaphore_mem>>
    %dma_start3A_453 = tpu.memref_squeeze %dma_start3A_452 : memref<1x!tpu.dma_semaphore, #tpu.memory_space<semaphore_mem>> -> memref<!tpu.dma_semaphore, #tpu.memory_space<semaphore_mem>>
    %dma_start3A_454 = arith.constant 0 : i32
    %dma_start3A_455 = tpu.memref_slice %arg4[%add3A_443, %dma_start3A_454] : memref<16384x512xf32, #tpu.memory_space<hbm>> -> memref<32x512xf32, #tpu.memory_space<hbm>>
    %dma_start3A_456 = arith.constant 0 : i32
    %dma_start3A_457 = arith.constant 0 : i32
    %dma_start3A_458 = tpu.memref_slice %arg6[%dma_start3A_444, %dma_start3A_456, %dma_start3A_457] : memref<4x32x512xf32, #tpu.memory_space<vmem>> -> memref<1x32x512xf32, #tpu.memory_space<vmem>>
    %dma_start3A_459 = tpu.memref_squeeze %dma_start3A_458 : memref<1x32x512xf32, #tpu.memory_space<vmem>> -> memref<32x512xf32, #tpu.memory_space<vmem>>
    tpu.enqueue_dma source(%dma_start3A_459 : memref<32x512xf32, #tpu.memory_space<vmem>>) target(%dma_start3A_455 : memref<32x512xf32, #tpu.memory_space<hbm>>) target_semaphore(%dma_start3A_453 : memref<!tpu.dma_semaphore, #tpu.memory_space<semaphore_mem>>)
    %add3A_460 = arith.constant 192 : i32
    %add3A_461 = arith.addi %mul3A_2, %add3A_460 : i32
    %dma_wait3A_462 = arith.constant 2 : i32
    %dma_wait3A_463 = arith.constant 2 : i32
    %dma_wait3A_464 = arith.constant 0 : i32
    %dma_wait3A_465 = arith.constant 0 : i32
    %dma_wait3A_466 = tpu.memref_slice %arg6[%dma_wait3A_462, %dma_wait3A_464, %dma_wait3A_465] : memref<4x32x512xf32, #tpu.memory_space<vmem>> -> memref<1x32x512xf32, #tpu.memory_space<vmem>>
    %dma_wait3A_467 = tpu.memref_squeeze %dma_wait3A_466 : memref<1x32x512xf32, #tpu.memory_space<vmem>> -> memref<32x512xf32, #tpu.memory_space<vmem>>
    %dma_wait3A_468 = arith.constant 0 : i32
    %dma_wait3A_469 = tpu.memref_slice %arg4[%add3A_461, %dma_wait3A_468] : memref<16384x512xf32, #tpu.memory_space<hbm>> -> memref<32x512xf32, #tpu.memory_space<hbm>>
    %dma_wait3A_470 = tpu.memref_slice %arg8[%dma_wait3A_463] : memref<4x!tpu.dma_semaphore, #tpu.memory_space<semaphore_mem>> -> memref<1x!tpu.dma_semaphore, #tpu.memory_space<semaphore_mem>>
    %dma_wait3A_471 = tpu.memref_squeeze %dma_wait3A_470 : memref<1x!tpu.dma_semaphore, #tpu.memory_space<semaphore_mem>> -> memref<!tpu.dma_semaphore, #tpu.memory_space<semaphore_mem>>
    %dma_wait3A_472 = arith.constant 0 : i32
    %dma_wait3A_473 = tpu.memref_slice %arg4[%add3A_461, %dma_wait3A_472] : memref<16384x512xf32, #tpu.memory_space<hbm>> -> memref<32x512xf32, #tpu.memory_space<hbm>>
    %dma_wait3A_474 = arith.constant 0 : i32
    %dma_wait3A_475 = arith.constant 0 : i32
    %dma_wait3A_476 = tpu.memref_slice %arg6[%dma_wait3A_462, %dma_wait3A_474, %dma_wait3A_475] : memref<4x32x512xf32, #tpu.memory_space<vmem>> -> memref<1x32x512xf32, #tpu.memory_space<vmem>>
    %dma_wait3A_477 = tpu.memref_squeeze %dma_wait3A_476 : memref<1x32x512xf32, #tpu.memory_space<vmem>> -> memref<32x512xf32, #tpu.memory_space<vmem>>
    tpu.wait_dma2 semaphore(%dma_wait3A_471 : memref<!tpu.dma_semaphore, #tpu.memory_space<semaphore_mem>>) src(%dma_wait3A_477 : memref<32x512xf32, #tpu.memory_space<vmem>>) dst(%dma_wait3A_473 : memref<32x512xf32, #tpu.memory_space<hbm>>)
    %dma_start3A_478 = arith.constant 2 : i32
    %dma_start3A_479 = arith.constant 2 : i32
    %dma_start3A_480 = arith.constant 0 : i32
    %dma_start3A_481 = arith.constant 0 : i32
    %dma_start3A_482 = tpu.memref_slice %arg6[%dma_start3A_478, %dma_start3A_480, %dma_start3A_481] : memref<4x32x512xf32, #tpu.memory_space<vmem>> -> memref<1x32x512xf32, #tpu.memory_space<vmem>>
    %dma_start3A_483 = tpu.memref_squeeze %dma_start3A_482 : memref<1x32x512xf32, #tpu.memory_space<vmem>> -> memref<32x512xf32, #tpu.memory_space<vmem>>
    %dma_start3A_484 = arith.constant 320 : i32
    %dma_start3A_485 = tpu.memref_slice %arg5[%dma_start3A_484] : memref<512xi32, #tpu.memory_space<vmem>> -> memref<32xi32, #tpu.memory_space<vmem>>
    %dma_start3A_486 = arith.constant 0 : i32
    %dma_start3A_487 = arith.constant 0 : i32
    %dma_start3A_488 = tpu.memref_slice %arg3[%dma_start3A_486, %dma_start3A_487] : memref<168x512xf32, #tpu.memory_space<hbm>> -> memref<168x512xf32, #tpu.memory_space<hbm>>
    %dma_start3A_489 = tpu.memref_slice %arg7[%dma_start3A_479] : memref<4x!tpu.dma_semaphore, #tpu.memory_space<semaphore_mem>> -> memref<1x!tpu.dma_semaphore, #tpu.memory_space<semaphore_mem>>
    %dma_start3A_490 = tpu.memref_squeeze %dma_start3A_489 : memref<1x!tpu.dma_semaphore, #tpu.memory_space<semaphore_mem>> -> memref<!tpu.dma_semaphore, #tpu.memory_space<semaphore_mem>>
    tpu.enqueue_indirect_dma source(%dma_start3A_488 : memref<168x512xf32, #tpu.memory_space<hbm>>) target(%dma_start3A_483 : memref<32x512xf32, #tpu.memory_space<vmem>>) offsets(%dma_start3A_485 : memref<32xi32, #tpu.memory_space<vmem>>) semaphore(%dma_start3A_490 : memref<!tpu.dma_semaphore, #tpu.memory_space<semaphore_mem>>)
    %dma_wait3A_491 = arith.constant 3 : i32
    %dma_wait3A_492 = arith.constant 3 : i32
    %dma_wait3A_493 = arith.constant 0 : i32
    %dma_wait3A_494 = arith.constant 0 : i32
    %dma_wait3A_495 = tpu.memref_slice %arg6[%dma_wait3A_491, %dma_wait3A_493, %dma_wait3A_494] : memref<4x32x512xf32, #tpu.memory_space<vmem>> -> memref<1x32x512xf32, #tpu.memory_space<vmem>>
    %dma_wait3A_496 = tpu.memref_squeeze %dma_wait3A_495 : memref<1x32x512xf32, #tpu.memory_space<vmem>> -> memref<32x512xf32, #tpu.memory_space<vmem>>
    %dma_wait3A_497 = arith.constant 224 : i32
    %dma_wait3A_498 = tpu.memref_slice %arg5[%dma_wait3A_497] : memref<512xi32, #tpu.memory_space<vmem>> -> memref<32xi32, #tpu.memory_space<vmem>>
    %dma_wait3A_499 = arith.constant 0 : i32
    %dma_wait3A_500 = arith.constant 0 : i32
    %dma_wait3A_501 = tpu.memref_slice %arg3[%dma_wait3A_499, %dma_wait3A_500] : memref<168x512xf32, #tpu.memory_space<hbm>> -> memref<168x512xf32, #tpu.memory_space<hbm>>
    %dma_wait3A_502 = tpu.memref_slice %arg7[%dma_wait3A_492] : memref<4x!tpu.dma_semaphore, #tpu.memory_space<semaphore_mem>> -> memref<1x!tpu.dma_semaphore, #tpu.memory_space<semaphore_mem>>
    %dma_wait3A_503 = tpu.memref_squeeze %dma_wait3A_502 : memref<1x!tpu.dma_semaphore, #tpu.memory_space<semaphore_mem>> -> memref<!tpu.dma_semaphore, #tpu.memory_space<semaphore_mem>>
    tpu.wait_indirect_dma semaphore(%dma_wait3A_503 : memref<!tpu.dma_semaphore, #tpu.memory_space<semaphore_mem>>) src(%dma_wait3A_501 : memref<168x512xf32, #tpu.memory_space<hbm>>) dst(%dma_wait3A_496 : memref<32x512xf32, #tpu.memory_space<vmem>>)
    %add3A_504 = arith.constant 224 : i32
    %add3A_505 = arith.addi %mul3A_2, %add3A_504 : i32
    %dma_start3A_506 = arith.constant 3 : i32
    %dma_start3A_507 = arith.constant 3 : i32
    %dma_start3A_508 = arith.constant 0 : i32
    %dma_start3A_509 = arith.constant 0 : i32
    %dma_start3A_510 = tpu.memref_slice %arg6[%dma_start3A_506, %dma_start3A_508, %dma_start3A_509] : memref<4x32x512xf32, #tpu.memory_space<vmem>> -> memref<1x32x512xf32, #tpu.memory_space<vmem>>
    %dma_start3A_511 = tpu.memref_squeeze %dma_start3A_510 : memref<1x32x512xf32, #tpu.memory_space<vmem>> -> memref<32x512xf32, #tpu.memory_space<vmem>>
    %dma_start3A_512 = arith.constant 0 : i32
    %dma_start3A_513 = tpu.memref_slice %arg4[%add3A_505, %dma_start3A_512] : memref<16384x512xf32, #tpu.memory_space<hbm>> -> memref<32x512xf32, #tpu.memory_space<hbm>>
    %dma_start3A_514 = tpu.memref_slice %arg8[%dma_start3A_507] : memref<4x!tpu.dma_semaphore, #tpu.memory_space<semaphore_mem>> -> memref<1x!tpu.dma_semaphore, #tpu.memory_space<semaphore_mem>>
    %dma_start3A_515 = tpu.memref_squeeze %dma_start3A_514 : memref<1x!tpu.dma_semaphore, #tpu.memory_space<semaphore_mem>> -> memref<!tpu.dma_semaphore, #tpu.memory_space<semaphore_mem>>
    %dma_start3A_516 = arith.constant 0 : i32
    %dma_start3A_517 = tpu.memref_slice %arg4[%add3A_505, %dma_start3A_516] : memref<16384x512xf32, #tpu.memory_space<hbm>> -> memref<32x512xf32, #tpu.memory_space<hbm>>
    %dma_start3A_518 = arith.constant 0 : i32
    %dma_start3A_519 = arith.constant 0 : i32
    %dma_start3A_520 = tpu.memref_slice %arg6[%dma_start3A_506, %dma_start3A_518, %dma_start3A_519] : memref<4x32x512xf32, #tpu.memory_space<vmem>> -> memref<1x32x512xf32, #tpu.memory_space<vmem>>
    %dma_start3A_521 = tpu.memref_squeeze %dma_start3A_520 : memref<1x32x512xf32, #tpu.memory_space<vmem>> -> memref<32x512xf32, #tpu.memory_space<vmem>>
    tpu.enqueue_dma source(%dma_start3A_521 : memref<32x512xf32, #tpu.memory_space<vmem>>) target(%dma_start3A_517 : memref<32x512xf32, #tpu.memory_space<hbm>>) target_semaphore(%dma_start3A_515 : memref<!tpu.dma_semaphore, #tpu.memory_space<semaphore_mem>>)
    %add3A_522 = arith.constant 224 : i32
    %add3A_523 = arith.addi %mul3A_2, %add3A_522 : i32
    %dma_wait3A_524 = arith.constant 3 : i32
    %dma_wait3A_525 = arith.constant 3 : i32
    %dma_wait3A_526 = arith.constant 0 : i32
    %dma_wait3A_527 = arith.constant 0 : i32
    %dma_wait3A_528 = tpu.memref_slice %arg6[%dma_wait3A_524, %dma_wait3A_526, %dma_wait3A_527] : memref<4x32x512xf32, #tpu.memory_space<vmem>> -> memref<1x32x512xf32, #tpu.memory_space<vmem>>
    %dma_wait3A_529 = tpu.memref_squeeze %dma_wait3A_528 : memref<1x32x512xf32, #tpu.memory_space<vmem>> -> memref<32x512xf32, #tpu.memory_space<vmem>>
    %dma_wait3A_530 = arith.constant 0 : i32
    %dma_wait3A_531 = tpu.memref_slice %arg4[%add3A_523, %dma_wait3A_530] : memref<16384x512xf32, #tpu.memory_space<hbm>> -> memref<32x512xf32, #tpu.memory_space<hbm>>
    %dma_wait3A_532 = tpu.memref_slice %arg8[%dma_wait3A_525] : memref<4x!tpu.dma_semaphore, #tpu.memory_space<semaphore_mem>> -> memref<1x!tpu.dma_semaphore, #tpu.memory_space<semaphore_mem>>
    %dma_wait3A_533 = tpu.memref_squeeze %dma_wait3A_532 : memref<1x!tpu.dma_semaphore, #tpu.memory_space<semaphore_mem>> -> memref<!tpu.dma_semaphore, #tpu.memory_space<semaphore_mem>>
    %dma_wait3A_534 = arith.constant 0 : i32
    %dma_wait3A_535 = tpu.memref_slice %arg4[%add3A_523, %dma_wait3A_534] : memref<16384x512xf32, #tpu.memory_space<hbm>> -> memref<32x512xf32, #tpu.memory_space<hbm>>
    %dma_wait3A_536 = arith.constant 0 : i32
    %dma_wait3A_537 = arith.constant 0 : i32
    %dma_wait3A_538 = tpu.memref_slice %arg6[%dma_wait3A_524, %dma_wait3A_536, %dma_wait3A_537] : memref<4x32x512xf32, #tpu.memory_space<vmem>> -> memref<1x32x512xf32, #tpu.memory_space<vmem>>
    %dma_wait3A_539 = tpu.memref_squeeze %dma_wait3A_538 : memref<1x32x512xf32, #tpu.memory_space<vmem>> -> memref<32x512xf32, #tpu.memory_space<vmem>>
    tpu.wait_dma2 semaphore(%dma_wait3A_533 : memref<!tpu.dma_semaphore, #tpu.memory_space<semaphore_mem>>) src(%dma_wait3A_539 : memref<32x512xf32, #tpu.memory_space<vmem>>) dst(%dma_wait3A_535 : memref<32x512xf32, #tpu.memory_space<hbm>>)
    %dma_start3A_540 = arith.constant 3 : i32
    %dma_start3A_541 = arith.constant 3 : i32
    %dma_start3A_542 = arith.constant 0 : i32
    %dma_start3A_543 = arith.constant 0 : i32
    %dma_start3A_544 = tpu.memref_slice %arg6[%dma_start3A_540, %dma_start3A_542, %dma_start3A_543] : memref<4x32x512xf32, #tpu.memory_space<vmem>> -> memref<1x32x512xf32, #tpu.memory_space<vmem>>
    %dma_start3A_545 = tpu.memref_squeeze %dma_start3A_544 : memref<1x32x512xf32, #tpu.memory_space<vmem>> -> memref<32x512xf32, #tpu.memory_space<vmem>>
    %dma_start3A_546 = arith.constant 352 : i32
    %dma_start3A_547 = tpu.memref_slice %arg5[%dma_start3A_546] : memref<512xi32, #tpu.memory_space<vmem>> -> memref<32xi32, #tpu.memory_space<vmem>>
    %dma_start3A_548 = arith.constant 0 : i32
    %dma_start3A_549 = arith.constant 0 : i32
    %dma_start3A_550 = tpu.memref_slice %arg3[%dma_start3A_548, %dma_start3A_549] : memref<168x512xf32, #tpu.memory_space<hbm>> -> memref<168x512xf32, #tpu.memory_space<hbm>>
    %dma_start3A_551 = tpu.memref_slice %arg7[%dma_start3A_541] : memref<4x!tpu.dma_semaphore, #tpu.memory_space<semaphore_mem>> -> memref<1x!tpu.dma_semaphore, #tpu.memory_space<semaphore_mem>>
    %dma_start3A_552 = tpu.memref_squeeze %dma_start3A_551 : memref<1x!tpu.dma_semaphore, #tpu.memory_space<semaphore_mem>> -> memref<!tpu.dma_semaphore, #tpu.memory_space<semaphore_mem>>
    tpu.enqueue_indirect_dma source(%dma_start3A_550 : memref<168x512xf32, #tpu.memory_space<hbm>>) target(%dma_start3A_545 : memref<32x512xf32, #tpu.memory_space<vmem>>) offsets(%dma_start3A_547 : memref<32xi32, #tpu.memory_space<vmem>>) semaphore(%dma_start3A_552 : memref<!tpu.dma_semaphore, #tpu.memory_space<semaphore_mem>>)
    %dma_wait3A_553 = arith.constant 0 : i32
    %dma_wait3A_554 = arith.constant 0 : i32
    %dma_wait3A_555 = arith.constant 0 : i32
    %dma_wait3A_556 = arith.constant 0 : i32
    %dma_wait3A_557 = tpu.memref_slice %arg6[%dma_wait3A_553, %dma_wait3A_555, %dma_wait3A_556] : memref<4x32x512xf32, #tpu.memory_space<vmem>> -> memref<1x32x512xf32, #tpu.memory_space<vmem>>
    %dma_wait3A_558 = tpu.memref_squeeze %dma_wait3A_557 : memref<1x32x512xf32, #tpu.memory_space<vmem>> -> memref<32x512xf32, #tpu.memory_space<vmem>>
    %dma_wait3A_559 = arith.constant 256 : i32
    %dma_wait3A_560 = tpu.memref_slice %arg5[%dma_wait3A_559] : memref<512xi32, #tpu.memory_space<vmem>> -> memref<32xi32, #tpu.memory_space<vmem>>
    %dma_wait3A_561 = arith.constant 0 : i32
    %dma_wait3A_562 = arith.constant 0 : i32
    %dma_wait3A_563 = tpu.memref_slice %arg3[%dma_wait3A_561, %dma_wait3A_562] : memref<168x512xf32, #tpu.memory_space<hbm>> -> memref<168x512xf32, #tpu.memory_space<hbm>>
    %dma_wait3A_564 = tpu.memref_slice %arg7[%dma_wait3A_554] : memref<4x!tpu.dma_semaphore, #tpu.memory_space<semaphore_mem>> -> memref<1x!tpu.dma_semaphore, #tpu.memory_space<semaphore_mem>>
    %dma_wait3A_565 = tpu.memref_squeeze %dma_wait3A_564 : memref<1x!tpu.dma_semaphore, #tpu.memory_space<semaphore_mem>> -> memref<!tpu.dma_semaphore, #tpu.memory_space<semaphore_mem>>
    tpu.wait_indirect_dma semaphore(%dma_wait3A_565 : memref<!tpu.dma_semaphore, #tpu.memory_space<semaphore_mem>>) src(%dma_wait3A_563 : memref<168x512xf32, #tpu.memory_space<hbm>>) dst(%dma_wait3A_558 : memref<32x512xf32, #tpu.memory_space<vmem>>)
    %add3A_566 = arith.constant 256 : i32
    %add3A_567 = arith.addi %mul3A_2, %add3A_566 : i32
    %dma_start3A_568 = arith.constant 0 : i32
    %dma_start3A_569 = arith.constant 0 : i32
    %dma_start3A_570 = arith.constant 0 : i32
    %dma_start3A_571 = arith.constant 0 : i32
    %dma_start3A_572 = tpu.memref_slice %arg6[%dma_start3A_568, %dma_start3A_570, %dma_start3A_571] : memref<4x32x512xf32, #tpu.memory_space<vmem>> -> memref<1x32x512xf32, #tpu.memory_space<vmem>>
    %dma_start3A_573 = tpu.memref_squeeze %dma_start3A_572 : memref<1x32x512xf32, #tpu.memory_space<vmem>> -> memref<32x512xf32, #tpu.memory_space<vmem>>
    %dma_start3A_574 = arith.constant 0 : i32
    %dma_start3A_575 = tpu.memref_slice %arg4[%add3A_567, %dma_start3A_574] : memref<16384x512xf32, #tpu.memory_space<hbm>> -> memref<32x512xf32, #tpu.memory_space<hbm>>
    %dma_start3A_576 = tpu.memref_slice %arg8[%dma_start3A_569] : memref<4x!tpu.dma_semaphore, #tpu.memory_space<semaphore_mem>> -> memref<1x!tpu.dma_semaphore, #tpu.memory_space<semaphore_mem>>
    %dma_start3A_577 = tpu.memref_squeeze %dma_start3A_576 : memref<1x!tpu.dma_semaphore, #tpu.memory_space<semaphore_mem>> -> memref<!tpu.dma_semaphore, #tpu.memory_space<semaphore_mem>>
    %dma_start3A_578 = arith.constant 0 : i32
    %dma_start3A_579 = tpu.memref_slice %arg4[%add3A_567, %dma_start3A_578] : memref<16384x512xf32, #tpu.memory_space<hbm>> -> memref<32x512xf32, #tpu.memory_space<hbm>>
    %dma_start3A_580 = arith.constant 0 : i32
    %dma_start3A_581 = arith.constant 0 : i32
    %dma_start3A_582 = tpu.memref_slice %arg6[%dma_start3A_568, %dma_start3A_580, %dma_start3A_581] : memref<4x32x512xf32, #tpu.memory_space<vmem>> -> memref<1x32x512xf32, #tpu.memory_space<vmem>>
    %dma_start3A_583 = tpu.memref_squeeze %dma_start3A_582 : memref<1x32x512xf32, #tpu.memory_space<vmem>> -> memref<32x512xf32, #tpu.memory_space<vmem>>
    tpu.enqueue_dma source(%dma_start3A_583 : memref<32x512xf32, #tpu.memory_space<vmem>>) target(%dma_start3A_579 : memref<32x512xf32, #tpu.memory_space<hbm>>) target_semaphore(%dma_start3A_577 : memref<!tpu.dma_semaphore, #tpu.memory_space<semaphore_mem>>)
    %add3A_584 = arith.constant 256 : i32
    %add3A_585 = arith.addi %mul3A_2, %add3A_584 : i32
    %dma_wait3A_586 = arith.constant 0 : i32
    %dma_wait3A_587 = arith.constant 0 : i32
    %dma_wait3A_588 = arith.constant 0 : i32
    %dma_wait3A_589 = arith.constant 0 : i32
    %dma_wait3A_590 = tpu.memref_slice %arg6[%dma_wait3A_586, %dma_wait3A_588, %dma_wait3A_589] : memref<4x32x512xf32, #tpu.memory_space<vmem>> -> memref<1x32x512xf32, #tpu.memory_space<vmem>>
    %dma_wait3A_591 = tpu.memref_squeeze %dma_wait3A_590 : memref<1x32x512xf32, #tpu.memory_space<vmem>> -> memref<32x512xf32, #tpu.memory_space<vmem>>
    %dma_wait3A_592 = arith.constant 0 : i32
    %dma_wait3A_593 = tpu.memref_slice %arg4[%add3A_585, %dma_wait3A_592] : memref<16384x512xf32, #tpu.memory_space<hbm>> -> memref<32x512xf32, #tpu.memory_space<hbm>>
    %dma_wait3A_594 = tpu.memref_slice %arg8[%dma_wait3A_587] : memref<4x!tpu.dma_semaphore, #tpu.memory_space<semaphore_mem>> -> memref<1x!tpu.dma_semaphore, #tpu.memory_space<semaphore_mem>>
    %dma_wait3A_595 = tpu.memref_squeeze %dma_wait3A_594 : memref<1x!tpu.dma_semaphore, #tpu.memory_space<semaphore_mem>> -> memref<!tpu.dma_semaphore, #tpu.memory_space<semaphore_mem>>
    %dma_wait3A_596 = arith.constant 0 : i32
    %dma_wait3A_597 = tpu.memref_slice %arg4[%add3A_585, %dma_wait3A_596] : memref<16384x512xf32, #tpu.memory_space<hbm>> -> memref<32x512xf32, #tpu.memory_space<hbm>>
    %dma_wait3A_598 = arith.constant 0 : i32
    %dma_wait3A_599 = arith.constant 0 : i32
    %dma_wait3A_600 = tpu.memref_slice %arg6[%dma_wait3A_586, %dma_wait3A_598, %dma_wait3A_599] : memref<4x32x512xf32, #tpu.memory_space<vmem>> -> memref<1x32x512xf32, #tpu.memory_space<vmem>>
    %dma_wait3A_601 = tpu.memref_squeeze %dma_wait3A_600 : memref<1x32x512xf32, #tpu.memory_space<vmem>> -> memref<32x512xf32, #tpu.memory_space<vmem>>
    tpu.wait_dma2 semaphore(%dma_wait3A_595 : memref<!tpu.dma_semaphore, #tpu.memory_space<semaphore_mem>>) src(%dma_wait3A_601 : memref<32x512xf32, #tpu.memory_space<vmem>>) dst(%dma_wait3A_597 : memref<32x512xf32, #tpu.memory_space<hbm>>)
    %dma_start3A_602 = arith.constant 0 : i32
    %dma_start3A_603 = arith.constant 0 : i32
    %dma_start3A_604 = arith.constant 0 : i32
    %dma_start3A_605 = arith.constant 0 : i32
    %dma_start3A_606 = tpu.memref_slice %arg6[%dma_start3A_602, %dma_start3A_604, %dma_start3A_605] : memref<4x32x512xf32, #tpu.memory_space<vmem>> -> memref<1x32x512xf32, #tpu.memory_space<vmem>>
    %dma_start3A_607 = tpu.memref_squeeze %dma_start3A_606 : memref<1x32x512xf32, #tpu.memory_space<vmem>> -> memref<32x512xf32, #tpu.memory_space<vmem>>
    %dma_start3A_608 = arith.constant 384 : i32
    %dma_start3A_609 = tpu.memref_slice %arg5[%dma_start3A_608] : memref<512xi32, #tpu.memory_space<vmem>> -> memref<32xi32, #tpu.memory_space<vmem>>
    %dma_start3A_610 = arith.constant 0 : i32
    %dma_start3A_611 = arith.constant 0 : i32
    %dma_start3A_612 = tpu.memref_slice %arg3[%dma_start3A_610, %dma_start3A_611] : memref<168x512xf32, #tpu.memory_space<hbm>> -> memref<168x512xf32, #tpu.memory_space<hbm>>
    %dma_start3A_613 = tpu.memref_slice %arg7[%dma_start3A_603] : memref<4x!tpu.dma_semaphore, #tpu.memory_space<semaphore_mem>> -> memref<1x!tpu.dma_semaphore, #tpu.memory_space<semaphore_mem>>
    %dma_start3A_614 = tpu.memref_squeeze %dma_start3A_613 : memref<1x!tpu.dma_semaphore, #tpu.memory_space<semaphore_mem>> -> memref<!tpu.dma_semaphore, #tpu.memory_space<semaphore_mem>>
    tpu.enqueue_indirect_dma source(%dma_start3A_612 : memref<168x512xf32, #tpu.memory_space<hbm>>) target(%dma_start3A_607 : memref<32x512xf32, #tpu.memory_space<vmem>>) offsets(%dma_start3A_609 : memref<32xi32, #tpu.memory_space<vmem>>) semaphore(%dma_start3A_614 : memref<!tpu.dma_semaphore, #tpu.memory_space<semaphore_mem>>)
    %dma_wait3A_615 = arith.constant 1 : i32
    %dma_wait3A_616 = arith.constant 1 : i32
    %dma_wait3A_617 = arith.constant 0 : i32
    %dma_wait3A_618 = arith.constant 0 : i32
    %dma_wait3A_619 = tpu.memref_slice %arg6[%dma_wait3A_615, %dma_wait3A_617, %dma_wait3A_618] : memref<4x32x512xf32, #tpu.memory_space<vmem>> -> memref<1x32x512xf32, #tpu.memory_space<vmem>>
    %dma_wait3A_620 = tpu.memref_squeeze %dma_wait3A_619 : memref<1x32x512xf32, #tpu.memory_space<vmem>> -> memref<32x512xf32, #tpu.memory_space<vmem>>
    %dma_wait3A_621 = arith.constant 288 : i32
    %dma_wait3A_622 = tpu.memref_slice %arg5[%dma_wait3A_621] : memref<512xi32, #tpu.memory_space<vmem>> -> memref<32xi32, #tpu.memory_space<vmem>>
    %dma_wait3A_623 = arith.constant 0 : i32
    %dma_wait3A_624 = arith.constant 0 : i32
    %dma_wait3A_625 = tpu.memref_slice %arg3[%dma_wait3A_623, %dma_wait3A_624] : memref<168x512xf32, #tpu.memory_space<hbm>> -> memref<168x512xf32, #tpu.memory_space<hbm>>
    %dma_wait3A_626 = tpu.memref_slice %arg7[%dma_wait3A_616] : memref<4x!tpu.dma_semaphore, #tpu.memory_space<semaphore_mem>> -> memref<1x!tpu.dma_semaphore, #tpu.memory_space<semaphore_mem>>
    %dma_wait3A_627 = tpu.memref_squeeze %dma_wait3A_626 : memref<1x!tpu.dma_semaphore, #tpu.memory_space<semaphore_mem>> -> memref<!tpu.dma_semaphore, #tpu.memory_space<semaphore_mem>>
    tpu.wait_indirect_dma semaphore(%dma_wait3A_627 : memref<!tpu.dma_semaphore, #tpu.memory_space<semaphore_mem>>) src(%dma_wait3A_625 : memref<168x512xf32, #tpu.memory_space<hbm>>) dst(%dma_wait3A_620 : memref<32x512xf32, #tpu.memory_space<vmem>>)
    %add3A_628 = arith.constant 288 : i32
    %add3A_629 = arith.addi %mul3A_2, %add3A_628 : i32
    %dma_start3A_630 = arith.constant 1 : i32
    %dma_start3A_631 = arith.constant 1 : i32
    %dma_start3A_632 = arith.constant 0 : i32
    %dma_start3A_633 = arith.constant 0 : i32
    %dma_start3A_634 = tpu.memref_slice %arg6[%dma_start3A_630, %dma_start3A_632, %dma_start3A_633] : memref<4x32x512xf32, #tpu.memory_space<vmem>> -> memref<1x32x512xf32, #tpu.memory_space<vmem>>
    %dma_start3A_635 = tpu.memref_squeeze %dma_start3A_634 : memref<1x32x512xf32, #tpu.memory_space<vmem>> -> memref<32x512xf32, #tpu.memory_space<vmem>>
    %dma_start3A_636 = arith.constant 0 : i32
    %dma_start3A_637 = tpu.memref_slice %arg4[%add3A_629, %dma_start3A_636] : memref<16384x512xf32, #tpu.memory_space<hbm>> -> memref<32x512xf32, #tpu.memory_space<hbm>>
    %dma_start3A_638 = tpu.memref_slice %arg8[%dma_start3A_631] : memref<4x!tpu.dma_semaphore, #tpu.memory_space<semaphore_mem>> -> memref<1x!tpu.dma_semaphore, #tpu.memory_space<semaphore_mem>>
    %dma_start3A_639 = tpu.memref_squeeze %dma_start3A_638 : memref<1x!tpu.dma_semaphore, #tpu.memory_space<semaphore_mem>> -> memref<!tpu.dma_semaphore, #tpu.memory_space<semaphore_mem>>
    %dma_start3A_640 = arith.constant 0 : i32
    %dma_start3A_641 = tpu.memref_slice %arg4[%add3A_629, %dma_start3A_640] : memref<16384x512xf32, #tpu.memory_space<hbm>> -> memref<32x512xf32, #tpu.memory_space<hbm>>
    %dma_start3A_642 = arith.constant 0 : i32
    %dma_start3A_643 = arith.constant 0 : i32
    %dma_start3A_644 = tpu.memref_slice %arg6[%dma_start3A_630, %dma_start3A_642, %dma_start3A_643] : memref<4x32x512xf32, #tpu.memory_space<vmem>> -> memref<1x32x512xf32, #tpu.memory_space<vmem>>
    %dma_start3A_645 = tpu.memref_squeeze %dma_start3A_644 : memref<1x32x512xf32, #tpu.memory_space<vmem>> -> memref<32x512xf32, #tpu.memory_space<vmem>>
    tpu.enqueue_dma source(%dma_start3A_645 : memref<32x512xf32, #tpu.memory_space<vmem>>) target(%dma_start3A_641 : memref<32x512xf32, #tpu.memory_space<hbm>>) target_semaphore(%dma_start3A_639 : memref<!tpu.dma_semaphore, #tpu.memory_space<semaphore_mem>>)
    %add3A_646 = arith.constant 288 : i32
    %add3A_647 = arith.addi %mul3A_2, %add3A_646 : i32
    %dma_wait3A_648 = arith.constant 1 : i32
    %dma_wait3A_649 = arith.constant 1 : i32
    %dma_wait3A_650 = arith.constant 0 : i32
    %dma_wait3A_651 = arith.constant 0 : i32
    %dma_wait3A_652 = tpu.memref_slice %arg6[%dma_wait3A_648, %dma_wait3A_650, %dma_wait3A_651] : memref<4x32x512xf32, #tpu.memory_space<vmem>> -> memref<1x32x512xf32, #tpu.memory_space<vmem>>
    %dma_wait3A_653 = tpu.memref_squeeze %dma_wait3A_652 : memref<1x32x512xf32, #tpu.memory_space<vmem>> -> memref<32x512xf32, #tpu.memory_space<vmem>>
    %dma_wait3A_654 = arith.constant 0 : i32
    %dma_wait3A_655 = tpu.memref_slice %arg4[%add3A_647, %dma_wait3A_654] : memref<16384x512xf32, #tpu.memory_space<hbm>> -> memref<32x512xf32, #tpu.memory_space<hbm>>
    %dma_wait3A_656 = tpu.memref_slice %arg8[%dma_wait3A_649] : memref<4x!tpu.dma_semaphore, #tpu.memory_space<semaphore_mem>> -> memref<1x!tpu.dma_semaphore, #tpu.memory_space<semaphore_mem>>
    %dma_wait3A_657 = tpu.memref_squeeze %dma_wait3A_656 : memref<1x!tpu.dma_semaphore, #tpu.memory_space<semaphore_mem>> -> memref<!tpu.dma_semaphore, #tpu.memory_space<semaphore_mem>>
    %dma_wait3A_658 = arith.constant 0 : i32
    %dma_wait3A_659 = tpu.memref_slice %arg4[%add3A_647, %dma_wait3A_658] : memref<16384x512xf32, #tpu.memory_space<hbm>> -> memref<32x512xf32, #tpu.memory_space<hbm>>
    %dma_wait3A_660 = arith.constant 0 : i32
    %dma_wait3A_661 = arith.constant 0 : i32
    %dma_wait3A_662 = tpu.memref_slice %arg6[%dma_wait3A_648, %dma_wait3A_660, %dma_wait3A_661] : memref<4x32x512xf32, #tpu.memory_space<vmem>> -> memref<1x32x512xf32, #tpu.memory_space<vmem>>
    %dma_wait3A_663 = tpu.memref_squeeze %dma_wait3A_662 : memref<1x32x512xf32, #tpu.memory_space<vmem>> -> memref<32x512xf32, #tpu.memory_space<vmem>>
    tpu.wait_dma2 semaphore(%dma_wait3A_657 : memref<!tpu.dma_semaphore, #tpu.memory_space<semaphore_mem>>) src(%dma_wait3A_663 : memref<32x512xf32, #tpu.memory_space<vmem>>) dst(%dma_wait3A_659 : memref<32x512xf32, #tpu.memory_space<hbm>>)
    %dma_start3A_664 = arith.constant 1 : i32
    %dma_start3A_665 = arith.constant 1 : i32
    %dma_start3A_666 = arith.constant 0 : i32
    %dma_start3A_667 = arith.constant 0 : i32
    %dma_start3A_668 = tpu.memref_slice %arg6[%dma_start3A_664, %dma_start3A_666, %dma_start3A_667] : memref<4x32x512xf32, #tpu.memory_space<vmem>> -> memref<1x32x512xf32, #tpu.memory_space<vmem>>
    %dma_start3A_669 = tpu.memref_squeeze %dma_start3A_668 : memref<1x32x512xf32, #tpu.memory_space<vmem>> -> memref<32x512xf32, #tpu.memory_space<vmem>>
    %dma_start3A_670 = arith.constant 416 : i32
    %dma_start3A_671 = tpu.memref_slice %arg5[%dma_start3A_670] : memref<512xi32, #tpu.memory_space<vmem>> -> memref<32xi32, #tpu.memory_space<vmem>>
    %dma_start3A_672 = arith.constant 0 : i32
    %dma_start3A_673 = arith.constant 0 : i32
    %dma_start3A_674 = tpu.memref_slice %arg3[%dma_start3A_672, %dma_start3A_673] : memref<168x512xf32, #tpu.memory_space<hbm>> -> memref<168x512xf32, #tpu.memory_space<hbm>>
    %dma_start3A_675 = tpu.memref_slice %arg7[%dma_start3A_665] : memref<4x!tpu.dma_semaphore, #tpu.memory_space<semaphore_mem>> -> memref<1x!tpu.dma_semaphore, #tpu.memory_space<semaphore_mem>>
    %dma_start3A_676 = tpu.memref_squeeze %dma_start3A_675 : memref<1x!tpu.dma_semaphore, #tpu.memory_space<semaphore_mem>> -> memref<!tpu.dma_semaphore, #tpu.memory_space<semaphore_mem>>
    tpu.enqueue_indirect_dma source(%dma_start3A_674 : memref<168x512xf32, #tpu.memory_space<hbm>>) target(%dma_start3A_669 : memref<32x512xf32, #tpu.memory_space<vmem>>) offsets(%dma_start3A_671 : memref<32xi32, #tpu.memory_space<vmem>>) semaphore(%dma_start3A_676 : memref<!tpu.dma_semaphore, #tpu.memory_space<semaphore_mem>>)
    %dma_wait3A_677 = arith.constant 2 : i32
    %dma_wait3A_678 = arith.constant 2 : i32
    %dma_wait3A_679 = arith.constant 0 : i32
    %dma_wait3A_680 = arith.constant 0 : i32
    %dma_wait3A_681 = tpu.memref_slice %arg6[%dma_wait3A_677, %dma_wait3A_679, %dma_wait3A_680] : memref<4x32x512xf32, #tpu.memory_space<vmem>> -> memref<1x32x512xf32, #tpu.memory_space<vmem>>
    %dma_wait3A_682 = tpu.memref_squeeze %dma_wait3A_681 : memref<1x32x512xf32, #tpu.memory_space<vmem>> -> memref<32x512xf32, #tpu.memory_space<vmem>>
    %dma_wait3A_683 = arith.constant 320 : i32
    %dma_wait3A_684 = tpu.memref_slice %arg5[%dma_wait3A_683] : memref<512xi32, #tpu.memory_space<vmem>> -> memref<32xi32, #tpu.memory_space<vmem>>
    %dma_wait3A_685 = arith.constant 0 : i32
    %dma_wait3A_686 = arith.constant 0 : i32
    %dma_wait3A_687 = tpu.memref_slice %arg3[%dma_wait3A_685, %dma_wait3A_686] : memref<168x512xf32, #tpu.memory_space<hbm>> -> memref<168x512xf32, #tpu.memory_space<hbm>>
    %dma_wait3A_688 = tpu.memref_slice %arg7[%dma_wait3A_678] : memref<4x!tpu.dma_semaphore, #tpu.memory_space<semaphore_mem>> -> memref<1x!tpu.dma_semaphore, #tpu.memory_space<semaphore_mem>>
    %dma_wait3A_689 = tpu.memref_squeeze %dma_wait3A_688 : memref<1x!tpu.dma_semaphore, #tpu.memory_space<semaphore_mem>> -> memref<!tpu.dma_semaphore, #tpu.memory_space<semaphore_mem>>
    tpu.wait_indirect_dma semaphore(%dma_wait3A_689 : memref<!tpu.dma_semaphore, #tpu.memory_space<semaphore_mem>>) src(%dma_wait3A_687 : memref<168x512xf32, #tpu.memory_space<hbm>>) dst(%dma_wait3A_682 : memref<32x512xf32, #tpu.memory_space<vmem>>)
    %add3A_690 = arith.constant 320 : i32
    %add3A_691 = arith.addi %mul3A_2, %add3A_690 : i32
    %dma_start3A_692 = arith.constant 2 : i32
    %dma_start3A_693 = arith.constant 2 : i32
    %dma_start3A_694 = arith.constant 0 : i32
    %dma_start3A_695 = arith.constant 0 : i32
    %dma_start3A_696 = tpu.memref_slice %arg6[%dma_start3A_692, %dma_start3A_694, %dma_start3A_695] : memref<4x32x512xf32, #tpu.memory_space<vmem>> -> memref<1x32x512xf32, #tpu.memory_space<vmem>>
    %dma_start3A_697 = tpu.memref_squeeze %dma_start3A_696 : memref<1x32x512xf32, #tpu.memory_space<vmem>> -> memref<32x512xf32, #tpu.memory_space<vmem>>
    %dma_start3A_698 = arith.constant 0 : i32
    %dma_start3A_699 = tpu.memref_slice %arg4[%add3A_691, %dma_start3A_698] : memref<16384x512xf32, #tpu.memory_space<hbm>> -> memref<32x512xf32, #tpu.memory_space<hbm>>
    %dma_start3A_700 = tpu.memref_slice %arg8[%dma_start3A_693] : memref<4x!tpu.dma_semaphore, #tpu.memory_space<semaphore_mem>> -> memref<1x!tpu.dma_semaphore, #tpu.memory_space<semaphore_mem>>
    %dma_start3A_701 = tpu.memref_squeeze %dma_start3A_700 : memref<1x!tpu.dma_semaphore, #tpu.memory_space<semaphore_mem>> -> memref<!tpu.dma_semaphore, #tpu.memory_space<semaphore_mem>>
    %dma_start3A_702 = arith.constant 0 : i32
    %dma_start3A_703 = tpu.memref_slice %arg4[%add3A_691, %dma_start3A_702] : memref<16384x512xf32, #tpu.memory_space<hbm>> -> memref<32x512xf32, #tpu.memory_space<hbm>>
    %dma_start3A_704 = arith.constant 0 : i32
    %dma_start3A_705 = arith.constant 0 : i32
    %dma_start3A_706 = tpu.memref_slice %arg6[%dma_start3A_692, %dma_start3A_704, %dma_start3A_705] : memref<4x32x512xf32, #tpu.memory_space<vmem>> -> memref<1x32x512xf32, #tpu.memory_space<vmem>>
    %dma_start3A_707 = tpu.memref_squeeze %dma_start3A_706 : memref<1x32x512xf32, #tpu.memory_space<vmem>> -> memref<32x512xf32, #tpu.memory_space<vmem>>
    tpu.enqueue_dma source(%dma_start3A_707 : memref<32x512xf32, #tpu.memory_space<vmem>>) target(%dma_start3A_703 : memref<32x512xf32, #tpu.memory_space<hbm>>) target_semaphore(%dma_start3A_701 : memref<!tpu.dma_semaphore, #tpu.memory_space<semaphore_mem>>)
    %add3A_708 = arith.constant 320 : i32
    %add3A_709 = arith.addi %mul3A_2, %add3A_708 : i32
    %dma_wait3A_710 = arith.constant 2 : i32
    %dma_wait3A_711 = arith.constant 2 : i32
    %dma_wait3A_712 = arith.constant 0 : i32
    %dma_wait3A_713 = arith.constant 0 : i32
    %dma_wait3A_714 = tpu.memref_slice %arg6[%dma_wait3A_710, %dma_wait3A_712, %dma_wait3A_713] : memref<4x32x512xf32, #tpu.memory_space<vmem>> -> memref<1x32x512xf32, #tpu.memory_space<vmem>>
    %dma_wait3A_715 = tpu.memref_squeeze %dma_wait3A_714 : memref<1x32x512xf32, #tpu.memory_space<vmem>> -> memref<32x512xf32, #tpu.memory_space<vmem>>
    %dma_wait3A_716 = arith.constant 0 : i32
    %dma_wait3A_717 = tpu.memref_slice %arg4[%add3A_709, %dma_wait3A_716] : memref<16384x512xf32, #tpu.memory_space<hbm>> -> memref<32x512xf32, #tpu.memory_space<hbm>>
    %dma_wait3A_718 = tpu.memref_slice %arg8[%dma_wait3A_711] : memref<4x!tpu.dma_semaphore, #tpu.memory_space<semaphore_mem>> -> memref<1x!tpu.dma_semaphore, #tpu.memory_space<semaphore_mem>>
    %dma_wait3A_719 = tpu.memref_squeeze %dma_wait3A_718 : memref<1x!tpu.dma_semaphore, #tpu.memory_space<semaphore_mem>> -> memref<!tpu.dma_semaphore, #tpu.memory_space<semaphore_mem>>
    %dma_wait3A_720 = arith.constant 0 : i32
    %dma_wait3A_721 = tpu.memref_slice %arg4[%add3A_709, %dma_wait3A_720] : memref<16384x512xf32, #tpu.memory_space<hbm>> -> memref<32x512xf32, #tpu.memory_space<hbm>>
    %dma_wait3A_722 = arith.constant 0 : i32
    %dma_wait3A_723 = arith.constant 0 : i32
    %dma_wait3A_724 = tpu.memref_slice %arg6[%dma_wait3A_710, %dma_wait3A_722, %dma_wait3A_723] : memref<4x32x512xf32, #tpu.memory_space<vmem>> -> memref<1x32x512xf32, #tpu.memory_space<vmem>>
    %dma_wait3A_725 = tpu.memref_squeeze %dma_wait3A_724 : memref<1x32x512xf32, #tpu.memory_space<vmem>> -> memref<32x512xf32, #tpu.memory_space<vmem>>
    tpu.wait_dma2 semaphore(%dma_wait3A_719 : memref<!tpu.dma_semaphore, #tpu.memory_space<semaphore_mem>>) src(%dma_wait3A_725 : memref<32x512xf32, #tpu.memory_space<vmem>>) dst(%dma_wait3A_721 : memref<32x512xf32, #tpu.memory_space<hbm>>)
    %dma_start3A_726 = arith.constant 2 : i32
    %dma_start3A_727 = arith.constant 2 : i32
    %dma_start3A_728 = arith.constant 0 : i32
    %dma_start3A_729 = arith.constant 0 : i32
    %dma_start3A_730 = tpu.memref_slice %arg6[%dma_start3A_726, %dma_start3A_728, %dma_start3A_729] : memref<4x32x512xf32, #tpu.memory_space<vmem>> -> memref<1x32x512xf32, #tpu.memory_space<vmem>>
    %dma_start3A_731 = tpu.memref_squeeze %dma_start3A_730 : memref<1x32x512xf32, #tpu.memory_space<vmem>> -> memref<32x512xf32, #tpu.memory_space<vmem>>
    %dma_start3A_732 = arith.constant 448 : i32
    %dma_start3A_733 = tpu.memref_slice %arg5[%dma_start3A_732] : memref<512xi32, #tpu.memory_space<vmem>> -> memref<32xi32, #tpu.memory_space<vmem>>
    %dma_start3A_734 = arith.constant 0 : i32
    %dma_start3A_735 = arith.constant 0 : i32
    %dma_start3A_736 = tpu.memref_slice %arg3[%dma_start3A_734, %dma_start3A_735] : memref<168x512xf32, #tpu.memory_space<hbm>> -> memref<168x512xf32, #tpu.memory_space<hbm>>
    %dma_start3A_737 = tpu.memref_slice %arg7[%dma_start3A_727] : memref<4x!tpu.dma_semaphore, #tpu.memory_space<semaphore_mem>> -> memref<1x!tpu.dma_semaphore, #tpu.memory_space<semaphore_mem>>
    %dma_start3A_738 = tpu.memref_squeeze %dma_start3A_737 : memref<1x!tpu.dma_semaphore, #tpu.memory_space<semaphore_mem>> -> memref<!tpu.dma_semaphore, #tpu.memory_space<semaphore_mem>>
    tpu.enqueue_indirect_dma source(%dma_start3A_736 : memref<168x512xf32, #tpu.memory_space<hbm>>) target(%dma_start3A_731 : memref<32x512xf32, #tpu.memory_space<vmem>>) offsets(%dma_start3A_733 : memref<32xi32, #tpu.memory_space<vmem>>) semaphore(%dma_start3A_738 : memref<!tpu.dma_semaphore, #tpu.memory_space<semaphore_mem>>)
    %dma_wait3A_739 = arith.constant 3 : i32
    %dma_wait3A_740 = arith.constant 3 : i32
    %dma_wait3A_741 = arith.constant 0 : i32
    %dma_wait3A_742 = arith.constant 0 : i32
    %dma_wait3A_743 = tpu.memref_slice %arg6[%dma_wait3A_739, %dma_wait3A_741, %dma_wait3A_742] : memref<4x32x512xf32, #tpu.memory_space<vmem>> -> memref<1x32x512xf32, #tpu.memory_space<vmem>>
    %dma_wait3A_744 = tpu.memref_squeeze %dma_wait3A_743 : memref<1x32x512xf32, #tpu.memory_space<vmem>> -> memref<32x512xf32, #tpu.memory_space<vmem>>
    %dma_wait3A_745 = arith.constant 352 : i32
    %dma_wait3A_746 = tpu.memref_slice %arg5[%dma_wait3A_745] : memref<512xi32, #tpu.memory_space<vmem>> -> memref<32xi32, #tpu.memory_space<vmem>>
    %dma_wait3A_747 = arith.constant 0 : i32
    %dma_wait3A_748 = arith.constant 0 : i32
    %dma_wait3A_749 = tpu.memref_slice %arg3[%dma_wait3A_747, %dma_wait3A_748] : memref<168x512xf32, #tpu.memory_space<hbm>> -> memref<168x512xf32, #tpu.memory_space<hbm>>
    %dma_wait3A_750 = tpu.memref_slice %arg7[%dma_wait3A_740] : memref<4x!tpu.dma_semaphore, #tpu.memory_space<semaphore_mem>> -> memref<1x!tpu.dma_semaphore, #tpu.memory_space<semaphore_mem>>
    %dma_wait3A_751 = tpu.memref_squeeze %dma_wait3A_750 : memref<1x!tpu.dma_semaphore, #tpu.memory_space<semaphore_mem>> -> memref<!tpu.dma_semaphore, #tpu.memory_space<semaphore_mem>>
    tpu.wait_indirect_dma semaphore(%dma_wait3A_751 : memref<!tpu.dma_semaphore, #tpu.memory_space<semaphore_mem>>) src(%dma_wait3A_749 : memref<168x512xf32, #tpu.memory_space<hbm>>) dst(%dma_wait3A_744 : memref<32x512xf32, #tpu.memory_space<vmem>>)
    %add3A_752 = arith.constant 352 : i32
    %add3A_753 = arith.addi %mul3A_2, %add3A_752 : i32
    %dma_start3A_754 = arith.constant 3 : i32
    %dma_start3A_755 = arith.constant 3 : i32
    %dma_start3A_756 = arith.constant 0 : i32
    %dma_start3A_757 = arith.constant 0 : i32
    %dma_start3A_758 = tpu.memref_slice %arg6[%dma_start3A_754, %dma_start3A_756, %dma_start3A_757] : memref<4x32x512xf32, #tpu.memory_space<vmem>> -> memref<1x32x512xf32, #tpu.memory_space<vmem>>
    %dma_start3A_759 = tpu.memref_squeeze %dma_start3A_758 : memref<1x32x512xf32, #tpu.memory_space<vmem>> -> memref<32x512xf32, #tpu.memory_space<vmem>>
    %dma_start3A_760 = arith.constant 0 : i32
    %dma_start3A_761 = tpu.memref_slice %arg4[%add3A_753, %dma_start3A_760] : memref<16384x512xf32, #tpu.memory_space<hbm>> -> memref<32x512xf32, #tpu.memory_space<hbm>>
    %dma_start3A_762 = tpu.memref_slice %arg8[%dma_start3A_755] : memref<4x!tpu.dma_semaphore, #tpu.memory_space<semaphore_mem>> -> memref<1x!tpu.dma_semaphore, #tpu.memory_space<semaphore_mem>>
    %dma_start3A_763 = tpu.memref_squeeze %dma_start3A_762 : memref<1x!tpu.dma_semaphore, #tpu.memory_space<semaphore_mem>> -> memref<!tpu.dma_semaphore, #tpu.memory_space<semaphore_mem>>
    %dma_start3A_764 = arith.constant 0 : i32
    %dma_start3A_765 = tpu.memref_slice %arg4[%add3A_753, %dma_start3A_764] : memref<16384x512xf32, #tpu.memory_space<hbm>> -> memref<32x512xf32, #tpu.memory_space<hbm>>
    %dma_start3A_766 = arith.constant 0 : i32
    %dma_start3A_767 = arith.constant 0 : i32
    %dma_start3A_768 = tpu.memref_slice %arg6[%dma_start3A_754, %dma_start3A_766, %dma_start3A_767] : memref<4x32x512xf32, #tpu.memory_space<vmem>> -> memref<1x32x512xf32, #tpu.memory_space<vmem>>
    %dma_start3A_769 = tpu.memref_squeeze %dma_start3A_768 : memref<1x32x512xf32, #tpu.memory_space<vmem>> -> memref<32x512xf32, #tpu.memory_space<vmem>>
    tpu.enqueue_dma source(%dma_start3A_769 : memref<32x512xf32, #tpu.memory_space<vmem>>) target(%dma_start3A_765 : memref<32x512xf32, #tpu.memory_space<hbm>>) target_semaphore(%dma_start3A_763 : memref<!tpu.dma_semaphore, #tpu.memory_space<semaphore_mem>>)
    %add3A_770 = arith.constant 352 : i32
    %add3A_771 = arith.addi %mul3A_2, %add3A_770 : i32
    %dma_wait3A_772 = arith.constant 3 : i32
    %dma_wait3A_773 = arith.constant 3 : i32
    %dma_wait3A_774 = arith.constant 0 : i32
    %dma_wait3A_775 = arith.constant 0 : i32
    %dma_wait3A_776 = tpu.memref_slice %arg6[%dma_wait3A_772, %dma_wait3A_774, %dma_wait3A_775] : memref<4x32x512xf32, #tpu.memory_space<vmem>> -> memref<1x32x512xf32, #tpu.memory_space<vmem>>
    %dma_wait3A_777 = tpu.memref_squeeze %dma_wait3A_776 : memref<1x32x512xf32, #tpu.memory_space<vmem>> -> memref<32x512xf32, #tpu.memory_space<vmem>>
    %dma_wait3A_778 = arith.constant 0 : i32
    %dma_wait3A_779 = tpu.memref_slice %arg4[%add3A_771, %dma_wait3A_778] : memref<16384x512xf32, #tpu.memory_space<hbm>> -> memref<32x512xf32, #tpu.memory_space<hbm>>
    %dma_wait3A_780 = tpu.memref_slice %arg8[%dma_wait3A_773] : memref<4x!tpu.dma_semaphore, #tpu.memory_space<semaphore_mem>> -> memref<1x!tpu.dma_semaphore, #tpu.memory_space<semaphore_mem>>
    %dma_wait3A_781 = tpu.memref_squeeze %dma_wait3A_780 : memref<1x!tpu.dma_semaphore, #tpu.memory_space<semaphore_mem>> -> memref<!tpu.dma_semaphore, #tpu.memory_space<semaphore_mem>>
    %dma_wait3A_782 = arith.constant 0 : i32
    %dma_wait3A_783 = tpu.memref_slice %arg4[%add3A_771, %dma_wait3A_782] : memref<16384x512xf32, #tpu.memory_space<hbm>> -> memref<32x512xf32, #tpu.memory_space<hbm>>
    %dma_wait3A_784 = arith.constant 0 : i32
    %dma_wait3A_785 = arith.constant 0 : i32
    %dma_wait3A_786 = tpu.memref_slice %arg6[%dma_wait3A_772, %dma_wait3A_784, %dma_wait3A_785] : memref<4x32x512xf32, #tpu.memory_space<vmem>> -> memref<1x32x512xf32, #tpu.memory_space<vmem>>
    %dma_wait3A_787 = tpu.memref_squeeze %dma_wait3A_786 : memref<1x32x512xf32, #tpu.memory_space<vmem>> -> memref<32x512xf32, #tpu.memory_space<vmem>>
    tpu.wait_dma2 semaphore(%dma_wait3A_781 : memref<!tpu.dma_semaphore, #tpu.memory_space<semaphore_mem>>) src(%dma_wait3A_787 : memref<32x512xf32, #tpu.memory_space<vmem>>) dst(%dma_wait3A_783 : memref<32x512xf32, #tpu.memory_space<hbm>>)
    %dma_start3A_788 = arith.constant 3 : i32
    %dma_start3A_789 = arith.constant 3 : i32
    %dma_start3A_790 = arith.constant 0 : i32
    %dma_start3A_791 = arith.constant 0 : i32
    %dma_start3A_792 = tpu.memref_slice %arg6[%dma_start3A_788, %dma_start3A_790, %dma_start3A_791] : memref<4x32x512xf32, #tpu.memory_space<vmem>> -> memref<1x32x512xf32, #tpu.memory_space<vmem>>
    %dma_start3A_793 = tpu.memref_squeeze %dma_start3A_792 : memref<1x32x512xf32, #tpu.memory_space<vmem>> -> memref<32x512xf32, #tpu.memory_space<vmem>>
    %dma_start3A_794 = arith.constant 480 : i32
    %dma_start3A_795 = tpu.memref_slice %arg5[%dma_start3A_794] : memref<512xi32, #tpu.memory_space<vmem>> -> memref<32xi32, #tpu.memory_space<vmem>>
    %dma_start3A_796 = arith.constant 0 : i32
    %dma_start3A_797 = arith.constant 0 : i32
    %dma_start3A_798 = tpu.memref_slice %arg3[%dma_start3A_796, %dma_start3A_797] : memref<168x512xf32, #tpu.memory_space<hbm>> -> memref<168x512xf32, #tpu.memory_space<hbm>>
    %dma_start3A_799 = tpu.memref_slice %arg7[%dma_start3A_789] : memref<4x!tpu.dma_semaphore, #tpu.memory_space<semaphore_mem>> -> memref<1x!tpu.dma_semaphore, #tpu.memory_space<semaphore_mem>>
    %dma_start3A_800 = tpu.memref_squeeze %dma_start3A_799 : memref<1x!tpu.dma_semaphore, #tpu.memory_space<semaphore_mem>> -> memref<!tpu.dma_semaphore, #tpu.memory_space<semaphore_mem>>
    tpu.enqueue_indirect_dma source(%dma_start3A_798 : memref<168x512xf32, #tpu.memory_space<hbm>>) target(%dma_start3A_793 : memref<32x512xf32, #tpu.memory_space<vmem>>) offsets(%dma_start3A_795 : memref<32xi32, #tpu.memory_space<vmem>>) semaphore(%dma_start3A_800 : memref<!tpu.dma_semaphore, #tpu.memory_space<semaphore_mem>>)
    %dma_wait3A_801 = arith.constant 0 : i32
    %dma_wait3A_802 = arith.constant 0 : i32
    %dma_wait3A_803 = arith.constant 0 : i32
    %dma_wait3A_804 = arith.constant 0 : i32
    %dma_wait3A_805 = tpu.memref_slice %arg6[%dma_wait3A_801, %dma_wait3A_803, %dma_wait3A_804] : memref<4x32x512xf32, #tpu.memory_space<vmem>> -> memref<1x32x512xf32, #tpu.memory_space<vmem>>
    %dma_wait3A_806 = tpu.memref_squeeze %dma_wait3A_805 : memref<1x32x512xf32, #tpu.memory_space<vmem>> -> memref<32x512xf32, #tpu.memory_space<vmem>>
    %dma_wait3A_807 = arith.constant 384 : i32
    %dma_wait3A_808 = tpu.memref_slice %arg5[%dma_wait3A_807] : memref<512xi32, #tpu.memory_space<vmem>> -> memref<32xi32, #tpu.memory_space<vmem>>
    %dma_wait3A_809 = arith.constant 0 : i32
    %dma_wait3A_810 = arith.constant 0 : i32
    %dma_wait3A_811 = tpu.memref_slice %arg3[%dma_wait3A_809, %dma_wait3A_810] : memref<168x512xf32, #tpu.memory_space<hbm>> -> memref<168x512xf32, #tpu.memory_space<hbm>>
    %dma_wait3A_812 = tpu.memref_slice %arg7[%dma_wait3A_802] : memref<4x!tpu.dma_semaphore, #tpu.memory_space<semaphore_mem>> -> memref<1x!tpu.dma_semaphore, #tpu.memory_space<semaphore_mem>>
    %dma_wait3A_813 = tpu.memref_squeeze %dma_wait3A_812 : memref<1x!tpu.dma_semaphore, #tpu.memory_space<semaphore_mem>> -> memref<!tpu.dma_semaphore, #tpu.memory_space<semaphore_mem>>
    tpu.wait_indirect_dma semaphore(%dma_wait3A_813 : memref<!tpu.dma_semaphore, #tpu.memory_space<semaphore_mem>>) src(%dma_wait3A_811 : memref<168x512xf32, #tpu.memory_space<hbm>>) dst(%dma_wait3A_806 : memref<32x512xf32, #tpu.memory_space<vmem>>)
    %add3A_814 = arith.constant 384 : i32
    %add3A_815 = arith.addi %mul3A_2, %add3A_814 : i32
    %dma_start3A_816 = arith.constant 0 : i32
    %dma_start3A_817 = arith.constant 0 : i32
    %dma_start3A_818 = arith.constant 0 : i32
    %dma_start3A_819 = arith.constant 0 : i32
    %dma_start3A_820 = tpu.memref_slice %arg6[%dma_start3A_816, %dma_start3A_818, %dma_start3A_819] : memref<4x32x512xf32, #tpu.memory_space<vmem>> -> memref<1x32x512xf32, #tpu.memory_space<vmem>>
    %dma_start3A_821 = tpu.memref_squeeze %dma_start3A_820 : memref<1x32x512xf32, #tpu.memory_space<vmem>> -> memref<32x512xf32, #tpu.memory_space<vmem>>
    %dma_start3A_822 = arith.constant 0 : i32
    %dma_start3A_823 = tpu.memref_slice %arg4[%add3A_815, %dma_start3A_822] : memref<16384x512xf32, #tpu.memory_space<hbm>> -> memref<32x512xf32, #tpu.memory_space<hbm>>
    %dma_start3A_824 = tpu.memref_slice %arg8[%dma_start3A_817] : memref<4x!tpu.dma_semaphore, #tpu.memory_space<semaphore_mem>> -> memref<1x!tpu.dma_semaphore, #tpu.memory_space<semaphore_mem>>
    %dma_start3A_825 = tpu.memref_squeeze %dma_start3A_824 : memref<1x!tpu.dma_semaphore, #tpu.memory_space<semaphore_mem>> -> memref<!tpu.dma_semaphore, #tpu.memory_space<semaphore_mem>>
    %dma_start3A_826 = arith.constant 0 : i32
    %dma_start3A_827 = tpu.memref_slice %arg4[%add3A_815, %dma_start3A_826] : memref<16384x512xf32, #tpu.memory_space<hbm>> -> memref<32x512xf32, #tpu.memory_space<hbm>>
    %dma_start3A_828 = arith.constant 0 : i32
    %dma_start3A_829 = arith.constant 0 : i32
    %dma_start3A_830 = tpu.memref_slice %arg6[%dma_start3A_816, %dma_start3A_828, %dma_start3A_829] : memref<4x32x512xf32, #tpu.memory_space<vmem>> -> memref<1x32x512xf32, #tpu.memory_space<vmem>>
    %dma_start3A_831 = tpu.memref_squeeze %dma_start3A_830 : memref<1x32x512xf32, #tpu.memory_space<vmem>> -> memref<32x512xf32, #tpu.memory_space<vmem>>
    tpu.enqueue_dma source(%dma_start3A_831 : memref<32x512xf32, #tpu.memory_space<vmem>>) target(%dma_start3A_827 : memref<32x512xf32, #tpu.memory_space<hbm>>) target_semaphore(%dma_start3A_825 : memref<!tpu.dma_semaphore, #tpu.memory_space<semaphore_mem>>)
    %dma_wait3A_832 = arith.constant 1 : i32
    %dma_wait3A_833 = arith.constant 1 : i32
    %dma_wait3A_834 = arith.constant 0 : i32
    %dma_wait3A_835 = arith.constant 0 : i32
    %dma_wait3A_836 = tpu.memref_slice %arg6[%dma_wait3A_832, %dma_wait3A_834, %dma_wait3A_835] : memref<4x32x512xf32, #tpu.memory_space<vmem>> -> memref<1x32x512xf32, #tpu.memory_space<vmem>>
    %dma_wait3A_837 = tpu.memref_squeeze %dma_wait3A_836 : memref<1x32x512xf32, #tpu.memory_space<vmem>> -> memref<32x512xf32, #tpu.memory_space<vmem>>
    %dma_wait3A_838 = arith.constant 416 : i32
    %dma_wait3A_839 = tpu.memref_slice %arg5[%dma_wait3A_838] : memref<512xi32, #tpu.memory_space<vmem>> -> memref<32xi32, #tpu.memory_space<vmem>>
    %dma_wait3A_840 = arith.constant 0 : i32
    %dma_wait3A_841 = arith.constant 0 : i32
    %dma_wait3A_842 = tpu.memref_slice %arg3[%dma_wait3A_840, %dma_wait3A_841] : memref<168x512xf32, #tpu.memory_space<hbm>> -> memref<168x512xf32, #tpu.memory_space<hbm>>
    %dma_wait3A_843 = tpu.memref_slice %arg7[%dma_wait3A_833] : memref<4x!tpu.dma_semaphore, #tpu.memory_space<semaphore_mem>> -> memref<1x!tpu.dma_semaphore, #tpu.memory_space<semaphore_mem>>
    %dma_wait3A_844 = tpu.memref_squeeze %dma_wait3A_843 : memref<1x!tpu.dma_semaphore, #tpu.memory_space<semaphore_mem>> -> memref<!tpu.dma_semaphore, #tpu.memory_space<semaphore_mem>>
    tpu.wait_indirect_dma semaphore(%dma_wait3A_844 : memref<!tpu.dma_semaphore, #tpu.memory_space<semaphore_mem>>) src(%dma_wait3A_842 : memref<168x512xf32, #tpu.memory_space<hbm>>) dst(%dma_wait3A_837 : memref<32x512xf32, #tpu.memory_space<vmem>>)
    %add3A_845 = arith.constant 416 : i32
    %add3A_846 = arith.addi %mul3A_2, %add3A_845 : i32
    %dma_start3A_847 = arith.constant 1 : i32
    %dma_start3A_848 = arith.constant 1 : i32
    %dma_start3A_849 = arith.constant 0 : i32
    %dma_start3A_850 = arith.constant 0 : i32
    %dma_start3A_851 = tpu.memref_slice %arg6[%dma_start3A_847, %dma_start3A_849, %dma_start3A_850] : memref<4x32x512xf32, #tpu.memory_space<vmem>> -> memref<1x32x512xf32, #tpu.memory_space<vmem>>
    %dma_start3A_852 = tpu.memref_squeeze %dma_start3A_851 : memref<1x32x512xf32, #tpu.memory_space<vmem>> -> memref<32x512xf32, #tpu.memory_space<vmem>>
    %dma_start3A_853 = arith.constant 0 : i32
    %dma_start3A_854 = tpu.memref_slice %arg4[%add3A_846, %dma_start3A_853] : memref<16384x512xf32, #tpu.memory_space<hbm>> -> memref<32x512xf32, #tpu.memory_space<hbm>>
    %dma_start3A_855 = tpu.memref_slice %arg8[%dma_start3A_848] : memref<4x!tpu.dma_semaphore, #tpu.memory_space<semaphore_mem>> -> memref<1x!tpu.dma_semaphore, #tpu.memory_space<semaphore_mem>>
    %dma_start3A_856 = tpu.memref_squeeze %dma_start3A_855 : memref<1x!tpu.dma_semaphore, #tpu.memory_space<semaphore_mem>> -> memref<!tpu.dma_semaphore, #tpu.memory_space<semaphore_mem>>
    %dma_start3A_857 = arith.constant 0 : i32
    %dma_start3A_858 = tpu.memref_slice %arg4[%add3A_846, %dma_start3A_857] : memref<16384x512xf32, #tpu.memory_space<hbm>> -> memref<32x512xf32, #tpu.memory_space<hbm>>
    %dma_start3A_859 = arith.constant 0 : i32
    %dma_start3A_860 = arith.constant 0 : i32
    %dma_start3A_861 = tpu.memref_slice %arg6[%dma_start3A_847, %dma_start3A_859, %dma_start3A_860] : memref<4x32x512xf32, #tpu.memory_space<vmem>> -> memref<1x32x512xf32, #tpu.memory_space<vmem>>
    %dma_start3A_862 = tpu.memref_squeeze %dma_start3A_861 : memref<1x32x512xf32, #tpu.memory_space<vmem>> -> memref<32x512xf32, #tpu.memory_space<vmem>>
    tpu.enqueue_dma source(%dma_start3A_862 : memref<32x512xf32, #tpu.memory_space<vmem>>) target(%dma_start3A_858 : memref<32x512xf32, #tpu.memory_space<hbm>>) target_semaphore(%dma_start3A_856 : memref<!tpu.dma_semaphore, #tpu.memory_space<semaphore_mem>>)
    %dma_wait3A_863 = arith.constant 2 : i32
    %dma_wait3A_864 = arith.constant 2 : i32
    %dma_wait3A_865 = arith.constant 0 : i32
    %dma_wait3A_866 = arith.constant 0 : i32
    %dma_wait3A_867 = tpu.memref_slice %arg6[%dma_wait3A_863, %dma_wait3A_865, %dma_wait3A_866] : memref<4x32x512xf32, #tpu.memory_space<vmem>> -> memref<1x32x512xf32, #tpu.memory_space<vmem>>
    %dma_wait3A_868 = tpu.memref_squeeze %dma_wait3A_867 : memref<1x32x512xf32, #tpu.memory_space<vmem>> -> memref<32x512xf32, #tpu.memory_space<vmem>>
    %dma_wait3A_869 = arith.constant 448 : i32
    %dma_wait3A_870 = tpu.memref_slice %arg5[%dma_wait3A_869] : memref<512xi32, #tpu.memory_space<vmem>> -> memref<32xi32, #tpu.memory_space<vmem>>
    %dma_wait3A_871 = arith.constant 0 : i32
    %dma_wait3A_872 = arith.constant 0 : i32
    %dma_wait3A_873 = tpu.memref_slice %arg3[%dma_wait3A_871, %dma_wait3A_872] : memref<168x512xf32, #tpu.memory_space<hbm>> -> memref<168x512xf32, #tpu.memory_space<hbm>>
    %dma_wait3A_874 = tpu.memref_slice %arg7[%dma_wait3A_864] : memref<4x!tpu.dma_semaphore, #tpu.memory_space<semaphore_mem>> -> memref<1x!tpu.dma_semaphore, #tpu.memory_space<semaphore_mem>>
    %dma_wait3A_875 = tpu.memref_squeeze %dma_wait3A_874 : memref<1x!tpu.dma_semaphore, #tpu.memory_space<semaphore_mem>> -> memref<!tpu.dma_semaphore, #tpu.memory_space<semaphore_mem>>
    tpu.wait_indirect_dma semaphore(%dma_wait3A_875 : memref<!tpu.dma_semaphore, #tpu.memory_space<semaphore_mem>>) src(%dma_wait3A_873 : memref<168x512xf32, #tpu.memory_space<hbm>>) dst(%dma_wait3A_868 : memref<32x512xf32, #tpu.memory_space<vmem>>)
    %add3A_876 = arith.constant 448 : i32
    %add3A_877 = arith.addi %mul3A_2, %add3A_876 : i32
    %dma_start3A_878 = arith.constant 2 : i32
    %dma_start3A_879 = arith.constant 2 : i32
    %dma_start3A_880 = arith.constant 0 : i32
    %dma_start3A_881 = arith.constant 0 : i32
    %dma_start3A_882 = tpu.memref_slice %arg6[%dma_start3A_878, %dma_start3A_880, %dma_start3A_881] : memref<4x32x512xf32, #tpu.memory_space<vmem>> -> memref<1x32x512xf32, #tpu.memory_space<vmem>>
    %dma_start3A_883 = tpu.memref_squeeze %dma_start3A_882 : memref<1x32x512xf32, #tpu.memory_space<vmem>> -> memref<32x512xf32, #tpu.memory_space<vmem>>
    %dma_start3A_884 = arith.constant 0 : i32
    %dma_start3A_885 = tpu.memref_slice %arg4[%add3A_877, %dma_start3A_884] : memref<16384x512xf32, #tpu.memory_space<hbm>> -> memref<32x512xf32, #tpu.memory_space<hbm>>
    %dma_start3A_886 = tpu.memref_slice %arg8[%dma_start3A_879] : memref<4x!tpu.dma_semaphore, #tpu.memory_space<semaphore_mem>> -> memref<1x!tpu.dma_semaphore, #tpu.memory_space<semaphore_mem>>
    %dma_start3A_887 = tpu.memref_squeeze %dma_start3A_886 : memref<1x!tpu.dma_semaphore, #tpu.memory_space<semaphore_mem>> -> memref<!tpu.dma_semaphore, #tpu.memory_space<semaphore_mem>>
    %dma_start3A_888 = arith.constant 0 : i32
    %dma_start3A_889 = tpu.memref_slice %arg4[%add3A_877, %dma_start3A_888] : memref<16384x512xf32, #tpu.memory_space<hbm>> -> memref<32x512xf32, #tpu.memory_space<hbm>>
    %dma_start3A_890 = arith.constant 0 : i32
    %dma_start3A_891 = arith.constant 0 : i32
    %dma_start3A_892 = tpu.memref_slice %arg6[%dma_start3A_878, %dma_start3A_890, %dma_start3A_891] : memref<4x32x512xf32, #tpu.memory_space<vmem>> -> memref<1x32x512xf32, #tpu.memory_space<vmem>>
    %dma_start3A_893 = tpu.memref_squeeze %dma_start3A_892 : memref<1x32x512xf32, #tpu.memory_space<vmem>> -> memref<32x512xf32, #tpu.memory_space<vmem>>
    tpu.enqueue_dma source(%dma_start3A_893 : memref<32x512xf32, #tpu.memory_space<vmem>>) target(%dma_start3A_889 : memref<32x512xf32, #tpu.memory_space<hbm>>) target_semaphore(%dma_start3A_887 : memref<!tpu.dma_semaphore, #tpu.memory_space<semaphore_mem>>)
    %dma_wait3A_894 = arith.constant 3 : i32
    %dma_wait3A_895 = arith.constant 3 : i32
    %dma_wait3A_896 = arith.constant 0 : i32
    %dma_wait3A_897 = arith.constant 0 : i32
    %dma_wait3A_898 = tpu.memref_slice %arg6[%dma_wait3A_894, %dma_wait3A_896, %dma_wait3A_897] : memref<4x32x512xf32, #tpu.memory_space<vmem>> -> memref<1x32x512xf32, #tpu.memory_space<vmem>>
    %dma_wait3A_899 = tpu.memref_squeeze %dma_wait3A_898 : memref<1x32x512xf32, #tpu.memory_space<vmem>> -> memref<32x512xf32, #tpu.memory_space<vmem>>
    %dma_wait3A_900 = arith.constant 480 : i32
    %dma_wait3A_901 = tpu.memref_slice %arg5[%dma_wait3A_900] : memref<512xi32, #tpu.memory_space<vmem>> -> memref<32xi32, #tpu.memory_space<vmem>>
    %dma_wait3A_902 = arith.constant 0 : i32
    %dma_wait3A_903 = arith.constant 0 : i32
    %dma_wait3A_904 = tpu.memref_slice %arg3[%dma_wait3A_902, %dma_wait3A_903] : memref<168x512xf32, #tpu.memory_space<hbm>> -> memref<168x512xf32, #tpu.memory_space<hbm>>
    %dma_wait3A_905 = tpu.memref_slice %arg7[%dma_wait3A_895] : memref<4x!tpu.dma_semaphore, #tpu.memory_space<semaphore_mem>> -> memref<1x!tpu.dma_semaphore, #tpu.memory_space<semaphore_mem>>
    %dma_wait3A_906 = tpu.memref_squeeze %dma_wait3A_905 : memref<1x!tpu.dma_semaphore, #tpu.memory_space<semaphore_mem>> -> memref<!tpu.dma_semaphore, #tpu.memory_space<semaphore_mem>>
    tpu.wait_indirect_dma semaphore(%dma_wait3A_906 : memref<!tpu.dma_semaphore, #tpu.memory_space<semaphore_mem>>) src(%dma_wait3A_904 : memref<168x512xf32, #tpu.memory_space<hbm>>) dst(%dma_wait3A_899 : memref<32x512xf32, #tpu.memory_space<vmem>>)
    %add3A_907 = arith.constant 480 : i32
    %add3A_908 = arith.addi %mul3A_2, %add3A_907 : i32
    %dma_start3A_909 = arith.constant 3 : i32
    %dma_start3A_910 = arith.constant 3 : i32
    %dma_start3A_911 = arith.constant 0 : i32
    %dma_start3A_912 = arith.constant 0 : i32
    %dma_start3A_913 = tpu.memref_slice %arg6[%dma_start3A_909, %dma_start3A_911, %dma_start3A_912] : memref<4x32x512xf32, #tpu.memory_space<vmem>> -> memref<1x32x512xf32, #tpu.memory_space<vmem>>
    %dma_start3A_914 = tpu.memref_squeeze %dma_start3A_913 : memref<1x32x512xf32, #tpu.memory_space<vmem>> -> memref<32x512xf32, #tpu.memory_space<vmem>>
    %dma_start3A_915 = arith.constant 0 : i32
    %dma_start3A_916 = tpu.memref_slice %arg4[%add3A_908, %dma_start3A_915] : memref<16384x512xf32, #tpu.memory_space<hbm>> -> memref<32x512xf32, #tpu.memory_space<hbm>>
    %dma_start3A_917 = tpu.memref_slice %arg8[%dma_start3A_910] : memref<4x!tpu.dma_semaphore, #tpu.memory_space<semaphore_mem>> -> memref<1x!tpu.dma_semaphore, #tpu.memory_space<semaphore_mem>>
    %dma_start3A_918 = tpu.memref_squeeze %dma_start3A_917 : memref<1x!tpu.dma_semaphore, #tpu.memory_space<semaphore_mem>> -> memref<!tpu.dma_semaphore, #tpu.memory_space<semaphore_mem>>
    %dma_start3A_919 = arith.constant 0 : i32
    %dma_start3A_920 = tpu.memref_slice %arg4[%add3A_908, %dma_start3A_919] : memref<16384x512xf32, #tpu.memory_space<hbm>> -> memref<32x512xf32, #tpu.memory_space<hbm>>
    %dma_start3A_921 = arith.constant 0 : i32
    %dma_start3A_922 = arith.constant 0 : i32
    %dma_start3A_923 = tpu.memref_slice %arg6[%dma_start3A_909, %dma_start3A_921, %dma_start3A_922] : memref<4x32x512xf32, #tpu.memory_space<vmem>> -> memref<1x32x512xf32, #tpu.memory_space<vmem>>
    %dma_start3A_924 = tpu.memref_squeeze %dma_start3A_923 : memref<1x32x512xf32, #tpu.memory_space<vmem>> -> memref<32x512xf32, #tpu.memory_space<vmem>>
    tpu.enqueue_dma source(%dma_start3A_924 : memref<32x512xf32, #tpu.memory_space<vmem>>) target(%dma_start3A_920 : memref<32x512xf32, #tpu.memory_space<hbm>>) target_semaphore(%dma_start3A_918 : memref<!tpu.dma_semaphore, #tpu.memory_space<semaphore_mem>>)
    %add3A_925 = arith.constant 384 : i32
    %add3A_926 = arith.addi %mul3A_2, %add3A_925 : i32
    %dma_wait3A_927 = arith.constant 0 : i32
    %dma_wait3A_928 = arith.constant 0 : i32
    %dma_wait3A_929 = arith.constant 0 : i32
    %dma_wait3A_930 = arith.constant 0 : i32
    %dma_wait3A_931 = tpu.memref_slice %arg6[%dma_wait3A_927, %dma_wait3A_929, %dma_wait3A_930] : memref<4x32x512xf32, #tpu.memory_space<vmem>> -> memref<1x32x512xf32, #tpu.memory_space<vmem>>
    %dma_wait3A_932 = tpu.memref_squeeze %dma_wait3A_931 : memref<1x32x512xf32, #tpu.memory_space<vmem>> -> memref<32x512xf32, #tpu.memory_space<vmem>>
    %dma_wait3A_933 = arith.constant 0 : i32
    %dma_wait3A_934 = tpu.memref_slice %arg4[%add3A_926, %dma_wait3A_933] : memref<16384x512xf32, #tpu.memory_space<hbm>> -> memref<32x512xf32, #tpu.memory_space<hbm>>
    %dma_wait3A_935 = tpu.memref_slice %arg8[%dma_wait3A_928] : memref<4x!tpu.dma_semaphore, #tpu.memory_space<semaphore_mem>> -> memref<1x!tpu.dma_semaphore, #tpu.memory_space<semaphore_mem>>
    %dma_wait3A_936 = tpu.memref_squeeze %dma_wait3A_935 : memref<1x!tpu.dma_semaphore, #tpu.memory_space<semaphore_mem>> -> memref<!tpu.dma_semaphore, #tpu.memory_space<semaphore_mem>>
    %dma_wait3A_937 = arith.constant 0 : i32
    %dma_wait3A_938 = tpu.memref_slice %arg4[%add3A_926, %dma_wait3A_937] : memref<16384x512xf32, #tpu.memory_space<hbm>> -> memref<32x512xf32, #tpu.memory_space<hbm>>
    %dma_wait3A_939 = arith.constant 0 : i32
    %dma_wait3A_940 = arith.constant 0 : i32
    %dma_wait3A_941 = tpu.memref_slice %arg6[%dma_wait3A_927, %dma_wait3A_939, %dma_wait3A_940] : memref<4x32x512xf32, #tpu.memory_space<vmem>> -> memref<1x32x512xf32, #tpu.memory_space<vmem>>
    %dma_wait3A_942 = tpu.memref_squeeze %dma_wait3A_941 : memref<1x32x512xf32, #tpu.memory_space<vmem>> -> memref<32x512xf32, #tpu.memory_space<vmem>>
    tpu.wait_dma2 semaphore(%dma_wait3A_936 : memref<!tpu.dma_semaphore, #tpu.memory_space<semaphore_mem>>) src(%dma_wait3A_942 : memref<32x512xf32, #tpu.memory_space<vmem>>) dst(%dma_wait3A_938 : memref<32x512xf32, #tpu.memory_space<hbm>>)
    %add3A_943 = arith.constant 416 : i32
    %add3A_944 = arith.addi %mul3A_2, %add3A_943 : i32
    %dma_wait3A_945 = arith.constant 1 : i32
    %dma_wait3A_946 = arith.constant 1 : i32
    %dma_wait3A_947 = arith.constant 0 : i32
    %dma_wait3A_948 = arith.constant 0 : i32
    %dma_wait3A_949 = tpu.memref_slice %arg6[%dma_wait3A_945, %dma_wait3A_947, %dma_wait3A_948] : memref<4x32x512xf32, #tpu.memory_space<vmem>> -> memref<1x32x512xf32, #tpu.memory_space<vmem>>
    %dma_wait3A_950 = tpu.memref_squeeze %dma_wait3A_949 : memref<1x32x512xf32, #tpu.memory_space<vmem>> -> memref<32x512xf32, #tpu.memory_space<vmem>>
    %dma_wait3A_951 = arith.constant 0 : i32
    %dma_wait3A_952 = tpu.memref_slice %arg4[%add3A_944, %dma_wait3A_951] : memref<16384x512xf32, #tpu.memory_space<hbm>> -> memref<32x512xf32, #tpu.memory_space<hbm>>
    %dma_wait3A_953 = tpu.memref_slice %arg8[%dma_wait3A_946] : memref<4x!tpu.dma_semaphore, #tpu.memory_space<semaphore_mem>> -> memref<1x!tpu.dma_semaphore, #tpu.memory_space<semaphore_mem>>
    %dma_wait3A_954 = tpu.memref_squeeze %dma_wait3A_953 : memref<1x!tpu.dma_semaphore, #tpu.memory_space<semaphore_mem>> -> memref<!tpu.dma_semaphore, #tpu.memory_space<semaphore_mem>>
    %dma_wait3A_955 = arith.constant 0 : i32
    %dma_wait3A_956 = tpu.memref_slice %arg4[%add3A_944, %dma_wait3A_955] : memref<16384x512xf32, #tpu.memory_space<hbm>> -> memref<32x512xf32, #tpu.memory_space<hbm>>
    %dma_wait3A_957 = arith.constant 0 : i32
    %dma_wait3A_958 = arith.constant 0 : i32
    %dma_wait3A_959 = tpu.memref_slice %arg6[%dma_wait3A_945, %dma_wait3A_957, %dma_wait3A_958] : memref<4x32x512xf32, #tpu.memory_space<vmem>> -> memref<1x32x512xf32, #tpu.memory_space<vmem>>
    %dma_wait3A_960 = tpu.memref_squeeze %dma_wait3A_959 : memref<1x32x512xf32, #tpu.memory_space<vmem>> -> memref<32x512xf32, #tpu.memory_space<vmem>>
    tpu.wait_dma2 semaphore(%dma_wait3A_954 : memref<!tpu.dma_semaphore, #tpu.memory_space<semaphore_mem>>) src(%dma_wait3A_960 : memref<32x512xf32, #tpu.memory_space<vmem>>) dst(%dma_wait3A_956 : memref<32x512xf32, #tpu.memory_space<hbm>>)
    %add3A_961 = arith.constant 448 : i32
    %add3A_962 = arith.addi %mul3A_2, %add3A_961 : i32
    %dma_wait3A_963 = arith.constant 2 : i32
    %dma_wait3A_964 = arith.constant 2 : i32
    %dma_wait3A_965 = arith.constant 0 : i32
    %dma_wait3A_966 = arith.constant 0 : i32
    %dma_wait3A_967 = tpu.memref_slice %arg6[%dma_wait3A_963, %dma_wait3A_965, %dma_wait3A_966] : memref<4x32x512xf32, #tpu.memory_space<vmem>> -> memref<1x32x512xf32, #tpu.memory_space<vmem>>
    %dma_wait3A_968 = tpu.memref_squeeze %dma_wait3A_967 : memref<1x32x512xf32, #tpu.memory_space<vmem>> -> memref<32x512xf32, #tpu.memory_space<vmem>>
    %dma_wait3A_969 = arith.constant 0 : i32
    %dma_wait3A_970 = tpu.memref_slice %arg4[%add3A_962, %dma_wait3A_969] : memref<16384x512xf32, #tpu.memory_space<hbm>> -> memref<32x512xf32, #tpu.memory_space<hbm>>
    %dma_wait3A_971 = tpu.memref_slice %arg8[%dma_wait3A_964] : memref<4x!tpu.dma_semaphore, #tpu.memory_space<semaphore_mem>> -> memref<1x!tpu.dma_semaphore, #tpu.memory_space<semaphore_mem>>
    %dma_wait3A_972 = tpu.memref_squeeze %dma_wait3A_971 : memref<1x!tpu.dma_semaphore, #tpu.memory_space<semaphore_mem>> -> memref<!tpu.dma_semaphore, #tpu.memory_space<semaphore_mem>>
    %dma_wait3A_973 = arith.constant 0 : i32
    %dma_wait3A_974 = tpu.memref_slice %arg4[%add3A_962, %dma_wait3A_973] : memref<16384x512xf32, #tpu.memory_space<hbm>> -> memref<32x512xf32, #tpu.memory_space<hbm>>
    %dma_wait3A_975 = arith.constant 0 : i32
    %dma_wait3A_976 = arith.constant 0 : i32
    %dma_wait3A_977 = tpu.memref_slice %arg6[%dma_wait3A_963, %dma_wait3A_975, %dma_wait3A_976] : memref<4x32x512xf32, #tpu.memory_space<vmem>> -> memref<1x32x512xf32, #tpu.memory_space<vmem>>
    %dma_wait3A_978 = tpu.memref_squeeze %dma_wait3A_977 : memref<1x32x512xf32, #tpu.memory_space<vmem>> -> memref<32x512xf32, #tpu.memory_space<vmem>>
    tpu.wait_dma2 semaphore(%dma_wait3A_972 : memref<!tpu.dma_semaphore, #tpu.memory_space<semaphore_mem>>) src(%dma_wait3A_978 : memref<32x512xf32, #tpu.memory_space<vmem>>) dst(%dma_wait3A_974 : memref<32x512xf32, #tpu.memory_space<hbm>>)
    %add3A_979 = arith.constant 480 : i32
    %add3A_980 = arith.addi %mul3A_2, %add3A_979 : i32
    %dma_wait3A_981 = arith.constant 3 : i32
    %dma_wait3A_982 = arith.constant 3 : i32
    %dma_wait3A_983 = arith.constant 0 : i32
    %dma_wait3A_984 = arith.constant 0 : i32
    %dma_wait3A_985 = tpu.memref_slice %arg6[%dma_wait3A_981, %dma_wait3A_983, %dma_wait3A_984] : memref<4x32x512xf32, #tpu.memory_space<vmem>> -> memref<1x32x512xf32, #tpu.memory_space<vmem>>
    %dma_wait3A_986 = tpu.memref_squeeze %dma_wait3A_985 : memref<1x32x512xf32, #tpu.memory_space<vmem>> -> memref<32x512xf32, #tpu.memory_space<vmem>>
    %dma_wait3A_987 = arith.constant 0 : i32
    %dma_wait3A_988 = tpu.memref_slice %arg4[%add3A_980, %dma_wait3A_987] : memref<16384x512xf32, #tpu.memory_space<hbm>> -> memref<32x512xf32, #tpu.memory_space<hbm>>
    %dma_wait3A_989 = tpu.memref_slice %arg8[%dma_wait3A_982] : memref<4x!tpu.dma_semaphore, #tpu.memory_space<semaphore_mem>> -> memref<1x!tpu.dma_semaphore, #tpu.memory_space<semaphore_mem>>
    %dma_wait3A_990 = tpu.memref_squeeze %dma_wait3A_989 : memref<1x!tpu.dma_semaphore, #tpu.memory_space<semaphore_mem>> -> memref<!tpu.dma_semaphore, #tpu.memory_space<semaphore_mem>>
    %dma_wait3A_991 = arith.constant 0 : i32
    %dma_wait3A_992 = tpu.memref_slice %arg4[%add3A_980, %dma_wait3A_991] : memref<16384x512xf32, #tpu.memory_space<hbm>> -> memref<32x512xf32, #tpu.memory_space<hbm>>
    %dma_wait3A_993 = arith.constant 0 : i32
    %dma_wait3A_994 = arith.constant 0 : i32
    %dma_wait3A_995 = tpu.memref_slice %arg6[%dma_wait3A_981, %dma_wait3A_993, %dma_wait3A_994] : memref<4x32x512xf32, #tpu.memory_space<vmem>> -> memref<1x32x512xf32, #tpu.memory_space<vmem>>
    %dma_wait3A_996 = tpu.memref_squeeze %dma_wait3A_995 : memref<1x32x512xf32, #tpu.memory_space<vmem>> -> memref<32x512xf32, #tpu.memory_space<vmem>>
    tpu.wait_dma2 semaphore(%dma_wait3A_990 : memref<!tpu.dma_semaphore, #tpu.memory_space<semaphore_mem>>) src(%dma_wait3A_996 : memref<32x512xf32, #tpu.memory_space<vmem>>) dst(%dma_wait3A_992 : memref<32x512xf32, #tpu.memory_space<hbm>>)
    return
  }
}

</mosaic_0001>

<sc_bundles>
// kernel: kernel.3.cloned.1.call-start
scs
__scs_entry_jumppad:
0x0: {  	(pc) =	sbr.rel $0x88, $3  }
0x1: {  	(tag) =	ssettag $0x0;
	lr =	simm.s32 $0x1  }
0x2: {  	[smem:$0x3F9F] =	sst lr;
	_ =	strace $0xD0000000  }
0x3: {  	_ = 	snop  }
0x4: {  	_ = 	snop  }
0x5: {  	_ = 	snop  }
0x6: {  	_ = 	snop  }
0x7: {  	_ = 	snop  }
__scs_overlays_trampoline_lowered:
0x8: {  	[smem:$0x3FAE] =	sst s0  }
0x9: {  	[smem:$0x3FAF] =	sst s1  }
0xa: {  	[smem:$0x3FB0] =	sst s2  }
0xb: {  	[smem:$0x3FB1] =	sst s3  }
0xc: {  	[smem:$0x3FB2] =	sst s4  }
0xd: {  	[smem:$0x3FB3] =	sst s5  }
0xe: {  	[smem:$0x3FB4] =	sst s6  }
0xf: {  	[smem:$0x3FB5] =	sst s7  }
0x10: {  	[smem:$0x3FB6] =	sst s8  }
0x11: {  	[smem:$0x3FB7] =	sst s9;
	s0 =	simm.s32 @!p0 $0x0  }
0x12: {  	s1 =	sld [smem:$0x3F9D];
	s0 =	simm.s32 @p0 $0x1  }
0x13: {  	[smem:$0x3FB8] =	sst s0;
	s0 =	simm.s32 @!p1 $0x0  }
0x14: {  	s2 =	sld [smem:$0x3F9C];
	s0 =	simm.s32 @p1 $0x1  }
0x15: {  	[smem:$0x3FB9] =	sst s0;
	s0 =	simm.s32 @!p2 $0x0  }
0x16: {  	s3 =	sld [smem:$0x3FDB];
	s0 =	simm.s32 @p2 $0x1  }
0x17: {  	s4 =	simm.s32 $0x1BF5;
	[smem:$0x3FBB] =	sst s0  }
0x18: {  	s0 =	sld [smem:$0x3F9E];
	_ =	swait.ge [sflag:s4], $0x0  }
0x19: {  	s7 =	sld [smem:$0x3F9F]  }
0x1a: {  	s8 =	sadd.s32 $0xFFFFE003, lr  }
0x1b: {  	s9 =	sadd.s32 $0xFFFFFEF7, lr;
	s5 =	simm.s32 $0xFFFFFFFF;
	p2 =	slt.u32 s8, $0xFFFFF086  }
0x1c: {  	p1 =	slt.u32 s9, $0xF7A;
	s5 =	simm.s32 @!p2 $0x0  }
0x1d: {  	s5 =	simm.s32 @p1 $0x1;
	p0 =	seq.s32 s7, s2  }
0x1e: {  	s7 =	smul.u32 @!p0 $0xF7A, s2;
	p2 =	seq.s32 @!p0 s5, $0x0  }
0x1f: {  	s9 =	smul.u32 $0xF7A, s1;
	s8 =	simm.s32 @!p0 $0x1BF5;
	p2 =	por !p2, p0  }
0x20: {  	[sflag:s8] =	ssyncset.s32 @!p0 $0xFFFFF086;
	s6 =	sadd.s32 @!p0 s3, s7;
	s7 =	simm.s32 @!p0 $0x108  }
0x21: {  	s3 =	sadd.s32 s3, s9;
	s6 =	sadd.s32 @!p0 $0x88, s6;
	s7 =	simm.s32 @p2 $0x1082  }
0x22: {  	[simem:s7], [sflag:s8] =	dma.local @!p0 [hbm:s6], $0xF7A  }
0x23: {  	s9 =	sor.u32 $0xD0000000, s2;
	s6 =	simm.s32 $0x108;
	_ =	swait.ge @!p0 [sflag:s8], $0x0  }
0x24: {  	s3 =	sadd.s32 $0x88, s3;
	s6 =	simm.s32 @!p1 $0x1082;
	[sflag:s4] =	ssyncset.s32 $0xFFFFF086  }
0x25: {  	[simem:s6], [sflag:s4] =	dma.local [hbm:s3], $0xF7A  }
0x26: {  	[smem:$0x3F9F] =	sst s1;
	(tag) =	ssettag s2;
	_ =	strace s9  }
0x27: {  	s1 =	sld [smem:$0x3FAF]  }
0x28: {  	s2 =	sld [smem:$0x3FB0]  }
0x29: {  	s4 =	sld [smem:$0x3FB2]  }
0x2a: {  	p0 =	seq.s32 s5, $0x0;
	s5 =	sld [smem:$0x3FB3]  }
0x2b: {  	s6 =	sld [smem:$0x3FB4]  }
0x2c: {  	s7 =	sld [smem:$0x3FB5]  }
0x2d: {  	s3 =	simm.s32 $0x108;
	s8 =	sld [smem:$0x3FB6]  }
0x2e: {  	s3 =	simm.s32 @!p0 $0x1082;
	s9 =	sld [smem:$0x3FB7]  }
0x2f: {  	lr =	sadd.s32 s0, s3;
	s0 =	sld [smem:$0x3FAE]  }
0x30: {  	s3 =	sld [smem:$0x3FB1]  }
0x31: {  	[smem:$0x3FBA] =	sst s10  }
0x32: {  	s10 =	sld [smem:$0x3FB8];
	_ =	sdelay $0x3  }
0x33: {  	p0 =	seq.s32 s10, $0x1;
	s10 =	sld [smem:$0x3FBA];
	_ =	sdelay $0x3  }
0x34: {  	[smem:$0x3FBA] =	sst s10  }
0x35: {  	s10 =	sld [smem:$0x3FB9];
	_ =	sdelay $0x3  }
0x36: {  	p1 =	seq.s32 s10, $0x1;
	s10 =	sld [smem:$0x3FBA];
	_ =	sdelay $0x3  }
0x37: {  	[smem:$0x3FBA] =	sst s10  }
0x38: {  	s10 =	sld [smem:$0x3FBB]  }
0x39: {  	_ = 	snop;
	(pc) =	sbr.ind lr, $3  }
0x3a: {  	_ = 	snop  }
0x3b: {  	_ = 	snop  }
0x3c: {  	p2 =	seq.s32 s10, $0x1;
	s10 =	sld [smem:$0x3FBA]  }
0x3d: {  	_ =	shalt  }
0x3e: {  	_ =	shalt  }
0x3f: {  	_ =	shalt  }
0x40: {  	_ =	shalt  }
0x41: {  	_ =	shalt  }
0x42: {  	_ =	shalt  }
0x43: {  	_ =	shalt  }
0x44: {  	_ =	shalt  }
0x45: {  	_ =	shalt  }
0x46: {  	_ =	shalt  }
0x47: {  	_ =	shalt  }
0x48: {  	_ =	shalt  }
0x49: {  	_ =	shalt  }
0x4a: {  	_ =	shalt  }
0x4b: {  	_ =	shalt  }
0x4c: {  	_ =	shalt  }
0x4d: {  	_ =	shalt  }
0x4e: {  	_ =	shalt  }
0x4f: {  	_ =	shalt  }
0x50: {  	_ =	shalt  }
0x51: {  	_ =	shalt  }
0x52: {  	_ =	shalt  }
0x53: {  	_ =	shalt  }
0x54: {  	_ =	shalt  }
0x55: {  	_ =	shalt  }
0x56: {  	_ =	shalt  }
0x57: {  	_ =	shalt  }
0x58: {  	_ =	shalt  }
0x59: {  	_ =	shalt  }
0x5a: {  	_ =	shalt  }
0x5b: {  	_ =	shalt  }
0x5c: {  	_ =	shalt  }
0x5d: {  	_ =	shalt  }
0x5e: {  	_ =	shalt  }
0x5f: {  	_ =	shalt  }
0x60: {  	_ =	shalt  }
0x61: {  	_ =	shalt  }
0x62: {  	_ =	shalt  }
0x63: {  	_ =	shalt  }
0x64: {  	_ =	shalt  }
0x65: {  	_ =	shalt  }
0x66: {  	_ =	shalt  }
0x67: {  	_ =	shalt  }
0x68: {  	_ =	shalt  }
0x69: {  	_ =	shalt  }
0x6a: {  	_ =	shalt  }
0x6b: {  	_ =	shalt  }
0x6c: {  	_ =	shalt  }
0x6d: {  	_ =	shalt  }
0x6e: {  	_ =	shalt  }
0x6f: {  	_ =	shalt  }
0x70: {  	_ =	shalt  }
0x71: {  	_ =	shalt  }
0x72: {  	_ =	shalt  }
0x73: {  	_ =	shalt  }
0x74: {  	_ =	shalt  }
0x75: {  	_ =	shalt  }
0x76: {  	_ =	shalt  }
0x77: {  	_ =	shalt  }
0x78: {  	_ =	shalt  }
0x79: {  	_ =	shalt  }
0x7a: {  	_ =	shalt  }
0x7b: {  	_ =	shalt  }
0x7c: {  	_ =	shalt  }
0x7d: {  	_ =	shalt  }
0x7e: {  	_ =	shalt  }
0x7f: {  	_ =	shalt  }
0x80: {  	_ =	shalt  }
0x81: {  	_ =	shalt  }
0x82: {  	_ =	shalt  }
0x83: {  	_ =	shalt  }
0x84: {  	_ =	shalt  }
0x85: {  	_ =	shalt  }
0x86: {  	_ =	shalt  }
0x87: {  	_ =	shalt  }
.Lfunc_end0:
.L_simem_size_0:
called_computation_lowered:
.L_overlay_start_0:
0x88: {  	s2 =	sld [smem:$0x3FD9]  }
0x89: {  	s3 =	sld [smem:$0x3FFE];
	_ =	sdelay $0x1  }
0x8a: {  	s1 =	srdreg.scid  }
0x8b: {  	s0 =	sand.u32 $0x1, s1  }
0x8c: {  	s18 =	sshll.u32 s0, $0xA;
	s2 =	sadd.s32 s3, s2  }
0x8d: {  	s2 =	sadd.s32 s2, s18  }
0x8e: {  	[smem:$0x3FC6] =	sst s2  }
0x8f: {  	_ = 	snop  }
0x90: {  	s2 =	sld [smem:$0x3FC9]  }
0x91: {  	s19 =	sld [smem:$0x3FC8]  }
0x92: {  	s4 =	sld [smem:$0x3FD0];
	(tm) =	ssettm $0x1  }
0x93: {  	s5 =	sld [smem:$0x3FFB];
	_ =	sdelay $0x3  }
0x94: {  	_ =	strace s5  }
0x95: {  	s5 =	sld [smem:$0x3FFC];
	_ =	sdelay $0x3  }
0x96: {  	_ =	strace s5  }
0x97: {  	s5 =	sld [smem:$0x3FFD];
	_ =	sdelay $0x3  }
0x98: {  	_ =	strace s5  }
0x99: {  	_ =	strace $0x8FFFFFFF  }
0x9a: {  	s20 =	sld [smem:$0x3FDB];
	_ =	sdelay $0x1  }
0x9b: {  	s6 =	simm.s32 $_scs_section_size  }
0x9c: {  	s7 =	simm.s32 $_size__tile_overlayer_lowered;
	s8 =	simm.s32 $_tile_overlayer_lowered  }
0x9d: {  	s23 =	simm.s32 $0x1BFF;
	s22 =	sshll.u32 s8, $0x1;
	s5 =	sadd.s32 s6, s20  }
0x9e: {  	s9 =	simm.s32 $0x0;
	s21 =	sshll.u32 s7, $0x1;
	s7 =	sadd.s32 s22, s5  }
0x9f: {  	[timem:s9], [sflag:s23] =	dma.local [hbm:s7], s21  }
0xa0: {  	_ =	swait.ge [sflag:s23], s21  }
0xa1: {  	s6 =	ssub.s32 $0x0, s21;
	[sflag:s23] =	ssyncset.done $0x0  }
0xa2: {  	[sflag:s23] =	ssyncadd.s32 s6;
	_ =	sdelay $0x1  }
0xa3: {  	s24 =	simm.s32 $0x1B8B  }
0xa4: {  	_ =	swait.ge [sflag:s24], $0x1  }
0xa5: {  	[sflag:s24] =	ssyncset.done $0x0  }
0xa6: {  	s25 =	simm.s32 $0x1B8E;
	[sflag:s24] =	ssyncadd.s32 $0xFFFFFFFF  }
0xa7: {  	s26 =	simm.s32 $execute0_lowered;
	[smem:$0x3FD2] =	sst s25  }
0xa8: {  	s6 =	sshll.u32 s26, $0x1;
	_ =	strace $0x80000046;
	[dreg:$0x1] =	wrdreg $0xFFFFFFFF  }
0xa9: {  	s28 =	simm.s32 $_size_execute0_lowered;
	s5 =	sadd.s32 s5, s6;
	[dreg:$0x0] =	wrdreg $0x0  }
0xaa: {  	s6 =	sshll.u32 s28, $0x1;
	[dreg:$0x2] =	wrdreg s5  }
0xab: {  	[dreg:$0x3] =	wrdreg s6  }
0xac: {  	[dreg:$0x4] =	wrdreg $0xC0  }
0xad: {  	_ =	task [dreg:s9], $0x5FFFF  }
0xae: {  	[dreg:$0x1] =	wrdreg $0xFFFFFFFF  }
0xaf: {  	[dreg:$0x0] =	wrdreg $0x60  }
0xb0: {  	[dreg:$0x2] =	wrdreg s2  }
0xb1: {  	[dreg:$0x3] =	wrdreg s19  }
0xb2: {  	[dreg:$0x4] =	wrdreg s4  }
0xb3: {  	[dreg:$0x5] =	wrdreg $0x9  }
0xb4: {  	_ =	task.clear_ibuf [dreg:s9], $0x6FFFF;
	_ =	strace $0x90000046  }
0xb5: {  	s29 =	simm.s32 $0x9;
	_ =	strace $0x80000048  }
0xb6: {  	_ =	swait.ge [sflag:s29], $0x1  }
0xb7: {  	[sflag:s29] =	ssyncadd.s32 $0xFFFFFFFF  }
0xb8: {  	_ =	strace $0x90000048  }
0xb9: {  	_ =	sfence  }
0xba: {  	s30 =	sld [smem:$0x0];
	_ =	sdelay $0x2  }
0xbb: {  	s31 =	sshll.u32 s1, $0xD;
	s1 =	sshrl.u32 s1, $0x2  }
0xbc: {  	s3 =	sand.u32 $0x4000, s31;
	s1 =	sadd.s32 s1, s30  }
0xbd: {  	s0 =	sor.u32 s3, s0;
	s1 =	sshll.u32 s1, $0x11  }
0xbe: {  	s0 =	sor.u32 s1, s0  }
0xbf: {  	s0 =	sadd.s32 $0x8F2B, s0  }
0xc0: {  	[sflag:s0] =	ssyncadd.remote.s32 $0x1  }
0xc1: {  	_ =	sfence.sel $0xFFFF  }
0xc2: {  	[dreg:$0x0] =	wrdreg $0xFFFFFFFF;
	(pc) =	sbr.abs _section_cstart, $3  }
0xc3: {  	[dreg:$0x1] =	wrdreg $0xFFFFFFFF  }
0xc4: {  	_ =	task.clear_ibuf [dreg:s9], $0x2FFFF;
	_ =	strace $0x9FFFFFFF  }
0xc5: {  	(tm) =	ssettm $0x7FFFFFFF  }
tec
execute0_lowered:
.L_overlay_start_1:
0x0: {  	(tag) =	ssettag $0x1  }
0x1: {  	s0 =	rddreg [dreg:$0x0]  }
0x2: {  	s7 =	rddreg [dreg:$0x1]  }
0x3: {  	s1 =	rddreg [dreg:$0x2];
	s2 =	srdreg.scid  }
0x4: {  	s3 =	stileid.u32;
	s8 =	simm.s32 $0x0;
	s2 =	sand.u32 $0x1, s2  }
0x5: {  	s4 =	sshll.u32 s3, $0xA;
	[smem:$0x7FF] =	sst s8;
	s5 =	sshll.u32 s2, $0x9  }
0x6: {  	s14 =	sadd.s32 $0x100, s7;
	s2 =	ssub.s32 $0x2, s2;
	s4 =	sor.u32 s5, s4  }
0x7: {  	_ =	strace $0x80000047;
	s6 =	sshll.u32 s4, $0x6;
	s4 =	sshrl.u32 s4, $0x3  }
0x8: {  	[dreg:$0x9] =	wrdreg s14;
	s13 =	sshrl.u32 s2, $0x1;
	s0 =	sadd.s32 s0, s4  }
0x9: {  	s2 =	ssub.s32 s2, s13;
	s1 =	sadd.s32 s1, s6;
	[dreg:$0x8] =	wrdreg s0  }
0xa: {  	s31 =	smax.u32 s2, $0x1;
	[dreg:$0x7] =	wrdreg s1  }
0xb: {  	s15 =	sadd.s32 $0x800, s1;
	[dreg:$0x19] =	wrdreg s31  }
0xc: {  	s16 =	sadd.s32 $0x1000, s1;
	[dreg:$0xa] =	wrdreg s15  }
0xd: {  	s17 =	sadd.s32 $0x1800, s1;
	[dreg:$0xb] =	wrdreg s16  }
0xe: {  	s18 =	sadd.s32 $0x2000, s1;
	[dreg:$0xc] =	wrdreg s17  }
0xf: {  	s19 =	sadd.s32 $0x2800, s1;
	[dreg:$0xd] =	wrdreg s18  }
0x10: {  	s20 =	sadd.s32 $0x3000, s1;
	[dreg:$0xe] =	wrdreg s19  }
0x11: {  	v0 =	vimm.s32 $0xECA86420;
	s21 =	sadd.s32 $0x3800, s1;
	[dreg:$0xf] =	wrdreg s20  }
0x12: {  	vm0 =	vcmask $0xB08;
	vm1 =	vcmask $0x1310;
	vm2 =	vcmask $0x1B18;
	s22 =	sadd.s32 $0x4000, s1;
	[dreg:$0x10] =	wrdreg s21  }
0x13: {  	vm3 =	vcmask $0x300;
	vm4 =	vcmask $0x2320;
	vm5 =	vcmask $0x2B28;
	s23 =	sadd.s32 $0x4800, s1;
	[dreg:$0x11] =	wrdreg s22  }
0x14: {  	vm6 =	vcmask $0x3330;
	v4 =	vlaneseq.u32;
	vm7 =	vcmask $0x3B38;
	s24 =	sadd.s32 $0x5000, s1;
	[dreg:$0x12] =	wrdreg s23  }
0x15: {  	vm8 =	vmmov $0xff;
	vm10 =	vcmask $0xF0C;
	vm11 =	vcmask $0x1714;
	s25 =	sadd.s32 $0x5800, s1;
	[dreg:$0x13] =	wrdreg s24  }
0x16: {  	vm12 =	vcmask $0x1F1C;
	vm13 =	vcmask $0x2724;
	vm14 =	vcmask $0x2F2C;
	s26 =	sadd.s32 $0x6000, s1;
	[dreg:$0x14] =	wrdreg s25  }
0x17: {  	vm15 =	vcmask $0x3734;
	vm9 =	vmmov $0xffff;
	v5 =	vimm.s32 $0x0;
	s28 =	sadd.s32 $0x6800, s1;
	[dreg:$0x15] =	wrdreg s26  }
0x18: {  	v0 =	vunpack.c.l.s4.s8 v0;
	v1 =	vmul.u32 $0x2, v4;
	v2 =	vand.u32 $0x7, v4;
	s29 =	sadd.s32 $0x7000, s1;
	[dreg:$0x16] =	wrdreg s28  }
0x19: {  	v3 =	vshrl.u32 v4, $0x3;
	v4 =	vor.u32 $0x8, v4;
	v5 =	vsel vm9, $0xFFFFFFFF, v5;
	s30 =	sadd.s32 $0x7800, s1;
	[dreg:$0x17] =	wrdreg s29  }
0x1a: {  	vm9 =	vcmask $0x704;
	v3 =	vmul.u32 $0x8, v3;
	[tilespmem:$0x1FFF0] =	vst v5;
	v0 =	vunpack.c.0.s8.s32 v0;
	s1 =	simm.s32 $0x0;
	[dreg:$0x18] =	wrdreg s30  }
.LBB2_1:
0x1b: {  	[dreg:$0x1a] =	wrdreg s1  }
0x1c: {  	s0 =	rddreg [dreg:$0x8];
	s25 =	simm.s32 $0x9  }
0x1d: {  	[tilespmem:s8], [sflag:$0x9] =	stream.linear.gather [hbm4b:s0+s8], $0x200, $0x38;
	[tilespmem:$0x10200] =	vst v63  }
0x1e: {  	_ =	swait.ge [sflag:s25], $0x200  }
0x1f: {  	[sflag:s25] =	ssyncset.done $0x0  }
0x20: {  	s12 =	simm.s32 $0x0;
	[sflag:s25] =	ssyncadd.s32 $0xFFFFFE00  }
0x21: {  	v5 =	vld [tilespmem:s12+$0x0];
	_ =	sdelay $0x4  }
0x22: {  	(v2sf) =	vpush v5, $0x0  }
0x23: {  	(v2sf) =	vpush v5, $0x1  }
0x24: {  	(v2sf) =	vpush v5, $0x2;
	_ =	sdelay $0x1  }
0x25: {  	(v2sf) =	vpush v5, $0x7;
	_ =	sdelay $0x2  }
0x26: {  	(v2sf) =	vpush v5, $0x3  }
0x27: {  	(v2sf) =	vpush v5, $0x4;
	_ =	sdelay $0x1  }
0x28: {  	(v2sf) =	vpush v5, $0xC  }
0x29: {  	(v2sf) =	vpush v5, $0xD;
	_ =	sdelay $0x1  }
0x2a: {  	(v2sf) =	vpush v5, $0xE  }
0x2b: {  	(v2sf) =	vpush v5, $0x8  }
0x2c: {  	(v2sf) =	vpush v5, $0xF;
	s26 =	spop (v2sf)  }
0x2d: {  	s23 =	smulhi.u32 $0x30C30C31, s26;
	s2 =	spop (v2sf)  }
0x2e: {  	s4 =	smulhi.u32 $0x30C30C31, s2;
	s5 =	spop (v2sf)  }
0x2f: {  	s2 =	sshra.s32 s2, $0x1F;
	s6 =	smulhi.u32 $0x30C30C31, s5  }
0x30: {  	(v2sf) =	vpush v5, $0x9;
	s7 =	spop (v2sf);
	s2 =	smul.u32 $0x30C30C31, s2  }
0x31: {  	s5 =	sshra.s32 s5, $0x1F;
	s8 =	smulhi.u32 $0x30C30C31, s7  }
0x32: {  	s7 =	sshra.s32 s7, $0x1F;
	s5 =	smul.u32 $0x30C30C31, s5  }
0x33: {  	(v2sf) =	vpush v5, $0xA;
	s9 =	spop (v2sf);
	s7 =	smul.u32 $0x30C30C31, s7  }
0x34: {  	(v2sf) =	vpush v5, $0x5;
	s10 =	spop (v2sf);
	s14 =	smulhi.u32 $0x30C30C31, s9;
	s9 =	sshra.s32 s9, $0x1F  }
0x35: {  	s25 =	sshra.s32 s26, $0x1F;
	s11 =	sshra.s32 s10, $0x1F;
	s9 =	smul.u32 $0x30C30C31, s9  }
0x36: {  	s2 =	sadd.s32 s2, s4;
	s13 =	spop (v2sf);
	s16 =	smul.u32 $0x30C30C31, s11  }
0x37: {  	s5 =	sadd.s32 s5, s6;
	s0 =	spop (v2sf);
	s11 =	smulhi.u32 $0x30C30C31, s13  }
0x38: {  	(v2sf) =	vpush v5, $0xB;
	s15 =	sshra.s32 s13, $0x1F;
	s19 =	sshra.s32 s5, $0x5;
	s21 =	smulhi.u32 $0x30C30C31, s0  }
0x39: {  	s17 =	sshrl.u32 s5, $0x1F;
	s3 =	spop (v2sf);
	s15 =	smul.u32 $0x30C30C31, s15  }
0x3a: {  	s1 =	sshra.s32 s0, $0x1F;
	s20 =	smulhi.u32 $0x30C30C31, s3;
	s28 =	spop (v2sf)  }
0x3b: {  	(v2sf) =	vpush v5, $0x6;
	s18 =	sshra.s32 s5, $0x1F;
	s5 =	smul.u32 $0x30C30C31, s1;
	s13 =	spop (v2sf)  }
0x3c: {  	s3 =	sshra.s32 s3, $0x1F;
	s26 =	sadd.s32 s15, s11;
	s1 =	smulhi.u32 $0x30C30C31, s13  }
0x3d: {  	s22 =	sshra.s32 s13, $0x1F;
	s21 =	sadd.s32 s5, s21;
	s13 =	smulhi.u32 $0x30C30C31, s10  }
0x3e: {  	s31 =	sshra.s32 s28, $0x1F;
	s10 =	sshra.s32 s21, $0x5;
	s5 =	smul.u32 $0x30C30C31, s22  }
0x3f: {  	s11 =	sshrl.u32 s26, $0x1F;
	[dreg:$0x1b] =	wrdreg s10;
	s24 =	spop (v2sf)  }
0x40: {  	s10 =	sadd.s32 s9, s14;
	s0 =	sshra.s32 s24, $0x1F;
	s24 =	smulhi.u32 $0x30C30C31, s24  }
0x41: {  	s21 =	sshrl.u32 s21, $0x1F;
	s29 =	sshra.s32 s10, $0x5;
	s6 =	smul.u32 $0x30C30C31, s0  }
0x42: {  	s15 =	spop (v2sf);
	s0 =	sshra.s32 s26, $0x5;
	s26 =	smul.u32 $0x30C30C31, s25  }
0x43: {  	s4 =	spop (v2sf);
	s14 =	sshra.s32 s15, $0x1F;
	s22 =	smulhi.u32 $0x30C30C31, s15  }
0x44: {  	s15 =	sadd.s32 s7, s8;
	s25 =	sshrl.u32 s10, $0x1F;
	s8 =	sshra.s32 s2, $0x1F  }
0x45: {  	s30 =	smulhi.u32 $0x30C30C31, s4;
	s7 =	sshra.s32 s4, $0x1F;
	s4 =	sshrl.u32 s2, $0x1F  }
0x46: {  	s9 =	sadd.s32 s26, s23;
	s23 =	sadd.s32 s6, s24;
	s24 =	smul.u32 $0x30C30C31, s14  }
0x47: {  	v7 =	vmov s11;
	s11 =	spop (v2sf);
	s26 =	sshra.s32 s10, $0x1F;
	s10 =	smulhi.u32 $0x30C30C31, s28  }
0x48: {  	s28 =	sshra.s32 s2, $0x5;
	s2 =	smul.u32 $0x30C30C31, s3;
	s3 =	sshra.s32 s15, $0x1F  }
0x49: {  	v6 =	vmov s0;
	s14 =	simm.s32 $0x40;
	s6 =	rddreg [dreg:$0x1b];
	v8 =	vmov s3;
	s0 =	sshra.s32 s9, $0x5  }
0x4a: {  	v7 =	vsel vm0, s21, v7;
	s21 =	smulhi.u32 $0x30C30C31, s11;
	v6 =	vsel vm0, s6, v6;
	s6 =	sshra.s32 s9, $0x1F;
	v8 =	vsel vm3, s0, v8;
	s0 =	spop (v2sf)  }
.LBB2_2:
0x4b: {  	s3 =	sshrl.u32 s23, $0x1F  }
0x4c: {  	s31 =	smul.u32 $0x30C30C31, s31;
	s11 =	sshra.s32 s11, $0x1F;
	v8 =	vsel vm9, s6, v8;
	s1 =	sadd.s32 s5, s1  }
0x4d: {  	s9 =	sshrl.u32 s9, $0x1F;
	s6 =	smul.u32 $0x30C30C31, s7;
	s5 =	sadd.s32 s16, s13;
	v8 =	vsel vm0, s28, v8  }
0x4e: {  	s16 =	sshra.s32 s0, $0x1F;
	s0 =	smulhi.u32 $0x30C30C31, s0;
	s2 =	sadd.s32 s2, s20;
	v9 =	vmov s9;
	v8 =	vsel vm10, s8, v8  }
0x4f: {  	s9 =	sshrl.u32 s5, $0x1F;
	v9 =	vnsel vm3, $0x0, v9;
	s20 =	sshrl.u32 s2, $0x1F;
	s2 =	sshra.s32 s2, $0x5;
	v8 =	vsel vm1, s19, v8  }
0x50: {  	s7 =	sadd.s32 s31, s10;
	s8 =	sshrl.u32 s1, $0x1F;
	s1 =	sshra.s32 s1, $0x5;
	v9 =	vsel vm0, s4, v9;
	v7 =	vsel vm1, s20, v7;
	v6 =	vsel vm1, s2, v6  }
0x51: {  	s4 =	sadd.s32 s6, s30;
	s19 =	sshrl.u32 s7, $0x1F;
	s7 =	sshra.s32 s7, $0x5;
	v8 =	vsel vm11, s18, v8;
	v9 =	vsel vm1, s17, v9;
	v7 =	vsel vm2, s8, v7  }
0x52: {  	s6 =	smul.u32 $0x30C30C31, s16;
	s16 =	sshra.s32 s5, $0x5;
	s5 =	sshra.s32 s5, $0x1F;
	v10 =	vmov s19;
	v11 =	vmov s7;
	v8 =	vsel vm2, s29, v8  }
0x53: {  	s20 =	sshra.s32 s23, $0x5;
	s17 =	smul.u32 $0x30C30C31, s11;
	s18 =	sshrl.u32 s4, $0x1F;
	v6 =	vsel vm2, s1, v6;
	v9 =	vsel vm2, s25, v9;
	v8 =	vsel vm12, s26, v8  }
0x54: {  	s23 =	sshra.s32 s4, $0x5;
	s25 =	sadd.s32 s24, s22;
	v10 =	vsel vm0, s3, v10;
	s0 =	sadd.s32 s6, s0;
	v9 =	vsel vm4, s9, v9;
	v8 =	vsel vm4, s16, v8  }
0x55: {  	v11 =	vsel vm0, s20, v11;
	s26 =	sadd.s32 s17, s21;
	s6 =	sshrl.u32 s25, $0x1F;
	s9 =	sshra.s32 s25, $0x5;
	v9 =	vsel vm5, s18, v9;
	v8 =	vsel vm13, s5, v8  }
0x56: {  	s4 =	sshra.s32 s4, $0x1F;
	s8 =	sshrl.u32 s0, $0x1F;
	v10 =	vsel vm1, s6, v10;
	s3 =	sshrl.u32 s26, $0x1F;
	v11 =	vsel vm1, s9, v11;
	v8 =	vsel vm5, s23, v8  }
0x57: {  	s10 =	sshra.s32 s0, $0x5;
	s7 =	sshra.s32 s26, $0x5;
	v9 =	vsel vm6, s8, v9;
	v10 =	vsel vm2, s3, v10;
	v8 =	vsel vm14, s4, v8  }
0x58: {  	s11 =	sshrl.u32 s15, $0x1F;
	s0 =	sshra.s32 s0, $0x1F;
	v11 =	vsel vm2, s7, v11;
	v7 =	vcombine.low v10, v7;
	v8 =	vsel vm6, s10, v8  }
0x59: {  	s13 =	sshra.s32 s15, $0x5;
	v6 =	vcombine.low v11, v6;
	v9 =	vsel vm7, s11, v9;
	v8 =	vsel vm15, s0, v8  }
0x5a: {  	v9 =	vperm.xlane v9, v1;
	v7 =	vperm.xlane v7, v0;
	v8 =	vsel vm7, s13, v8  }
0x5b: {  	v6 =	vperm.xlane v6, v0;
	v8 =	vperm.xlane v8, v1;
	_ =	sdelay $0x1  }
0x5c: {  	v7 =	vsel vm8, v9, v7;
	v6 =	vsel vm8, v8, v6  }
0x5d: {  	v6 =	vadd.s32 v7, v6  }
0x5e: {  	v6 =	vmul.u32 $0xA8, v6;
	_ =	sdelay $0x1  }
0x5f: {  	s15 =	smov.u32 s14;
	v5 =	vsub.s32 v5, v6  }
0x60: {  	s16 =	sshra.s32 s15, $0x2;
	[tilespmem:s12+$0x0] =	vst v5  }
0x61: {  	v5 =	vld [tilespmem:s16+$0x0];
	_ =	sdelay $0x4  }
0x62: {  	(v2sf) =	vpush v5, $0x0  }
0x63: {  	(v2sf) =	vpush v5, $0x1  }
0x64: {  	(v2sf) =	vpush v5, $0x2;
	_ =	sdelay $0x1  }
0x65: {  	(v2sf) =	vpush v5, $0x7;
	_ =	sdelay $0x2  }
0x66: {  	(v2sf) =	vpush v5, $0x3  }
0x67: {  	(v2sf) =	vpush v5, $0x4;
	_ =	sdelay $0x1  }
0x68: {  	(v2sf) =	vpush v5, $0xC  }
0x69: {  	(v2sf) =	vpush v5, $0xD;
	_ =	sdelay $0x2  }
0x6a: {  	(v2sf) =	vpush v5, $0xE  }
0x6b: {  	s17 =	spop (v2sf)  }
0x6c: {  	(v2sf) =	vpush v5, $0x8;
	s18 =	smulhi.u32 $0x30C30C31, s17;
	s19 =	spop (v2sf)  }
0x6d: {  	s20 =	smulhi.u32 $0x30C30C31, s19;
	s21 =	spop (v2sf)  }
0x6e: {  	p0 =	sne.s32 s14, $0x7C0;
	(v2sf) =	vpush v5, $0xF;
	s0 =	sshra.s32 s19, $0x1F;
	s22 =	smulhi.u32 $0x30C30C31, s21  }
0x6f: {  	s14 =	sadd.s32 $0x40, s14;
	(v2sf) =	vpush v5, $0x9;
	s24 =	spop (v2sf);
	s0 =	smul.u32 $0x30C30C31, s0  }
0x70: {  	[dreg:$0x4] =	wrdreg s16;
	s2 =	sshra.s32 s21, $0x1F;
	s15 =	smulhi.u32 $0x30C30C31, s24  }
0x71: {  	[dreg:$0x5] =	wrdreg s18;
	s4 =	sshra.s32 s24, $0x1F;
	s10 =	smul.u32 $0x30C30C31, s2  }
0x72: {  	s23 =	sshra.s32 s17, $0x1F;
	s25 =	spop (v2sf);
	s24 =	smul.u32 $0x30C30C31, s4  }
0x73: {  	s26 =	sshra.s32 s25, $0x1F;
	s7 =	spop (v2sf);
	s3 =	smulhi.u32 $0x30C30C31, s25  }
0x74: {  	s0 =	sadd.s32 s0, s20;
	s9 =	sshra.s32 s7, $0x1F;
	s6 =	smul.u32 $0x30C30C31, s26  }
0x75: {  	(v2sf) =	vpush v5, $0xA;
	s11 =	spop (v2sf);
	s28 =	sshra.s32 s0, $0x5;
	s12 =	smul.u32 $0x30C30C31, s9  }
0x76: {  	s1 =	sadd.s32 s10, s22;
	s13 =	spop (v2sf);
	s25 =	smulhi.u32 $0x30C30C31, s11  }
0x77: {  	s4 =	sshrl.u32 s0, $0x1F;
	s16 =	sshra.s32 s11, $0x1F;
	s5 =	smulhi.u32 $0x30C30C31, s13  }
0x78: {  	s21 =	sshra.s32 s1, $0x5;
	s19 =	sshrl.u32 s1, $0x1F;
	s8 =	smul.u32 $0x30C30C31, s16  }
0x79: {  	(v2sf) =	vpush v5, $0x5;
	s17 =	sshra.s32 s13, $0x1F;
	s22 =	spop (v2sf);
	s13 =	smulhi.u32 $0x30C30C31, s7  }
0x7a: {  	(v2sf) =	vpush v5, $0xB;
	s18 =	sshra.s32 s1, $0x1F;
	[dreg:$0x6] =	wrdreg s12;
	s20 =	smulhi.u32 $0x30C30C31, s22  }
0x7b: {  	s15 =	sadd.s32 s24, s15;
	(v2sf) =	vpush v5, $0x6;
	s10 =	spop (v2sf);
	s9 =	smul.u32 $0x30C30C31, s17  }
0x7c: {  	s2 =	sshra.s32 s22, $0x1F;
	s31 =	sshra.s32 s10, $0x1F;
	s10 =	smulhi.u32 $0x30C30C31, s10  }
0x7d: {  	s3 =	sadd.s32 s6, s3;
	s26 =	spop (v2sf);
	s2 =	smul.u32 $0x30C30C31, s2  }
0x7e: {  	s8 =	sadd.s32 s8, s25;
	s12 =	spop (v2sf);
	s1 =	smulhi.u32 $0x30C30C31, s26  }
0x7f: {  	s16 =	sshrl.u32 s8, $0x1F;
	s9 =	sadd.s32 s9, s5;
	s17 =	sshra.s32 s12, $0x1F  }
0x80: {  	s25 =	sshra.s32 s9, $0x5;
	s7 =	sshrl.u32 s9, $0x1F;
	s9 =	smul.u32 $0x30C30C31, s23  }
0x81: {  	s29 =	sshra.s32 s3, $0x5;
	v7 =	vmov s16;
	s16 =	smul.u32 $0x30C30C31, s17;
	s17 =	sshra.s32 s8, $0x5  }
0x82: {  	s22 =	sshra.s32 s26, $0x1F;
	s12 =	smulhi.u32 $0x30C30C31, s12;
	s23 =	rddreg [dreg:$0x5];
	v6 =	vmov s17  }
0x83: {  	s5 =	smul.u32 $0x30C30C31, s22;
	s9 =	sadd.s32 s9, s23;
	v6 =	vsel vm0, s25, v6;
	s25 =	sshrl.u32 s3, $0x1F  }
0x84: {  	s23 =	sadd.s32 s16, s12;
	s16 =	rddreg [dreg:$0x6];
	s26 =	spop (v2sf)  }
0x85: {  	s12 =	rddreg [dreg:$0x4];
	s6 =	sshra.s32 s9, $0x1F;
	s22 =	smulhi.u32 $0x30C30C31, s26  }
.Ltmp0:
0x86: {  	s17 =	sshra.s32 s26, $0x1F;
	s26 =	sshra.s32 s3, $0x1F;
	(pc) =	sbr.rel @p0 .LBB2_2-.Ltmp0, $4  }
0x87: {  	s3 =	sshra.s32 s9, $0x5;
	s24 =	smul.u32 $0x30C30C31, s17;
	s17 =	smov.u32 s19  }
0x88: {  	s19 =	smov.u32 s21;
	s21 =	sshra.s32 s15, $0x1F;
	s8 =	spop (v2sf)  }
0x89: {  	v7 =	vsel vm0, s7, v7;
	v8 =	vmov s21;
	s30 =	smulhi.u32 $0x30C30C31, s8;
	s7 =	sshra.s32 s8, $0x1F;
	s11 =	spop (v2sf)  }
0x8a: {  	s8 =	sshra.s32 s0, $0x1F;
	v8 =	vsel vm3, s3, v8;
	s21 =	smulhi.u32 $0x30C30C31, s11;
	s0 =	spop (v2sf)  }
0x8b: {  	s3 =	smul.u32 $0x30C30C31, s31  }
0x8c: {  	s1 =	sadd.s32 s5, s1;
	s2 =	sadd.s32 s2, s20;
	s20 =	sshrl.u32 s9, $0x1F  }
0x8d: {  	v8 =	vsel vm9, s6, v8;
	s31 =	smul.u32 $0x30C30C31, s7;
	s7 =	sshra.s32 s0, $0x1F;
	s9 =	sadd.s32 s16, s13  }
0x8e: {  	s13 =	sshra.s32 s11, $0x1F;
	v8 =	vsel vm0, s28, v8;
	s5 =	smul.u32 $0x30C30C31, s7;
	s16 =	sshrl.u32 s1, $0x1F  }
0x8f: {  	v9 =	vmov s20;
	s20 =	sshrl.u32 s2, $0x1F;
	s2 =	sshra.s32 s2, $0x5;
	s28 =	sshrl.u32 s23, $0x1F;
	v8 =	vsel vm10, s8, v8  }
0x90: {  	s1 =	sshra.s32 s1, $0x5;
	s3 =	sadd.s32 s3, s10;
	v9 =	vnsel vm3, $0x0, v9;
	s8 =	smul.u32 $0x30C30C31, s13;
	v8 =	vsel vm1, s19, v8  }
0x91: {  	s14 =	sadd.s32 s31, s30;
	v7 =	vsel vm1, s20, v7;
	v9 =	vsel vm0, s4, v9;
	s19 =	sadd.s32 s24, s22;
	s22 =	smulhi.u32 $0x30C30C31, s0;
	v8 =	vsel vm11, s18, v8  }
0x92: {  	v6 =	vsel vm1, s2, v6;
	s24 =	sshrl.u32 s9, $0x1F;
	s30 =	sshrl.u32 s14, $0x1F;
	s31 =	sshra.s32 s14, $0x5;
	v9 =	vsel vm1, s17, v9;
	v8 =	vsel vm2, s29, v8  }
0x93: {  	v7 =	vsel vm2, s16, v7;
	s7 =	sshra.s32 s14, $0x1F;
	s8 =	sadd.s32 s8, s21;
	v9 =	vsel vm2, s25, v9;
	s25 =	sshra.s32 s9, $0x5;
	v8 =	vsel vm12, s26, v8  }
0x94: {  	v6 =	vsel vm2, s1, v6;
	s6 =	sshrl.u32 s19, $0x1F;
	v9 =	vsel vm4, s24, v9;
	s26 =	sshrl.u32 s3, $0x1F;
	s3 =	sshra.s32 s3, $0x5;
	v8 =	vsel vm4, s25, v8  }
0x95: {  	s0 =	sadd.s32 s5, s22;
	s29 =	sshra.s32 s9, $0x1F;
	s5 =	sshra.s32 s23, $0x5;
	v10 =	vmov s26;
	v11 =	vmov s3;
	v9 =	vsel vm5, s30, v9  }
0x96: {  	s10 =	sshra.s32 s0, $0x5;
	s14 =	sshra.s32 s0, $0x1F;
	s0 =	sshrl.u32 s0, $0x1F;
	v8 =	vsel vm13, s29, v8;
	v10 =	vsel vm0, s28, v10;
	v11 =	vsel vm0, s5, v11  }
0x97: {  	s9 =	sshra.s32 s19, $0x5;
	s11 =	sshrl.u32 s8, $0x1F;
	v9 =	vsel vm6, s0, v9;
	v8 =	vsel vm5, s31, v8;
	v10 =	vsel vm1, s6, v10  }
0x98: {  	s13 =	sshra.s32 s8, $0x5;
	v11 =	vsel vm1, s9, v11;
	v8 =	vsel vm14, s7, v8;
	v10 =	vsel vm2, s11, v10  }
0x99: {  	s17 =	sshrl.u32 s15, $0x1F;
	v11 =	vsel vm2, s13, v11;
	v8 =	vsel vm6, s10, v8;
	v7 =	vcombine.low v10, v7  }
0x9a: {  	s16 =	sshra.s32 s15, $0x5;
	v9 =	vsel vm7, s17, v9;
	v6 =	vcombine.low v11, v6;
	v8 =	vsel vm15, s14, v8  }
0x9b: {  	v9 =	vperm.xlane v9, v1;
	v8 =	vsel vm7, s16, v8;
	v7 =	vperm.xlane v7, v0  }
0x9c: {  	v6 =	vperm.xlane v6, v0;
	v8 =	vperm.xlane v8, v1;
	_ =	sdelay $0x1  }
0x9d: {  	v7 =	vsel vm8, v9, v7;
	v6 =	vsel vm8, v8, v6  }
0x9e: {  	v6 =	vadd.s32 v7, v6  }
0x9f: {  	v6 =	vmul.u32 $0xA8, v6;
	_ =	sdelay $0x1  }
0xa0: {  	v5 =	vsub.s32 v5, v6  }
0xa1: {  	[tilespmem:s12+$0x0] =	vst v5  }
0xa2: {  	v5 =	vld [tilespmem:$0x0];
	_ =	sdelay $0x4  }
0xa3: {  	v6 =	vshll.u32 v5, $0x2  }
0xa4: {  	v7 =	vld [tilespmem:$0x1FFF0];
	v5 =	vand.u32 $0x7, v5;
	v6 =	vand.u32 $0xFFFFFFE0, v6  }
0xa5: {  	v5 =	vor.u32 v5, v6  }
0xa6: {  	v6 =	vperm.xlane v5, v2;
	_ =	sdelay $0x1  }
0xa7: {  	v6 =	vadd.s32 v3, v6  }
0xa8: {  	vm10 =	vnez.u8 v7;
	v7 =	vld [tilespmem:$0x1FFF0];
	_ =	sdelay $0x2  }
0xa9: {  	s8 =	simm.s32 $0x0;
	s0 =	rddreg [dreg:$0x1];
	s13 =	simm.s32 $0x200  }
0xaa: {  	[tilespmem:s13], [sflag:$0x1] =	stream.indirect_vreg.gather [hbm4b:s0+s8], $0x80, v6, vm10, $0xb8;
	[tilespmem:$0x10200] =	vst v63  }
0xab: {  	s2 =	rddreg [dreg:$0x9];
	s18 =	simm.s32 $0xA00;
	vm10 =	vnez.u8 v7  }
0xac: {  	[tilespmem:s18], [sflag:$0x1] =	stream.indirect_vreg.gather [hbm4b:s2+s8], $0x80, v6, vm10, $0xb8;
	v6 =	vld [tilespmem:$0x1FFF0]  }
0xad: {  	_ = 	snop  }
0xae: {  	v5 =	vperm.xlane v5, v4;
	_ =	sdelay $0x1  }
0xaf: {  	v5 =	vadd.s32 v3, v5  }
0xb0: {  	vm10 =	vnez.u8 v6;
	v6 =	vld [tilespmem:$0x1FFF0];
	_ =	sdelay $0x2  }
0xb1: {  	s19 =	simm.s32 $0x1200  }
0xb2: {  	[tilespmem:s19], [sflag:$0x1] =	stream.indirect_vreg.gather [hbm4b:s0+s8], $0x80, v5, vm10, $0xb8;
	[tilespmem:$0x10200] =	vst v63  }
0xb3: {  	s20 =	simm.s32 $0x1A00;
	vm10 =	vnez.u8 v6  }
0xb4: {  	[tilespmem:s20], [sflag:$0x1] =	stream.indirect_vreg.gather [hbm4b:s2+s8], $0x80, v5, vm10, $0xb8;
	[tilespmem:$0x10200] =	vst v63  }
0xb5: {  	v5 =	vld [tilespmem:$0x10];
	_ =	sdelay $0x4  }
0xb6: {  	v6 =	vshll.u32 v5, $0x2  }
0xb7: {  	v7 =	vld [tilespmem:$0x1FFF0];
	v5 =	vand.u32 $0x7, v5;
	v6 =	vand.u32 $0xFFFFFFE0, v6  }
0xb8: {  	v5 =	vor.u32 v5, v6  }
0xb9: {  	v6 =	vperm.xlane v5, v2;
	_ =	sdelay $0x1  }
0xba: {  	v6 =	vadd.s32 v3, v6  }
0xbb: {  	vm10 =	vnez.u8 v7;
	v7 =	vld [tilespmem:$0x1FFF0];
	_ =	sdelay $0x2  }
0xbc: {  	s21 =	simm.s32 $0x2200  }
0xbd: {  	[tilespmem:s21], [sflag:$0x1] =	stream.indirect_vreg.gather [hbm4b:s0+s8], $0x80, v6, vm10, $0xb8;
	[tilespmem:$0x10200] =	vst v63  }
0xbe: {  	s22 =	simm.s32 $0x2A00;
	vm10 =	vnez.u8 v7  }
0xbf: {  	[tilespmem:s22], [sflag:$0x1] =	stream.indirect_vreg.gather [hbm4b:s2+s8], $0x80, v6, vm10, $0xb8;
	v6 =	vld [tilespmem:$0x1FFF0]  }
0xc0: {  	_ = 	snop  }
0xc1: {  	v5 =	vperm.xlane v5, v4;
	_ =	sdelay $0x1  }
0xc2: {  	v5 =	vadd.s32 v3, v5  }
0xc3: {  	vm10 =	vnez.u8 v6;
	v6 =	vld [tilespmem:$0x1FFF0];
	_ =	sdelay $0x2  }
0xc4: {  	s23 =	simm.s32 $0x3200  }
0xc5: {  	[tilespmem:s23], [sflag:$0x1] =	stream.indirect_vreg.gather [hbm4b:s0+s8], $0x80, v5, vm10, $0xb8;
	[tilespmem:$0x10200] =	vst v63  }
0xc6: {  	s24 =	simm.s32 $0x3A00;
	vm10 =	vnez.u8 v6  }
0xc7: {  	[tilespmem:s24], [sflag:$0x1] =	stream.indirect_vreg.gather [hbm4b:s2+s8], $0x80, v5, vm10, $0xb8;
	[tilespmem:$0x10200] =	vst v63  }
0xc8: {  	v5 =	vld [tilespmem:$0x20];
	_ =	sdelay $0x4  }
0xc9: {  	v6 =	vshll.u32 v5, $0x2  }
0xca: {  	v7 =	vld [tilespmem:$0x1FFF0];
	v5 =	vand.u32 $0x7, v5;
	v6 =	vand.u32 $0xFFFFFFE0, v6  }
0xcb: {  	v5 =	vor.u32 v5, v6  }
0xcc: {  	v6 =	vperm.xlane v5, v2;
	_ =	sdelay $0x1  }
0xcd: {  	v6 =	vadd.s32 v3, v6  }
0xce: {  	vm10 =	vnez.u8 v7;
	v7 =	vld [tilespmem:$0x1FFF0];
	_ =	sdelay $0x2  }
0xcf: {  	s12 =	simm.s32 $0x4200  }
0xd0: {  	[tilespmem:s12], [sflag:$0x2] =	stream.indirect_vreg.gather [hbm4b:s0+s8], $0x80, v6, vm10, $0xb8;
	[tilespmem:$0x10200] =	vst v63  }
0xd1: {  	s25 =	simm.s32 $0x4A00;
	vm10 =	vnez.u8 v7  }
0xd2: {  	[tilespmem:s25], [sflag:$0x2] =	stream.indirect_vreg.gather [hbm4b:s2+s8], $0x80, v6, vm10, $0xb8;
	v6 =	vld [tilespmem:$0x1FFF0]  }
0xd3: {  	_ = 	snop  }
0xd4: {  	v5 =	vperm.xlane v5, v4;
	_ =	sdelay $0x1  }
0xd5: {  	v5 =	vadd.s32 v3, v5  }
0xd6: {  	vm10 =	vnez.u8 v6;
	v6 =	vld [tilespmem:$0x1FFF0];
	_ =	sdelay $0x2  }
0xd7: {  	s26 =	simm.s32 $0x5200  }
0xd8: {  	[tilespmem:s26], [sflag:$0x2] =	stream.indirect_vreg.gather [hbm4b:s0+s8], $0x80, v5, vm10, $0xb8;
	[tilespmem:$0x10200] =	vst v63  }
0xd9: {  	s28 =	simm.s32 $0x5A00;
	vm10 =	vnez.u8 v6  }
0xda: {  	[tilespmem:s28], [sflag:$0x2] =	stream.indirect_vreg.gather [hbm4b:s2+s8], $0x80, v5, vm10, $0xb8;
	[tilespmem:$0x10200] =	vst v63  }
0xdb: {  	v5 =	vld [tilespmem:$0x30];
	_ =	sdelay $0x4  }
0xdc: {  	v6 =	vshll.u32 v5, $0x2  }
0xdd: {  	v7 =	vld [tilespmem:$0x1FFF0];
	v5 =	vand.u32 $0x7, v5;
	v6 =	vand.u32 $0xFFFFFFE0, v6  }
0xde: {  	v5 =	vor.u32 v5, v6  }
0xdf: {  	v6 =	vperm.xlane v5, v2;
	_ =	sdelay $0x1  }
0xe0: {  	v6 =	vadd.s32 v3, v6  }
0xe1: {  	vm10 =	vnez.u8 v7;
	v7 =	vld [tilespmem:$0x1FFF0];
	_ =	sdelay $0x2  }
0xe2: {  	s29 =	simm.s32 $0x6200  }
0xe3: {  	[tilespmem:s29], [sflag:$0x2] =	stream.indirect_vreg.gather [hbm4b:s0+s8], $0x80, v6, vm10, $0xb8;
	[tilespmem:$0x10200] =	vst v63  }
0xe4: {  	s30 =	simm.s32 $0x6A00;
	vm10 =	vnez.u8 v7  }
0xe5: {  	[tilespmem:s30], [sflag:$0x2] =	stream.indirect_vreg.gather [hbm4b:s2+s8], $0x80, v6, vm10, $0xb8;
	v6 =	vld [tilespmem:$0x1FFF0]  }
0xe6: {  	_ = 	snop  }
0xe7: {  	v5 =	vperm.xlane v5, v4;
	_ =	sdelay $0x1  }
0xe8: {  	v5 =	vadd.s32 v3, v5  }
0xe9: {  	vm10 =	vnez.u8 v6;
	v6 =	vld [tilespmem:$0x1FFF0];
	_ =	sdelay $0x2  }
0xea: {  	s31 =	simm.s32 $0x7200  }
0xeb: {  	[tilespmem:s31], [sflag:$0x2] =	stream.indirect_vreg.gather [hbm4b:s0+s8], $0x80, v5, vm10, $0xb8;
	[tilespmem:$0x10200] =	vst v63  }
0xec: {  	s10 =	simm.s32 $0x7A00;
	vm10 =	vnez.u8 v6  }
0xed: {  	[tilespmem:s10], [sflag:$0x2] =	stream.indirect_vreg.gather [hbm4b:s2+s8], $0x80, v5, vm10, $0xb8;
	[tilespmem:$0x10200] =	vst v63  }
0xee: {  	v5 =	vld [tilespmem:$0x40];
	_ =	sdelay $0x4  }
0xef: {  	v6 =	vshll.u32 v5, $0x2  }
0xf0: {  	v7 =	vld [tilespmem:$0x1FFF0];
	v5 =	vand.u32 $0x7, v5;
	v6 =	vand.u32 $0xFFFFFFE0, v6  }
0xf1: {  	v5 =	vor.u32 v5, v6  }
0xf2: {  	v6 =	vperm.xlane v5, v2;
	_ =	sdelay $0x1  }
0xf3: {  	v6 =	vadd.s32 v3, v6  }
0xf4: {  	vm10 =	vnez.u8 v7;
	v7 =	vld [tilespmem:$0x1FFF0];
	_ =	sdelay $0x2  }
0xf5: {  	s20 =	simm.s32 $0x8200  }
0xf6: {  	[tilespmem:s20], [sflag:$0x3] =	stream.indirect_vreg.gather [hbm4b:s0+s8], $0x80, v6, vm10, $0xb8;
	[tilespmem:$0x10200] =	vst v63  }
0xf7: {  	s11 =	simm.s32 $0x8A00;
	vm10 =	vnez.u8 v7  }
0xf8: {  	[tilespmem:s11], [sflag:$0x3] =	stream.indirect_vreg.gather [hbm4b:s2+s8], $0x80, v6, vm10, $0xb8;
	v6 =	vld [tilespmem:$0x1FFF0]  }
0xf9: {  	_ = 	snop  }
0xfa: {  	v5 =	vperm.xlane v5, v4;
	_ =	sdelay $0x1  }
0xfb: {  	v5 =	vadd.s32 v3, v5  }
0xfc: {  	vm10 =	vnez.u8 v6;
	v6 =	vld [tilespmem:$0x1FFF0];
	_ =	sdelay $0x2  }
0xfd: {  	s23 =	simm.s32 $0x9200  }
0xfe: {  	[tilespmem:s23], [sflag:$0x3] =	stream.indirect_vreg.gather [hbm4b:s0+s8], $0x80, v5, vm10, $0xb8;
	[tilespmem:$0x10200] =	vst v63  }
0xff: {  	s24 =	simm.s32 $0x9A00;
	vm10 =	vnez.u8 v6  }
0x100: {  	[tilespmem:s24], [sflag:$0x3] =	stream.indirect_vreg.gather [hbm4b:s2+s8], $0x80, v5, vm10, $0xb8;
	[tilespmem:$0x10200] =	vst v63  }
0x101: {  	v5 =	vld [tilespmem:$0x50];
	_ =	sdelay $0x4  }
0x102: {  	v6 =	vshll.u32 v5, $0x2  }
0x103: {  	v7 =	vld [tilespmem:$0x1FFF0];
	v5 =	vand.u32 $0x7, v5;
	v6 =	vand.u32 $0xFFFFFFE0, v6  }
0x104: {  	v5 =	vor.u32 v5, v6  }
0x105: {  	v6 =	vperm.xlane v5, v2;
	_ =	sdelay $0x1  }
0x106: {  	v6 =	vadd.s32 v3, v6  }
0x107: {  	vm10 =	vnez.u8 v7;
	v7 =	vld [tilespmem:$0x1FFF0];
	_ =	sdelay $0x2  }
0x108: {  	s25 =	simm.s32 $0xA200  }
0x109: {  	[tilespmem:s25], [sflag:$0x3] =	stream.indirect_vreg.gather [hbm4b:s0+s8], $0x80, v6, vm10, $0xb8;
	[tilespmem:$0x10200] =	vst v63  }
0x10a: {  	s26 =	simm.s32 $0xAA00;
	vm10 =	vnez.u8 v7  }
0x10b: {  	[tilespmem:s26], [sflag:$0x3] =	stream.indirect_vreg.gather [hbm4b:s2+s8], $0x80, v6, vm10, $0xb8;
	v6 =	vld [tilespmem:$0x1FFF0]  }
0x10c: {  	_ = 	snop  }
0x10d: {  	v5 =	vperm.xlane v5, v4;
	_ =	sdelay $0x1  }
0x10e: {  	v5 =	vadd.s32 v3, v5  }
0x10f: {  	vm10 =	vnez.u8 v6;
	v6 =	vld [tilespmem:$0x1FFF0];
	_ =	sdelay $0x2  }
0x110: {  	s28 =	simm.s32 $0xB200  }
0x111: {  	[tilespmem:s28], [sflag:$0x3] =	stream.indirect_vreg.gather [hbm4b:s0+s8], $0x80, v5, vm10, $0xb8;
	[tilespmem:$0x10200] =	vst v63  }
0x112: {  	s29 =	simm.s32 $0xBA00;
	vm10 =	vnez.u8 v6  }
0x113: {  	[tilespmem:s29], [sflag:$0x3] =	stream.indirect_vreg.gather [hbm4b:s2+s8], $0x80, v5, vm10, $0xb8;
	[tilespmem:$0x10200] =	vst v63  }
0x114: {  	v5 =	vld [tilespmem:$0x60];
	_ =	sdelay $0x4  }
0x115: {  	v6 =	vshll.u32 v5, $0x2  }
0x116: {  	v7 =	vld [tilespmem:$0x1FFF0];
	v5 =	vand.u32 $0x7, v5;
	v6 =	vand.u32 $0xFFFFFFE0, v6  }
0x117: {  	v5 =	vor.u32 v5, v6  }
0x118: {  	v6 =	vperm.xlane v5, v2;
	_ =	sdelay $0x1  }
0x119: {  	v6 =	vadd.s32 v3, v6  }
0x11a: {  	vm10 =	vnez.u8 v7;
	v7 =	vld [tilespmem:$0x1FFF0];
	_ =	sdelay $0x2  }
0x11b: {  	s29 =	simm.s32 $0xC200  }
0x11c: {  	[tilespmem:s29], [sflag:$0x4] =	stream.indirect_vreg.gather [hbm4b:s0+s8], $0x80, v6, vm10, $0xb8;
	[tilespmem:$0x10200] =	vst v63  }
0x11d: {  	s10 =	simm.s32 $0xCA00;
	vm10 =	vnez.u8 v7  }
0x11e: {  	[tilespmem:s10], [sflag:$0x4] =	stream.indirect_vreg.gather [hbm4b:s2+s8], $0x80, v6, vm10, $0xb8;
	v6 =	vld [tilespmem:$0x1FFF0]  }
0x11f: {  	_ = 	snop  }
0x120: {  	v5 =	vperm.xlane v5, v4;
	_ =	sdelay $0x1  }
0x121: {  	v5 =	vadd.s32 v3, v5  }
0x122: {  	vm10 =	vnez.u8 v6;
	v6 =	vld [tilespmem:$0x1FFF0];
	_ =	sdelay $0x2  }
0x123: {  	s11 =	simm.s32 $0xD200  }
0x124: {  	[tilespmem:s11], [sflag:$0x4] =	stream.indirect_vreg.gather [hbm4b:s0+s8], $0x80, v5, vm10, $0xb8;
	[tilespmem:$0x10200] =	vst v63  }
0x125: {  	s10 =	simm.s32 $0xDA00;
	vm10 =	vnez.u8 v6  }
0x126: {  	[tilespmem:s10], [sflag:$0x4] =	stream.indirect_vreg.gather [hbm4b:s2+s8], $0x80, v5, vm10, $0xb8;
	[tilespmem:$0x10200] =	vst v63  }
0x127: {  	v5 =	vld [tilespmem:$0x70];
	_ =	sdelay $0x4  }
0x128: {  	v6 =	vshll.u32 v5, $0x2  }
0x129: {  	v7 =	vld [tilespmem:$0x1FFF0];
	v5 =	vand.u32 $0x7, v5;
	v6 =	vand.u32 $0xFFFFFFE0, v6  }
0x12a: {  	v5 =	vor.u32 v5, v6  }
0x12b: {  	v6 =	vperm.xlane v5, v2;
	_ =	sdelay $0x1  }
0x12c: {  	v6 =	vadd.s32 v3, v6  }
0x12d: {  	vm10 =	vnez.u8 v7;
	v7 =	vld [tilespmem:$0x1FFF0];
	_ =	sdelay $0x2  }
0x12e: {  	s11 =	simm.s32 $0xE200  }
0x12f: {  	[tilespmem:s11], [sflag:$0x4] =	stream.indirect_vreg.gather [hbm4b:s0+s8], $0x80, v6, vm10, $0xb8;
	[tilespmem:$0x10200] =	vst v63  }
0x130: {  	s10 =	simm.s32 $0xEA00;
	vm10 =	vnez.u8 v7  }
0x131: {  	[tilespmem:s10], [sflag:$0x4] =	stream.indirect_vreg.gather [hbm4b:s2+s8], $0x80, v6, vm10, $0xb8;
	v6 =	vld [tilespmem:$0x1FFF0]  }
0x132: {  	_ = 	snop  }
0x133: {  	v5 =	vperm.xlane v5, v4;
	_ =	sdelay $0x1  }
0x134: {  	v5 =	vadd.s32 v3, v5  }
0x135: {  	vm10 =	vnez.u8 v6;
	v6 =	vld [tilespmem:$0x1FFF0];
	_ =	sdelay $0x2  }
0x136: {  	s11 =	simm.s32 $0xF200  }
0x137: {  	[tilespmem:s11], [sflag:$0x4] =	stream.indirect_vreg.gather [hbm4b:s0+s8], $0x80, v5, vm10, $0xb8;
	[tilespmem:$0x10200] =	vst v63  }
0x138: {  	s10 =	simm.s32 $0xFA00;
	vm10 =	vnez.u8 v6  }
0x139: {  	[tilespmem:s10], [sflag:$0x4] =	stream.indirect_vreg.gather [hbm4b:s2+s8], $0x80, v5, vm10, $0xb8;
	[tilespmem:$0x10200] =	vst v63  }
0x13a: {  	s10 =	simm.s32 $0x1  }
0x13b: {  	_ =	swait.ge [sflag:s10], $0x4000  }
0x13c: {  	[sflag:s10] =	ssyncset.done $0x0  }
0x13d: {  	s11 =	rddreg [dreg:$0x7];
	[sflag:s10] =	ssyncadd.s32 $0xFFFFC000  }
0x13e: {  	[hbm4b:s11+s8] =	stream.linear.scatter [tilespmem:s13], [sflag:$0x5], $0x4000, $0x38;
	[tilespmem:$0x10200] =	vst v63  }
0x13f: {  	s11 =	simm.s32 $0x5  }
0x140: {  	_ =	swait.ge [sflag:s11], $0x4000  }
0x141: {  	[sflag:s11] =	ssyncset.done $0x0  }
0x142: {  	[sflag:s11] =	ssyncadd.s32 $0xFFFFC000  }
0x143: {  	v5 =	vld [tilespmem:$0x80];
	_ =	sdelay $0x4  }
0x144: {  	v6 =	vshll.u32 v5, $0x2  }
0x145: {  	v7 =	vld [tilespmem:$0x1FFF0];
	v5 =	vand.u32 $0x7, v5;
	v6 =	vand.u32 $0xFFFFFFE0, v6  }
0x146: {  	v5 =	vor.u32 v5, v6  }
0x147: {  	v6 =	vperm.xlane v5, v2;
	_ =	sdelay $0x1  }
0x148: {  	v6 =	vadd.s32 v3, v6  }
0x149: {  	vm10 =	vnez.u8 v7;
	v7 =	vld [tilespmem:$0x1FFF0];
	_ =	sdelay $0x3  }
0x14a: {  	[tilespmem:s13], [sflag:$0x1] =	stream.indirect_vreg.gather [hbm4b:s0+s8], $0x80, v6, vm10, $0xb8;
	[tilespmem:$0x10200] =	vst v63  }
0x14b: {  	s5 =	simm.s32 $0xA00;
	vm10 =	vnez.u8 v7  }
0x14c: {  	[tilespmem:s5], [sflag:$0x1] =	stream.indirect_vreg.gather [hbm4b:s2+s8], $0x80, v6, vm10, $0xb8;
	v6 =	vld [tilespmem:$0x1FFF0]  }
0x14d: {  	_ = 	snop  }
0x14e: {  	v5 =	vperm.xlane v5, v4;
	_ =	sdelay $0x1  }
0x14f: {  	v5 =	vadd.s32 v3, v5  }
0x150: {  	vm10 =	vnez.u8 v6;
	v6 =	vld [tilespmem:$0x1FFF0];
	_ =	sdelay $0x2  }
0x151: {  	s4 =	simm.s32 $0x1200  }
0x152: {  	[tilespmem:s4], [sflag:$0x1] =	stream.indirect_vreg.gather [hbm4b:s0+s8], $0x80, v5, vm10, $0xb8;
	[tilespmem:$0x10200] =	vst v63  }
0x153: {  	s3 =	simm.s32 $0x1A00;
	vm10 =	vnez.u8 v6  }
0x154: {  	[tilespmem:s3], [sflag:$0x1] =	stream.indirect_vreg.gather [hbm4b:s2+s8], $0x80, v5, vm10, $0xb8;
	[tilespmem:$0x10200] =	vst v63  }
0x155: {  	v5 =	vld [tilespmem:$0x90];
	_ =	sdelay $0x4  }
0x156: {  	v6 =	vshll.u32 v5, $0x2  }
0x157: {  	v7 =	vld [tilespmem:$0x1FFF0];
	v5 =	vand.u32 $0x7, v5;
	v6 =	vand.u32 $0xFFFFFFE0, v6  }
0x158: {  	v5 =	vor.u32 v5, v6  }
0x159: {  	v6 =	vperm.xlane v5, v2;
	_ =	sdelay $0x1  }
0x15a: {  	v6 =	vadd.s32 v3, v6  }
0x15b: {  	vm10 =	vnez.u8 v7;
	v7 =	vld [tilespmem:$0x1FFF0];
	_ =	sdelay $0x2  }
0x15c: {  	s7 =	simm.s32 $0x2200  }
0x15d: {  	[tilespmem:s7], [sflag:$0x1] =	stream.indirect_vreg.gather [hbm4b:s0+s8], $0x80, v6, vm10, $0xb8;
	[tilespmem:$0x10200] =	vst v63  }
0x15e: {  	s9 =	simm.s32 $0x2A00;
	vm10 =	vnez.u8 v7  }
0x15f: {  	[tilespmem:s9], [sflag:$0x1] =	stream.indirect_vreg.gather [hbm4b:s2+s8], $0x80, v6, vm10, $0xb8;
	v6 =	vld [tilespmem:$0x1FFF0]  }
0x160: {  	_ = 	snop  }
0x161: {  	v5 =	vperm.xlane v5, v4;
	_ =	sdelay $0x1  }
0x162: {  	v5 =	vadd.s32 v3, v5  }
0x163: {  	vm10 =	vnez.u8 v6;
	v6 =	vld [tilespmem:$0x1FFF0];
	_ =	sdelay $0x2  }
0x164: {  	s14 =	simm.s32 $0x3200  }
0x165: {  	[tilespmem:s14], [sflag:$0x1] =	stream.indirect_vreg.gather [hbm4b:s0+s8], $0x80, v5, vm10, $0xb8;
	[tilespmem:$0x10200] =	vst v63  }
0x166: {  	s6 =	simm.s32 $0x3A00;
	s7 =	simm.s32 $0x2;
	vm10 =	vnez.u8 v6  }
0x167: {  	[tilespmem:s6], [sflag:$0x1] =	stream.indirect_vreg.gather [hbm4b:s2+s8], $0x80, v5, vm10, $0xb8;
	[tilespmem:$0x10200] =	vst v63  }
0x168: {  	_ =	swait.ge [sflag:s7], $0x4000  }
0x169: {  	[sflag:s7] =	ssyncset.done $0x0  }
0x16a: {  	s9 =	simm.s32 $0x6;
	s14 =	rddreg [dreg:$0xa];
	[sflag:s7] =	ssyncadd.s32 $0xFFFFC000  }
0x16b: {  	[hbm4b:s14+s8] =	stream.linear.scatter [tilespmem:s12], [sflag:$0x6], $0x4000, $0x38;
	[tilespmem:$0x10200] =	vst v63  }
0x16c: {  	_ =	swait.ge [sflag:s9], $0x4000  }
0x16d: {  	[sflag:s9] =	ssyncset.done $0x0  }
0x16e: {  	[sflag:s9] =	ssyncadd.s32 $0xFFFFC000  }
0x16f: {  	v5 =	vld [tilespmem:$0xA0];
	_ =	sdelay $0x4  }
0x170: {  	v6 =	vshll.u32 v5, $0x2  }
0x171: {  	v7 =	vld [tilespmem:$0x1FFF0];
	v5 =	vand.u32 $0x7, v5;
	v6 =	vand.u32 $0xFFFFFFE0, v6  }
0x172: {  	v5 =	vor.u32 v5, v6  }
0x173: {  	v6 =	vperm.xlane v5, v2;
	_ =	sdelay $0x1  }
0x174: {  	v6 =	vadd.s32 v3, v6  }
0x175: {  	vm10 =	vnez.u8 v7;
	v7 =	vld [tilespmem:$0x1FFF0];
	_ =	sdelay $0x3  }
0x176: {  	[tilespmem:s12], [sflag:$0x2] =	stream.indirect_vreg.gather [hbm4b:s0+s8], $0x80, v6, vm10, $0xb8;
	[tilespmem:$0x10200] =	vst v63  }
0x177: {  	s17 =	simm.s32 $0x4A00;
	vm10 =	vnez.u8 v7  }
0x178: {  	[tilespmem:s17], [sflag:$0x2] =	stream.indirect_vreg.gather [hbm4b:s2+s8], $0x80, v6, vm10, $0xb8;
	v6 =	vld [tilespmem:$0x1FFF0]  }
0x179: {  	_ = 	snop  }
0x17a: {  	v5 =	vperm.xlane v5, v4;
	_ =	sdelay $0x1  }
0x17b: {  	v5 =	vadd.s32 v3, v5  }
0x17c: {  	vm10 =	vnez.u8 v6;
	v6 =	vld [tilespmem:$0x1FFF0];
	_ =	sdelay $0x2  }
0x17d: {  	s18 =	simm.s32 $0x5200  }
0x17e: {  	[tilespmem:s18], [sflag:$0x2] =	stream.indirect_vreg.gather [hbm4b:s0+s8], $0x80, v5, vm10, $0xb8;
	[tilespmem:$0x10200] =	vst v63  }
0x17f: {  	s16 =	simm.s32 $0x5A00;
	vm10 =	vnez.u8 v6  }
0x180: {  	[tilespmem:s16], [sflag:$0x2] =	stream.indirect_vreg.gather [hbm4b:s2+s8], $0x80, v5, vm10, $0xb8;
	[tilespmem:$0x10200] =	vst v63  }
0x181: {  	v5 =	vld [tilespmem:$0xB0];
	_ =	sdelay $0x4  }
0x182: {  	v6 =	vshll.u32 v5, $0x2  }
0x183: {  	v7 =	vld [tilespmem:$0x1FFF0];
	v5 =	vand.u32 $0x7, v5;
	v6 =	vand.u32 $0xFFFFFFE0, v6  }
0x184: {  	v5 =	vor.u32 v5, v6  }
0x185: {  	v6 =	vperm.xlane v5, v2;
	_ =	sdelay $0x1  }
0x186: {  	v6 =	vadd.s32 v3, v6  }
0x187: {  	vm10 =	vnez.u8 v7;
	v7 =	vld [tilespmem:$0x1FFF0];
	_ =	sdelay $0x2  }
0x188: {  	s21 =	simm.s32 $0x6200  }
0x189: {  	[tilespmem:s21], [sflag:$0x2] =	stream.indirect_vreg.gather [hbm4b:s0+s8], $0x80, v6, vm10, $0xb8;
	[tilespmem:$0x10200] =	vst v63  }
0x18a: {  	s22 =	simm.s32 $0x6A00;
	vm10 =	vnez.u8 v7  }
0x18b: {  	[tilespmem:s22], [sflag:$0x2] =	stream.indirect_vreg.gather [hbm4b:s2+s8], $0x80, v6, vm10, $0xb8;
	v6 =	vld [tilespmem:$0x1FFF0]  }
0x18c: {  	_ = 	snop  }
0x18d: {  	v5 =	vperm.xlane v5, v4;
	_ =	sdelay $0x1  }
0x18e: {  	v5 =	vadd.s32 v3, v5  }
0x18f: {  	vm10 =	vnez.u8 v6;
	v6 =	vld [tilespmem:$0x1FFF0];
	_ =	sdelay $0x2  }
0x190: {  	s19 =	simm.s32 $0x7200  }
0x191: {  	[tilespmem:s19], [sflag:$0x2] =	stream.indirect_vreg.gather [hbm4b:s0+s8], $0x80, v5, vm10, $0xb8;
	[tilespmem:$0x10200] =	vst v63  }
0x192: {  	s15 =	simm.s32 $0x7A00;
	s5 =	simm.s32 $0x3;
	vm10 =	vnez.u8 v6  }
0x193: {  	[tilespmem:s15], [sflag:$0x2] =	stream.indirect_vreg.gather [hbm4b:s2+s8], $0x80, v5, vm10, $0xb8;
	[tilespmem:$0x10200] =	vst v63  }
0x194: {  	_ =	swait.ge [sflag:s5], $0x4000  }
0x195: {  	[sflag:s5] =	ssyncset.done $0x0  }
0x196: {  	s6 =	simm.s32 $0x7;
	s3 =	rddreg [dreg:$0xb];
	[sflag:s5] =	ssyncadd.s32 $0xFFFFC000  }
0x197: {  	[hbm4b:s3+s8] =	stream.linear.scatter [tilespmem:s20], [sflag:$0x7], $0x4000, $0x38;
	[tilespmem:$0x10200] =	vst v63  }
0x198: {  	_ =	swait.ge [sflag:s6], $0x4000  }
0x199: {  	[sflag:s6] =	ssyncset.done $0x0  }
0x19a: {  	[sflag:s6] =	ssyncadd.s32 $0xFFFFC000  }
0x19b: {  	v5 =	vld [tilespmem:$0xC0];
	_ =	sdelay $0x4  }
0x19c: {  	v6 =	vshll.u32 v5, $0x2  }
0x19d: {  	v7 =	vld [tilespmem:$0x1FFF0];
	v5 =	vand.u32 $0x7, v5;
	v6 =	vand.u32 $0xFFFFFFE0, v6  }
0x19e: {  	v5 =	vor.u32 v5, v6  }
0x19f: {  	v6 =	vperm.xlane v5, v2;
	_ =	sdelay $0x1  }
0x1a0: {  	v6 =	vadd.s32 v3, v6  }
0x1a1: {  	vm10 =	vnez.u8 v7;
	v7 =	vld [tilespmem:$0x1FFF0];
	_ =	sdelay $0x3  }
0x1a2: {  	[tilespmem:s20], [sflag:$0x3] =	stream.indirect_vreg.gather [hbm4b:s0+s8], $0x80, v6, vm10, $0xb8;
	[tilespmem:$0x10200] =	vst v63  }
0x1a3: {  	s30 =	simm.s32 $0x8A00;
	vm10 =	vnez.u8 v7  }
0x1a4: {  	[tilespmem:s30], [sflag:$0x3] =	stream.indirect_vreg.gather [hbm4b:s2+s8], $0x80, v6, vm10, $0xb8;
	v6 =	vld [tilespmem:$0x1FFF0]  }
0x1a5: {  	_ = 	snop  }
0x1a6: {  	v5 =	vperm.xlane v5, v4;
	_ =	sdelay $0x1  }
0x1a7: {  	v5 =	vadd.s32 v3, v5  }
0x1a8: {  	vm10 =	vnez.u8 v6;
	v6 =	vld [tilespmem:$0x1FFF0];
	_ =	sdelay $0x2  }
0x1a9: {  	s31 =	simm.s32 $0x9200  }
0x1aa: {  	[tilespmem:s31], [sflag:$0x3] =	stream.indirect_vreg.gather [hbm4b:s0+s8], $0x80, v5, vm10, $0xb8;
	[tilespmem:$0x10200] =	vst v63  }
0x1ab: {  	s23 =	simm.s32 $0x9A00;
	vm10 =	vnez.u8 v6  }
0x1ac: {  	[tilespmem:s23], [sflag:$0x3] =	stream.indirect_vreg.gather [hbm4b:s2+s8], $0x80, v5, vm10, $0xb8;
	[tilespmem:$0x10200] =	vst v63  }
0x1ad: {  	v5 =	vld [tilespmem:$0xD0];
	_ =	sdelay $0x4  }
0x1ae: {  	v6 =	vshll.u32 v5, $0x2  }
0x1af: {  	v7 =	vld [tilespmem:$0x1FFF0];
	v5 =	vand.u32 $0x7, v5;
	v6 =	vand.u32 $0xFFFFFFE0, v6  }
0x1b0: {  	v5 =	vor.u32 v5, v6  }
0x1b1: {  	v6 =	vperm.xlane v5, v2;
	_ =	sdelay $0x1  }
0x1b2: {  	v6 =	vadd.s32 v3, v6  }
0x1b3: {  	vm10 =	vnez.u8 v7;
	v7 =	vld [tilespmem:$0x1FFF0];
	_ =	sdelay $0x2  }
0x1b4: {  	s25 =	simm.s32 $0xA200  }
0x1b5: {  	[tilespmem:s25], [sflag:$0x3] =	stream.indirect_vreg.gather [hbm4b:s0+s8], $0x80, v6, vm10, $0xb8;
	[tilespmem:$0x10200] =	vst v63  }
0x1b6: {  	s26 =	simm.s32 $0xAA00;
	vm10 =	vnez.u8 v7  }
0x1b7: {  	[tilespmem:s26], [sflag:$0x3] =	stream.indirect_vreg.gather [hbm4b:s2+s8], $0x80, v6, vm10, $0xb8;
	v6 =	vld [tilespmem:$0x1FFF0]  }
0x1b8: {  	_ = 	snop  }
0x1b9: {  	v5 =	vperm.xlane v5, v4;
	_ =	sdelay $0x1  }
0x1ba: {  	v5 =	vadd.s32 v3, v5  }
0x1bb: {  	vm10 =	vnez.u8 v6;
	v6 =	vld [tilespmem:$0x1FFF0];
	_ =	sdelay $0x2  }
0x1bc: {  	s28 =	simm.s32 $0xB200  }
0x1bd: {  	[tilespmem:s28], [sflag:$0x3] =	stream.indirect_vreg.gather [hbm4b:s0+s8], $0x80, v5, vm10, $0xb8;
	[tilespmem:$0x10200] =	vst v63  }
0x1be: {  	s24 =	simm.s32 $0xBA00;
	s3 =	simm.s32 $0x4;
	vm10 =	vnez.u8 v6  }
0x1bf: {  	[tilespmem:s24], [sflag:$0x3] =	stream.indirect_vreg.gather [hbm4b:s2+s8], $0x80, v5, vm10, $0xb8;
	[tilespmem:$0x10200] =	vst v63  }
0x1c0: {  	_ =	swait.ge [sflag:s3], $0x4000  }
0x1c1: {  	[sflag:s3] =	ssyncset.done $0x0  }
0x1c2: {  	s4 =	rddreg [dreg:$0xc];
	[sflag:s3] =	ssyncadd.s32 $0xFFFFC000  }
0x1c3: {  	[hbm4b:s4+s8] =	stream.linear.scatter [tilespmem:s29], [sflag:$0x8], $0x4000, $0x38;
	[tilespmem:$0x10200] =	vst v63  }
0x1c4: {  	s4 =	simm.s32 $0x8  }
0x1c5: {  	_ =	swait.ge [sflag:s4], $0x4000  }
0x1c6: {  	[sflag:s4] =	ssyncset.done $0x0  }
0x1c7: {  	[sflag:s4] =	ssyncadd.s32 $0xFFFFC000  }
0x1c8: {  	v5 =	vld [tilespmem:$0xE0];
	_ =	sdelay $0x4  }
0x1c9: {  	v6 =	vshll.u32 v5, $0x2  }
0x1ca: {  	v7 =	vld [tilespmem:$0x1FFF0];
	v5 =	vand.u32 $0x7, v5;
	v6 =	vand.u32 $0xFFFFFFE0, v6  }
0x1cb: {  	v5 =	vor.u32 v5, v6  }
0x1cc: {  	v6 =	vperm.xlane v5, v2;
	_ =	sdelay $0x1  }
0x1cd: {  	v6 =	vadd.s32 v3, v6  }
0x1ce: {  	vm10 =	vnez.u8 v7;
	v7 =	vld [tilespmem:$0x1FFF0];
	_ =	sdelay $0x3  }
0x1cf: {  	[tilespmem:s29], [sflag:$0x4] =	stream.indirect_vreg.gather [hbm4b:s0+s8], $0x80, v6, vm10, $0xb8;
	[tilespmem:$0x10200] =	vst v63  }
0x1d0: {  	s14 =	simm.s32 $0xCA00;
	vm10 =	vnez.u8 v7  }
0x1d1: {  	[tilespmem:s14], [sflag:$0x4] =	stream.indirect_vreg.gather [hbm4b:s2+s8], $0x80, v6, vm10, $0xb8;
	v6 =	vld [tilespmem:$0x1FFF0]  }
0x1d2: {  	_ = 	snop  }
0x1d3: {  	v5 =	vperm.xlane v5, v4;
	_ =	sdelay $0x1  }
0x1d4: {  	v5 =	vadd.s32 v3, v5  }
0x1d5: {  	vm10 =	vnez.u8 v6;
	v6 =	vld [tilespmem:$0x1FFF0];
	_ =	sdelay $0x2  }
0x1d6: {  	s17 =	simm.s32 $0xD200  }
0x1d7: {  	[tilespmem:s17], [sflag:$0x4] =	stream.indirect_vreg.gather [hbm4b:s0+s8], $0x80, v5, vm10, $0xb8;
	[tilespmem:$0x10200] =	vst v63  }
0x1d8: {  	s18 =	simm.s32 $0xDA00;
	vm10 =	vnez.u8 v6  }
0x1d9: {  	[tilespmem:s18], [sflag:$0x4] =	stream.indirect_vreg.gather [hbm4b:s2+s8], $0x80, v5, vm10, $0xb8;
	[tilespmem:$0x10200] =	vst v63  }
0x1da: {  	v5 =	vld [tilespmem:$0xF0];
	_ =	sdelay $0x4  }
0x1db: {  	v6 =	vshll.u32 v5, $0x2  }
0x1dc: {  	v7 =	vld [tilespmem:$0x1FFF0];
	v5 =	vand.u32 $0x7, v5;
	v6 =	vand.u32 $0xFFFFFFE0, v6  }
0x1dd: {  	v5 =	vor.u32 v5, v6  }
0x1de: {  	v6 =	vperm.xlane v5, v2;
	_ =	sdelay $0x1  }
0x1df: {  	v6 =	vadd.s32 v3, v6  }
0x1e0: {  	vm10 =	vnez.u8 v7;
	v7 =	vld [tilespmem:$0x1FFF0];
	_ =	sdelay $0x2  }
0x1e1: {  	s21 =	simm.s32 $0xE200  }
0x1e2: {  	[tilespmem:s21], [sflag:$0x4] =	stream.indirect_vreg.gather [hbm4b:s0+s8], $0x80, v6, vm10, $0xb8;
	[tilespmem:$0x10200] =	vst v63  }
0x1e3: {  	s22 =	simm.s32 $0xEA00;
	vm10 =	vnez.u8 v7  }
0x1e4: {  	[tilespmem:s22], [sflag:$0x4] =	stream.indirect_vreg.gather [hbm4b:s2+s8], $0x80, v6, vm10, $0xb8;
	v6 =	vld [tilespmem:$0x1FFF0]  }
0x1e5: {  	_ = 	snop  }
0x1e6: {  	v5 =	vperm.xlane v5, v4;
	_ =	sdelay $0x1  }
0x1e7: {  	v5 =	vadd.s32 v3, v5  }
0x1e8: {  	vm10 =	vnez.u8 v6;
	v6 =	vld [tilespmem:$0x1FFF0];
	_ =	sdelay $0x2  }
0x1e9: {  	s28 =	simm.s32 $0xF200  }
0x1ea: {  	[tilespmem:s28], [sflag:$0x4] =	stream.indirect_vreg.gather [hbm4b:s0+s8], $0x80, v5, vm10, $0xb8;
	[tilespmem:$0x10200] =	vst v63  }
0x1eb: {  	s14 =	simm.s32 $0xFA00;
	vm10 =	vnez.u8 v6  }
0x1ec: {  	[tilespmem:s14], [sflag:$0x4] =	stream.indirect_vreg.gather [hbm4b:s2+s8], $0x80, v5, vm10, $0xb8;
	[tilespmem:$0x10200] =	vst v63  }
0x1ed: {  	_ =	swait.ge [sflag:s10], $0x4000  }
0x1ee: {  	[sflag:s10] =	ssyncset.done $0x0  }
0x1ef: {  	s17 =	rddreg [dreg:$0xd];
	[sflag:s10] =	ssyncadd.s32 $0xFFFFC000  }
0x1f0: {  	[hbm4b:s17+s8] =	stream.linear.scatter [tilespmem:s13], [sflag:$0x5], $0x4000, $0x38;
	[tilespmem:$0x10200] =	vst v63  }
0x1f1: {  	_ =	swait.ge [sflag:s11], $0x4000  }
0x1f2: {  	[sflag:s11] =	ssyncset.done $0x0  }
0x1f3: {  	[sflag:s11] =	ssyncadd.s32 $0xFFFFC000  }
0x1f4: {  	v5 =	vld [tilespmem:$0x100];
	_ =	sdelay $0x4  }
0x1f5: {  	v6 =	vshll.u32 v5, $0x2  }
0x1f6: {  	v7 =	vld [tilespmem:$0x1FFF0];
	v5 =	vand.u32 $0x7, v5;
	v6 =	vand.u32 $0xFFFFFFE0, v6  }
0x1f7: {  	v5 =	vor.u32 v5, v6  }
0x1f8: {  	v6 =	vperm.xlane v5, v2;
	_ =	sdelay $0x1  }
0x1f9: {  	v6 =	vadd.s32 v3, v6  }
0x1fa: {  	vm10 =	vnez.u8 v7;
	v7 =	vld [tilespmem:$0x1FFF0];
	_ =	sdelay $0x3  }
0x1fb: {  	[tilespmem:s13], [sflag:$0x1] =	stream.indirect_vreg.gather [hbm4b:s0+s8], $0x80, v6, vm10, $0xb8;
	[tilespmem:$0x10200] =	vst v63  }
0x1fc: {  	s21 =	simm.s32 $0xA00;
	vm10 =	vnez.u8 v7  }
0x1fd: {  	[tilespmem:s21], [sflag:$0x1] =	stream.indirect_vreg.gather [hbm4b:s2+s8], $0x80, v6, vm10, $0xb8;
	v6 =	vld [tilespmem:$0x1FFF0]  }
0x1fe: {  	_ = 	snop  }
0x1ff: {  	v5 =	vperm.xlane v5, v4;
	_ =	sdelay $0x1  }
0x200: {  	v5 =	vadd.s32 v3, v5  }
0x201: {  	vm10 =	vnez.u8 v6;
	v6 =	vld [tilespmem:$0x1FFF0];
	_ =	sdelay $0x2  }
0x202: {  	s22 =	simm.s32 $0x1200  }
0x203: {  	[tilespmem:s22], [sflag:$0x1] =	stream.indirect_vreg.gather [hbm4b:s0+s8], $0x80, v5, vm10, $0xb8;
	[tilespmem:$0x10200] =	vst v63  }
0x204: {  	s28 =	simm.s32 $0x1A00;
	vm10 =	vnez.u8 v6  }
0x205: {  	[tilespmem:s28], [sflag:$0x1] =	stream.indirect_vreg.gather [hbm4b:s2+s8], $0x80, v5, vm10, $0xb8;
	[tilespmem:$0x10200] =	vst v63  }
0x206: {  	v5 =	vld [tilespmem:$0x110];
	_ =	sdelay $0x4  }
0x207: {  	v6 =	vshll.u32 v5, $0x2  }
0x208: {  	v7 =	vld [tilespmem:$0x1FFF0];
	v5 =	vand.u32 $0x7, v5;
	v6 =	vand.u32 $0xFFFFFFE0, v6  }
0x209: {  	v5 =	vor.u32 v5, v6  }
0x20a: {  	v6 =	vperm.xlane v5, v2;
	_ =	sdelay $0x1  }
0x20b: {  	v6 =	vadd.s32 v3, v6  }
0x20c: {  	vm10 =	vnez.u8 v7;
	v7 =	vld [tilespmem:$0x1FFF0];
	_ =	sdelay $0x2  }
0x20d: {  	s17 =	simm.s32 $0x2200  }
0x20e: {  	[tilespmem:s17], [sflag:$0x1] =	stream.indirect_vreg.gather [hbm4b:s0+s8], $0x80, v6, vm10, $0xb8;
	[tilespmem:$0x10200] =	vst v63  }
0x20f: {  	s21 =	simm.s32 $0x2A00;
	vm10 =	vnez.u8 v7  }
0x210: {  	[tilespmem:s21], [sflag:$0x1] =	stream.indirect_vreg.gather [hbm4b:s2+s8], $0x80, v6, vm10, $0xb8;
	v6 =	vld [tilespmem:$0x1FFF0]  }
0x211: {  	_ = 	snop  }
0x212: {  	v5 =	vperm.xlane v5, v4;
	_ =	sdelay $0x1  }
0x213: {  	v5 =	vadd.s32 v3, v5  }
0x214: {  	vm10 =	vnez.u8 v6;
	v6 =	vld [tilespmem:$0x1FFF0];
	_ =	sdelay $0x2  }
0x215: {  	s28 =	simm.s32 $0x3200  }
0x216: {  	[tilespmem:s28], [sflag:$0x1] =	stream.indirect_vreg.gather [hbm4b:s0+s8], $0x80, v5, vm10, $0xb8;
	[tilespmem:$0x10200] =	vst v63  }
0x217: {  	s17 =	simm.s32 $0x3A00;
	vm10 =	vnez.u8 v6  }
0x218: {  	[tilespmem:s17], [sflag:$0x1] =	stream.indirect_vreg.gather [hbm4b:s2+s8], $0x80, v5, vm10, $0xb8;
	[tilespmem:$0x10200] =	vst v63  }
0x219: {  	_ =	swait.ge [sflag:s7], $0x4000  }
0x21a: {  	[sflag:s7] =	ssyncset.done $0x0  }
0x21b: {  	s21 =	rddreg [dreg:$0xe];
	[sflag:s7] =	ssyncadd.s32 $0xFFFFC000  }
0x21c: {  	[hbm4b:s21+s8] =	stream.linear.scatter [tilespmem:s12], [sflag:$0x6], $0x4000, $0x38;
	[tilespmem:$0x10200] =	vst v63  }
0x21d: {  	_ =	swait.ge [sflag:s9], $0x4000  }
0x21e: {  	[sflag:s9] =	ssyncset.done $0x0  }
0x21f: {  	[sflag:s9] =	ssyncadd.s32 $0xFFFFC000  }
0x220: {  	v5 =	vld [tilespmem:$0x120];
	_ =	sdelay $0x4  }
0x221: {  	v6 =	vshll.u32 v5, $0x2  }
0x222: {  	v7 =	vld [tilespmem:$0x1FFF0];
	v5 =	vand.u32 $0x7, v5;
	v6 =	vand.u32 $0xFFFFFFE0, v6  }
0x223: {  	v5 =	vor.u32 v5, v6  }
0x224: {  	v6 =	vperm.xlane v5, v2;
	_ =	sdelay $0x1  }
0x225: {  	v6 =	vadd.s32 v3, v6  }
0x226: {  	vm10 =	vnez.u8 v7;
	v7 =	vld [tilespmem:$0x1FFF0];
	_ =	sdelay $0x3  }
0x227: {  	[tilespmem:s12], [sflag:$0x2] =	stream.indirect_vreg.gather [hbm4b:s0+s8], $0x80, v6, vm10, $0xb8;
	[tilespmem:$0x10200] =	vst v63  }
0x228: {  	s28 =	simm.s32 $0x4A00;
	vm10 =	vnez.u8 v7  }
0x229: {  	[tilespmem:s28], [sflag:$0x2] =	stream.indirect_vreg.gather [hbm4b:s2+s8], $0x80, v6, vm10, $0xb8;
	v6 =	vld [tilespmem:$0x1FFF0]  }
0x22a: {  	_ = 	snop  }
0x22b: {  	v5 =	vperm.xlane v5, v4;
	_ =	sdelay $0x1  }
0x22c: {  	v5 =	vadd.s32 v3, v5  }
0x22d: {  	vm10 =	vnez.u8 v6;
	v6 =	vld [tilespmem:$0x1FFF0];
	_ =	sdelay $0x2  }
0x22e: {  	s21 =	simm.s32 $0x5200  }
0x22f: {  	[tilespmem:s21], [sflag:$0x2] =	stream.indirect_vreg.gather [hbm4b:s0+s8], $0x80, v5, vm10, $0xb8;
	[tilespmem:$0x10200] =	vst v63  }
0x230: {  	s16 =	simm.s32 $0x5A00;
	vm10 =	vnez.u8 v6  }
0x231: {  	[tilespmem:s16], [sflag:$0x2] =	stream.indirect_vreg.gather [hbm4b:s2+s8], $0x80, v5, vm10, $0xb8;
	[tilespmem:$0x10200] =	vst v63  }
0x232: {  	v5 =	vld [tilespmem:$0x130];
	_ =	sdelay $0x4  }
0x233: {  	v6 =	vshll.u32 v5, $0x2  }
0x234: {  	v7 =	vld [tilespmem:$0x1FFF0];
	v5 =	vand.u32 $0x7, v5;
	v6 =	vand.u32 $0xFFFFFFE0, v6  }
0x235: {  	v5 =	vor.u32 v5, v6  }
0x236: {  	v6 =	vperm.xlane v5, v2;
	_ =	sdelay $0x1  }
0x237: {  	v6 =	vadd.s32 v3, v6  }
0x238: {  	vm10 =	vnez.u8 v7;
	v7 =	vld [tilespmem:$0x1FFF0];
	_ =	sdelay $0x2  }
0x239: {  	s16 =	simm.s32 $0x6200  }
0x23a: {  	[tilespmem:s16], [sflag:$0x2] =	stream.indirect_vreg.gather [hbm4b:s0+s8], $0x80, v6, vm10, $0xb8;
	[tilespmem:$0x10200] =	vst v63  }
0x23b: {  	vm10 =	vnez.u8 v7;
	s16 =	simm.s32 $0x6A00  }
0x23c: {  	[tilespmem:s16], [sflag:$0x2] =	stream.indirect_vreg.gather [hbm4b:s2+s8], $0x80, v6, vm10, $0xb8;
	v6 =	vld [tilespmem:$0x1FFF0]  }
0x23d: {  	_ = 	snop  }
0x23e: {  	v5 =	vperm.xlane v5, v4;
	_ =	sdelay $0x1  }
0x23f: {  	v5 =	vadd.s32 v3, v5  }
0x240: {  	vm10 =	vnez.u8 v6;
	v6 =	vld [tilespmem:$0x1FFF0];
	_ =	sdelay $0x2  }
0x241: {  	s16 =	simm.s32 $0x7200  }
0x242: {  	[tilespmem:s16], [sflag:$0x2] =	stream.indirect_vreg.gather [hbm4b:s0+s8], $0x80, v5, vm10, $0xb8;
	[tilespmem:$0x10200] =	vst v63  }
0x243: {  	s15 =	simm.s32 $0x7A00;
	vm10 =	vnez.u8 v6  }
0x244: {  	[tilespmem:s15], [sflag:$0x2] =	stream.indirect_vreg.gather [hbm4b:s2+s8], $0x80, v5, vm10, $0xb8;
	[tilespmem:$0x10200] =	vst v63  }
0x245: {  	_ =	swait.ge [sflag:s5], $0x4000  }
0x246: {  	[sflag:s5] =	ssyncset.done $0x0  }
0x247: {  	s15 =	rddreg [dreg:$0xf];
	[sflag:s5] =	ssyncadd.s32 $0xFFFFC000  }
0x248: {  	[hbm4b:s15+s8] =	stream.linear.scatter [tilespmem:s20], [sflag:$0x7], $0x4000, $0x38;
	[tilespmem:$0x10200] =	vst v63  }
0x249: {  	_ =	swait.ge [sflag:s6], $0x4000  }
0x24a: {  	[sflag:s6] =	ssyncset.done $0x0  }
0x24b: {  	[sflag:s6] =	ssyncadd.s32 $0xFFFFC000  }
0x24c: {  	v5 =	vld [tilespmem:$0x140];
	_ =	sdelay $0x4  }
0x24d: {  	v6 =	vshll.u32 v5, $0x2  }
0x24e: {  	v7 =	vld [tilespmem:$0x1FFF0];
	v5 =	vand.u32 $0x7, v5;
	v6 =	vand.u32 $0xFFFFFFE0, v6  }
0x24f: {  	v5 =	vor.u32 v5, v6  }
0x250: {  	v6 =	vperm.xlane v5, v2;
	_ =	sdelay $0x1  }
0x251: {  	v6 =	vadd.s32 v3, v6  }
0x252: {  	vm10 =	vnez.u8 v7;
	v7 =	vld [tilespmem:$0x1FFF0];
	_ =	sdelay $0x3  }
0x253: {  	[tilespmem:s20], [sflag:$0x3] =	stream.indirect_vreg.gather [hbm4b:s0+s8], $0x80, v6, vm10, $0xb8;
	[tilespmem:$0x10200] =	vst v63  }
0x254: {  	s30 =	simm.s32 $0x8A00;
	vm10 =	vnez.u8 v7  }
0x255: {  	[tilespmem:s30], [sflag:$0x3] =	stream.indirect_vreg.gather [hbm4b:s2+s8], $0x80, v6, vm10, $0xb8;
	v6 =	vld [tilespmem:$0x1FFF0]  }
0x256: {  	_ = 	snop  }
0x257: {  	v5 =	vperm.xlane v5, v4;
	_ =	sdelay $0x1  }
0x258: {  	v5 =	vadd.s32 v3, v5  }
0x259: {  	vm10 =	vnez.u8 v6;
	v6 =	vld [tilespmem:$0x1FFF0];
	_ =	sdelay $0x2  }
0x25a: {  	s31 =	simm.s32 $0x9200  }
0x25b: {  	[tilespmem:s31], [sflag:$0x3] =	stream.indirect_vreg.gather [hbm4b:s0+s8], $0x80, v5, vm10, $0xb8;
	[tilespmem:$0x10200] =	vst v63  }
0x25c: {  	s19 =	simm.s32 $0x9A00;
	vm10 =	vnez.u8 v6  }
0x25d: {  	[tilespmem:s19], [sflag:$0x3] =	stream.indirect_vreg.gather [hbm4b:s2+s8], $0x80, v5, vm10, $0xb8;
	[tilespmem:$0x10200] =	vst v63  }
0x25e: {  	v5 =	vld [tilespmem:$0x150];
	_ =	sdelay $0x4  }
0x25f: {  	v6 =	vshll.u32 v5, $0x2  }
0x260: {  	v7 =	vld [tilespmem:$0x1FFF0];
	v5 =	vand.u32 $0x7, v5;
	v6 =	vand.u32 $0xFFFFFFE0, v6  }
0x261: {  	v5 =	vor.u32 v5, v6  }
0x262: {  	v6 =	vperm.xlane v5, v2;
	_ =	sdelay $0x1  }
0x263: {  	v6 =	vadd.s32 v3, v6  }
0x264: {  	vm10 =	vnez.u8 v7;
	v7 =	vld [tilespmem:$0x1FFF0];
	_ =	sdelay $0x2  }
0x265: {  	s25 =	simm.s32 $0xA200  }
0x266: {  	[tilespmem:s25], [sflag:$0x3] =	stream.indirect_vreg.gather [hbm4b:s0+s8], $0x80, v6, vm10, $0xb8;
	[tilespmem:$0x10200] =	vst v63  }
0x267: {  	s15 =	simm.s32 $0xAA00;
	vm10 =	vnez.u8 v7  }
0x268: {  	[tilespmem:s15], [sflag:$0x3] =	stream.indirect_vreg.gather [hbm4b:s2+s8], $0x80, v6, vm10, $0xb8;
	v6 =	vld [tilespmem:$0x1FFF0]  }
0x269: {  	_ = 	snop  }
0x26a: {  	v5 =	vperm.xlane v5, v4;
	_ =	sdelay $0x1  }
0x26b: {  	v5 =	vadd.s32 v3, v5  }
0x26c: {  	vm10 =	vnez.u8 v6;
	v6 =	vld [tilespmem:$0x1FFF0];
	_ =	sdelay $0x2  }
0x26d: {  	s26 =	simm.s32 $0xB200  }
0x26e: {  	[tilespmem:s26], [sflag:$0x3] =	stream.indirect_vreg.gather [hbm4b:s0+s8], $0x80, v5, vm10, $0xb8;
	[tilespmem:$0x10200] =	vst v63  }
0x26f: {  	s15 =	simm.s32 $0xBA00;
	vm10 =	vnez.u8 v6  }
0x270: {  	[tilespmem:s15], [sflag:$0x3] =	stream.indirect_vreg.gather [hbm4b:s2+s8], $0x80, v5, vm10, $0xb8;
	[tilespmem:$0x10200] =	vst v63  }
0x271: {  	_ =	swait.ge [sflag:s3], $0x4000  }
0x272: {  	[sflag:s3] =	ssyncset.done $0x0  }
0x273: {  	s1 =	rddreg [dreg:$0x10];
	[sflag:s3] =	ssyncadd.s32 $0xFFFFC000  }
0x274: {  	[hbm4b:s1+s8] =	stream.linear.scatter [tilespmem:s29], [sflag:$0x8], $0x4000, $0x38;
	[tilespmem:$0x10200] =	vst v63  }
0x275: {  	_ =	swait.ge [sflag:s4], $0x4000  }
0x276: {  	[sflag:s4] =	ssyncset.done $0x0  }
0x277: {  	[sflag:s4] =	ssyncadd.s32 $0xFFFFC000  }
0x278: {  	v5 =	vld [tilespmem:$0x160];
	_ =	sdelay $0x4  }
0x279: {  	v6 =	vshll.u32 v5, $0x2  }
0x27a: {  	v7 =	vld [tilespmem:$0x1FFF0];
	v5 =	vand.u32 $0x7, v5;
	v6 =	vand.u32 $0xFFFFFFE0, v6  }
0x27b: {  	v5 =	vor.u32 v5, v6  }
0x27c: {  	v6 =	vperm.xlane v5, v2;
	_ =	sdelay $0x1  }
0x27d: {  	v6 =	vadd.s32 v3, v6  }
0x27e: {  	vm10 =	vnez.u8 v7;
	v7 =	vld [tilespmem:$0x1FFF0];
	_ =	sdelay $0x3  }
0x27f: {  	[tilespmem:s29], [sflag:$0x4] =	stream.indirect_vreg.gather [hbm4b:s0+s8], $0x80, v6, vm10, $0xb8;
	[tilespmem:$0x10200] =	vst v63  }
0x280: {  	s23 =	simm.s32 $0xCA00;
	vm10 =	vnez.u8 v7  }
0x281: {  	[tilespmem:s23], [sflag:$0x4] =	stream.indirect_vreg.gather [hbm4b:s2+s8], $0x80, v6, vm10, $0xb8;
	v6 =	vld [tilespmem:$0x1FFF0]  }
0x282: {  	_ = 	snop  }
0x283: {  	v5 =	vperm.xlane v5, v4;
	_ =	sdelay $0x1  }
0x284: {  	v5 =	vadd.s32 v3, v5  }
0x285: {  	vm10 =	vnez.u8 v6;
	v6 =	vld [tilespmem:$0x1FFF0];
	_ =	sdelay $0x2  }
0x286: {  	s24 =	simm.s32 $0xD200  }
0x287: {  	[tilespmem:s24], [sflag:$0x4] =	stream.indirect_vreg.gather [hbm4b:s0+s8], $0x80, v5, vm10, $0xb8;
	[tilespmem:$0x10200] =	vst v63  }
0x288: {  	s18 =	simm.s32 $0xDA00;
	vm10 =	vnez.u8 v6  }
0x289: {  	[tilespmem:s18], [sflag:$0x4] =	stream.indirect_vreg.gather [hbm4b:s2+s8], $0x80, v5, vm10, $0xb8;
	[tilespmem:$0x10200] =	vst v63  }
0x28a: {  	v5 =	vld [tilespmem:$0x170];
	_ =	sdelay $0x4  }
0x28b: {  	v6 =	vshll.u32 v5, $0x2  }
0x28c: {  	v7 =	vld [tilespmem:$0x1FFF0];
	v5 =	vand.u32 $0x7, v5;
	v6 =	vand.u32 $0xFFFFFFE0, v6  }
0x28d: {  	v5 =	vor.u32 v5, v6  }
0x28e: {  	v6 =	vperm.xlane v5, v2;
	_ =	sdelay $0x1  }
0x28f: {  	v6 =	vadd.s32 v3, v6  }
0x290: {  	vm10 =	vnez.u8 v7;
	v7 =	vld [tilespmem:$0x1FFF0];
	_ =	sdelay $0x2  }
0x291: {  	s1 =	simm.s32 $0xE200  }
0x292: {  	[tilespmem:s1], [sflag:$0x4] =	stream.indirect_vreg.gather [hbm4b:s0+s8], $0x80, v6, vm10, $0xb8;
	[tilespmem:$0x10200] =	vst v63  }
0x293: {  	vm10 =	vnez.u8 v7;
	s1 =	simm.s32 $0xEA00  }
0x294: {  	[tilespmem:s1], [sflag:$0x4] =	stream.indirect_vreg.gather [hbm4b:s2+s8], $0x80, v6, vm10, $0xb8;
	v6 =	vld [tilespmem:$0x1FFF0]  }
0x295: {  	_ = 	snop  }
0x296: {  	v5 =	vperm.xlane v5, v4;
	_ =	sdelay $0x1  }
0x297: {  	v5 =	vadd.s32 v3, v5  }
0x298: {  	vm10 =	vnez.u8 v6;
	v6 =	vld [tilespmem:$0x1FFF0];
	_ =	sdelay $0x2  }
0x299: {  	s1 =	simm.s32 $0xF200  }
0x29a: {  	[tilespmem:s1], [sflag:$0x4] =	stream.indirect_vreg.gather [hbm4b:s0+s8], $0x80, v5, vm10, $0xb8;
	[tilespmem:$0x10200] =	vst v63  }
0x29b: {  	s14 =	simm.s32 $0xFA00;
	vm10 =	vnez.u8 v6  }
0x29c: {  	[tilespmem:s14], [sflag:$0x4] =	stream.indirect_vreg.gather [hbm4b:s2+s8], $0x80, v5, vm10, $0xb8;
	[tilespmem:$0x10200] =	vst v63  }
0x29d: {  	_ =	swait.ge [sflag:s10], $0x4000  }
0x29e: {  	[sflag:s10] =	ssyncset.done $0x0  }
0x29f: {  	s1 =	rddreg [dreg:$0x11];
	[sflag:s10] =	ssyncadd.s32 $0xFFFFC000  }
0x2a0: {  	[hbm4b:s1+s8] =	stream.linear.scatter [tilespmem:s13], [sflag:$0x5], $0x4000, $0x38;
	[tilespmem:$0x10200] =	vst v63  }
0x2a1: {  	_ =	swait.ge [sflag:s11], $0x4000  }
0x2a2: {  	[sflag:s11] =	ssyncset.done $0x0  }
0x2a3: {  	[sflag:s11] =	ssyncadd.s32 $0xFFFFC000  }
0x2a4: {  	v5 =	vld [tilespmem:$0x180];
	_ =	sdelay $0x4  }
0x2a5: {  	v6 =	vshll.u32 v5, $0x2  }
0x2a6: {  	v7 =	vld [tilespmem:$0x1FFF0];
	v5 =	vand.u32 $0x7, v5;
	v6 =	vand.u32 $0xFFFFFFE0, v6  }
0x2a7: {  	v5 =	vor.u32 v5, v6  }
0x2a8: {  	v6 =	vperm.xlane v5, v2;
	_ =	sdelay $0x1  }
0x2a9: {  	v6 =	vadd.s32 v3, v6  }
0x2aa: {  	vm10 =	vnez.u8 v7;
	v7 =	vld [tilespmem:$0x1FFF0];
	_ =	sdelay $0x3  }
0x2ab: {  	[tilespmem:s13], [sflag:$0x1] =	stream.indirect_vreg.gather [hbm4b:s0+s8], $0x80, v6, vm10, $0xb8;
	[tilespmem:$0x10200] =	vst v63  }
0x2ac: {  	s1 =	simm.s32 $0xA00;
	vm10 =	vnez.u8 v7  }
0x2ad: {  	[tilespmem:s1], [sflag:$0x1] =	stream.indirect_vreg.gather [hbm4b:s2+s8], $0x80, v6, vm10, $0xb8;
	v6 =	vld [tilespmem:$0x1FFF0]  }
0x2ae: {  	_ = 	snop  }
0x2af: {  	v5 =	vperm.xlane v5, v4;
	_ =	sdelay $0x1  }
0x2b0: {  	v5 =	vadd.s32 v3, v5  }
0x2b1: {  	vm10 =	vnez.u8 v6;
	v6 =	vld [tilespmem:$0x1FFF0];
	_ =	sdelay $0x2  }
0x2b2: {  	s1 =	simm.s32 $0x1200  }
0x2b3: {  	[tilespmem:s1], [sflag:$0x1] =	stream.indirect_vreg.gather [hbm4b:s0+s8], $0x80, v5, vm10, $0xb8;
	[tilespmem:$0x10200] =	vst v63  }
0x2b4: {  	s22 =	simm.s32 $0x1A00;
	vm10 =	vnez.u8 v6  }
0x2b5: {  	[tilespmem:s22], [sflag:$0x1] =	stream.indirect_vreg.gather [hbm4b:s2+s8], $0x80, v5, vm10, $0xb8;
	[tilespmem:$0x10200] =	vst v63  }
0x2b6: {  	v5 =	vld [tilespmem:$0x190];
	_ =	sdelay $0x4  }
0x2b7: {  	v6 =	vshll.u32 v5, $0x2  }
0x2b8: {  	v7 =	vld [tilespmem:$0x1FFF0];
	v5 =	vand.u32 $0x7, v5;
	v6 =	vand.u32 $0xFFFFFFE0, v6  }
0x2b9: {  	v5 =	vor.u32 v5, v6  }
0x2ba: {  	v6 =	vperm.xlane v5, v2;
	_ =	sdelay $0x1  }
0x2bb: {  	v6 =	vadd.s32 v3, v6  }
0x2bc: {  	vm10 =	vnez.u8 v7;
	v7 =	vld [tilespmem:$0x1FFF0];
	_ =	sdelay $0x2  }
0x2bd: {  	s22 =	simm.s32 $0x2200  }
0x2be: {  	[tilespmem:s22], [sflag:$0x1] =	stream.indirect_vreg.gather [hbm4b:s0+s8], $0x80, v6, vm10, $0xb8;
	[tilespmem:$0x10200] =	vst v63  }
0x2bf: {  	vm10 =	vnez.u8 v7;
	s22 =	simm.s32 $0x2A00  }
0x2c0: {  	[tilespmem:s22], [sflag:$0x1] =	stream.indirect_vreg.gather [hbm4b:s2+s8], $0x80, v6, vm10, $0xb8;
	v6 =	vld [tilespmem:$0x1FFF0]  }
0x2c1: {  	_ = 	snop  }
0x2c2: {  	v5 =	vperm.xlane v5, v4;
	_ =	sdelay $0x1  }
0x2c3: {  	v5 =	vadd.s32 v3, v5  }
0x2c4: {  	vm10 =	vnez.u8 v6;
	v6 =	vld [tilespmem:$0x1FFF0];
	_ =	sdelay $0x2  }
0x2c5: {  	s22 =	simm.s32 $0x3200  }
0x2c6: {  	[tilespmem:s22], [sflag:$0x1] =	stream.indirect_vreg.gather [hbm4b:s0+s8], $0x80, v5, vm10, $0xb8;
	[tilespmem:$0x10200] =	vst v63  }
0x2c7: {  	s17 =	simm.s32 $0x3A00;
	vm10 =	vnez.u8 v6  }
0x2c8: {  	[tilespmem:s17], [sflag:$0x1] =	stream.indirect_vreg.gather [hbm4b:s2+s8], $0x80, v5, vm10, $0xb8;
	[tilespmem:$0x10200] =	vst v63  }
0x2c9: {  	_ =	swait.ge [sflag:s7], $0x4000  }
0x2ca: {  	[sflag:s7] =	ssyncset.done $0x0  }
0x2cb: {  	s22 =	rddreg [dreg:$0x12];
	[sflag:s7] =	ssyncadd.s32 $0xFFFFC000  }
0x2cc: {  	[hbm4b:s22+s8] =	stream.linear.scatter [tilespmem:s12], [sflag:$0x6], $0x4000, $0x38;
	[tilespmem:$0x10200] =	vst v63  }
0x2cd: {  	_ =	swait.ge [sflag:s9], $0x4000  }
0x2ce: {  	[sflag:s9] =	ssyncset.done $0x0  }
0x2cf: {  	[sflag:s9] =	ssyncadd.s32 $0xFFFFC000  }
0x2d0: {  	v5 =	vld [tilespmem:$0x1A0];
	_ =	sdelay $0x4  }
0x2d1: {  	v6 =	vshll.u32 v5, $0x2  }
0x2d2: {  	v7 =	vld [tilespmem:$0x1FFF0];
	v5 =	vand.u32 $0x7, v5;
	v6 =	vand.u32 $0xFFFFFFE0, v6  }
0x2d3: {  	v5 =	vor.u32 v5, v6  }
0x2d4: {  	v6 =	vperm.xlane v5, v2;
	_ =	sdelay $0x1  }
0x2d5: {  	v6 =	vadd.s32 v3, v6  }
0x2d6: {  	vm10 =	vnez.u8 v7;
	v7 =	vld [tilespmem:$0x1FFF0];
	_ =	sdelay $0x3  }
0x2d7: {  	[tilespmem:s12], [sflag:$0x2] =	stream.indirect_vreg.gather [hbm4b:s0+s8], $0x80, v6, vm10, $0xb8;
	[tilespmem:$0x10200] =	vst v63  }
0x2d8: {  	s28 =	simm.s32 $0x4A00;
	vm10 =	vnez.u8 v7  }
0x2d9: {  	[tilespmem:s28], [sflag:$0x2] =	stream.indirect_vreg.gather [hbm4b:s2+s8], $0x80, v6, vm10, $0xb8;
	v6 =	vld [tilespmem:$0x1FFF0]  }
0x2da: {  	_ = 	snop  }
0x2db: {  	v5 =	vperm.xlane v5, v4;
	_ =	sdelay $0x1  }
0x2dc: {  	v5 =	vadd.s32 v3, v5  }
0x2dd: {  	vm10 =	vnez.u8 v6;
	v6 =	vld [tilespmem:$0x1FFF0];
	_ =	sdelay $0x2  }
0x2de: {  	s17 =	simm.s32 $0x5200  }
0x2df: {  	[tilespmem:s17], [sflag:$0x2] =	stream.indirect_vreg.gather [hbm4b:s0+s8], $0x80, v5, vm10, $0xb8;
	[tilespmem:$0x10200] =	vst v63  }
0x2e0: {  	s21 =	simm.s32 $0x5A00;
	vm10 =	vnez.u8 v6  }
0x2e1: {  	[tilespmem:s21], [sflag:$0x2] =	stream.indirect_vreg.gather [hbm4b:s2+s8], $0x80, v5, vm10, $0xb8;
	[tilespmem:$0x10200] =	vst v63  }
0x2e2: {  	v5 =	vld [tilespmem:$0x1B0];
	_ =	sdelay $0x4  }
0x2e3: {  	v6 =	vshll.u32 v5, $0x2  }
0x2e4: {  	v7 =	vld [tilespmem:$0x1FFF0];
	v5 =	vand.u32 $0x7, v5;
	v6 =	vand.u32 $0xFFFFFFE0, v6  }
0x2e5: {  	v5 =	vor.u32 v5, v6  }
0x2e6: {  	v6 =	vperm.xlane v5, v2;
	_ =	sdelay $0x1  }
0x2e7: {  	v6 =	vadd.s32 v3, v6  }
0x2e8: {  	vm10 =	vnez.u8 v7;
	v7 =	vld [tilespmem:$0x1FFF0];
	_ =	sdelay $0x2  }
0x2e9: {  	s21 =	simm.s32 $0x6200  }
0x2ea: {  	[tilespmem:s21], [sflag:$0x2] =	stream.indirect_vreg.gather [hbm4b:s0+s8], $0x80, v6, vm10, $0xb8;
	[tilespmem:$0x10200] =	vst v63  }
0x2eb: {  	s22 =	simm.s32 $0x6A00;
	vm10 =	vnez.u8 v7  }
0x2ec: {  	[tilespmem:s22], [sflag:$0x2] =	stream.indirect_vreg.gather [hbm4b:s2+s8], $0x80, v6, vm10, $0xb8;
	v6 =	vld [tilespmem:$0x1FFF0]  }
0x2ed: {  	_ = 	snop  }
0x2ee: {  	v5 =	vperm.xlane v5, v4;
	_ =	sdelay $0x1  }
0x2ef: {  	v5 =	vadd.s32 v3, v5  }
0x2f0: {  	vm10 =	vnez.u8 v6;
	v6 =	vld [tilespmem:$0x1FFF0];
	_ =	sdelay $0x2  }
0x2f1: {  	s28 =	simm.s32 $0x7200  }
0x2f2: {  	[tilespmem:s28], [sflag:$0x2] =	stream.indirect_vreg.gather [hbm4b:s0+s8], $0x80, v5, vm10, $0xb8;
	[tilespmem:$0x10200] =	vst v63  }
0x2f3: {  	s16 =	simm.s32 $0x7A00;
	vm10 =	vnez.u8 v6  }
0x2f4: {  	[tilespmem:s16], [sflag:$0x2] =	stream.indirect_vreg.gather [hbm4b:s2+s8], $0x80, v5, vm10, $0xb8;
	[tilespmem:$0x10200] =	vst v63  }
0x2f5: {  	_ =	swait.ge [sflag:s5], $0x4000  }
0x2f6: {  	[sflag:s5] =	ssyncset.done $0x0  }
0x2f7: {  	s16 =	rddreg [dreg:$0x13];
	[sflag:s5] =	ssyncadd.s32 $0xFFFFC000  }
0x2f8: {  	[hbm4b:s16+s8] =	stream.linear.scatter [tilespmem:s20], [sflag:$0x7], $0x4000, $0x38;
	[tilespmem:$0x10200] =	vst v63  }
0x2f9: {  	_ =	swait.ge [sflag:s6], $0x4000  }
0x2fa: {  	[sflag:s6] =	ssyncset.done $0x0  }
0x2fb: {  	[sflag:s6] =	ssyncadd.s32 $0xFFFFC000  }
0x2fc: {  	v5 =	vld [tilespmem:$0x1C0];
	_ =	sdelay $0x4  }
0x2fd: {  	v6 =	vshll.u32 v5, $0x2  }
0x2fe: {  	v7 =	vld [tilespmem:$0x1FFF0];
	v5 =	vand.u32 $0x7, v5;
	v6 =	vand.u32 $0xFFFFFFE0, v6  }
0x2ff: {  	v5 =	vor.u32 v5, v6  }
0x300: {  	v6 =	vperm.xlane v5, v2;
	_ =	sdelay $0x1  }
0x301: {  	v6 =	vadd.s32 v3, v6  }
0x302: {  	vm10 =	vnez.u8 v7;
	v7 =	vld [tilespmem:$0x1FFF0];
	_ =	sdelay $0x3  }
0x303: {  	[tilespmem:s20], [sflag:$0x3] =	stream.indirect_vreg.gather [hbm4b:s0+s8], $0x80, v6, vm10, $0xb8;
	[tilespmem:$0x10200] =	vst v63  }
0x304: {  	s30 =	simm.s32 $0x8A00;
	vm10 =	vnez.u8 v7  }
0x305: {  	[tilespmem:s30], [sflag:$0x3] =	stream.indirect_vreg.gather [hbm4b:s2+s8], $0x80, v6, vm10, $0xb8;
	v6 =	vld [tilespmem:$0x1FFF0]  }
0x306: {  	_ = 	snop  }
0x307: {  	v5 =	vperm.xlane v5, v4;
	_ =	sdelay $0x1  }
0x308: {  	v5 =	vadd.s32 v3, v5  }
0x309: {  	vm10 =	vnez.u8 v6;
	v6 =	vld [tilespmem:$0x1FFF0];
	_ =	sdelay $0x2  }
0x30a: {  	s31 =	simm.s32 $0x9200  }
0x30b: {  	[tilespmem:s31], [sflag:$0x3] =	stream.indirect_vreg.gather [hbm4b:s0+s8], $0x80, v5, vm10, $0xb8;
	[tilespmem:$0x10200] =	vst v63  }
0x30c: {  	s19 =	simm.s32 $0x9A00;
	vm10 =	vnez.u8 v6  }
0x30d: {  	[tilespmem:s19], [sflag:$0x3] =	stream.indirect_vreg.gather [hbm4b:s2+s8], $0x80, v5, vm10, $0xb8;
	[tilespmem:$0x10200] =	vst v63  }
0x30e: {  	v5 =	vld [tilespmem:$0x1D0];
	_ =	sdelay $0x4  }
0x30f: {  	v6 =	vshll.u32 v5, $0x2  }
0x310: {  	v7 =	vld [tilespmem:$0x1FFF0];
	v5 =	vand.u32 $0x7, v5;
	v6 =	vand.u32 $0xFFFFFFE0, v6  }
0x311: {  	v5 =	vor.u32 v5, v6  }
0x312: {  	v6 =	vperm.xlane v5, v2;
	_ =	sdelay $0x1  }
0x313: {  	v6 =	vadd.s32 v3, v6  }
0x314: {  	vm10 =	vnez.u8 v7;
	v7 =	vld [tilespmem:$0x1FFF0];
	_ =	sdelay $0x2  }
0x315: {  	s25 =	simm.s32 $0xA200  }
0x316: {  	[tilespmem:s25], [sflag:$0x3] =	stream.indirect_vreg.gather [hbm4b:s0+s8], $0x80, v6, vm10, $0xb8;
	[tilespmem:$0x10200] =	vst v63  }
0x317: {  	s17 =	simm.s32 $0xAA00;
	vm10 =	vnez.u8 v7  }
0x318: {  	[tilespmem:s17], [sflag:$0x3] =	stream.indirect_vreg.gather [hbm4b:s2+s8], $0x80, v6, vm10, $0xb8;
	v6 =	vld [tilespmem:$0x1FFF0]  }
0x319: {  	_ = 	snop  }
0x31a: {  	v5 =	vperm.xlane v5, v4;
	_ =	sdelay $0x1  }
0x31b: {  	v5 =	vadd.s32 v3, v5  }
0x31c: {  	vm10 =	vnez.u8 v6;
	v6 =	vld [tilespmem:$0x1FFF0];
	_ =	sdelay $0x2  }
0x31d: {  	s26 =	simm.s32 $0xB200  }
0x31e: {  	[tilespmem:s26], [sflag:$0x3] =	stream.indirect_vreg.gather [hbm4b:s0+s8], $0x80, v5, vm10, $0xb8;
	[tilespmem:$0x10200] =	vst v63  }
0x31f: {  	s15 =	simm.s32 $0xBA00;
	vm10 =	vnez.u8 v6  }
0x320: {  	[tilespmem:s15], [sflag:$0x3] =	stream.indirect_vreg.gather [hbm4b:s2+s8], $0x80, v5, vm10, $0xb8;
	[tilespmem:$0x10200] =	vst v63  }
0x321: {  	_ =	swait.ge [sflag:s3], $0x4000  }
0x322: {  	[sflag:s3] =	ssyncset.done $0x0  }
0x323: {  	s19 =	rddreg [dreg:$0x14];
	[sflag:s3] =	ssyncadd.s32 $0xFFFFC000  }
0x324: {  	[hbm4b:s19+s8] =	stream.linear.scatter [tilespmem:s29], [sflag:$0x8], $0x4000, $0x38;
	[tilespmem:$0x10200] =	vst v63  }
0x325: {  	_ =	swait.ge [sflag:s4], $0x4000  }
0x326: {  	[sflag:s4] =	ssyncset.done $0x0  }
0x327: {  	[sflag:s4] =	ssyncadd.s32 $0xFFFFC000  }
0x328: {  	v5 =	vld [tilespmem:$0x1E0];
	_ =	sdelay $0x4  }
0x329: {  	v6 =	vshll.u32 v5, $0x2  }
0x32a: {  	v7 =	vld [tilespmem:$0x1FFF0];
	v5 =	vand.u32 $0x7, v5;
	v6 =	vand.u32 $0xFFFFFFE0, v6  }
0x32b: {  	v5 =	vor.u32 v5, v6  }
0x32c: {  	v6 =	vperm.xlane v5, v2;
	_ =	sdelay $0x1  }
0x32d: {  	v6 =	vadd.s32 v3, v6  }
0x32e: {  	vm10 =	vnez.u8 v7;
	v7 =	vld [tilespmem:$0x1FFF0];
	_ =	sdelay $0x3  }
0x32f: {  	[tilespmem:s29], [sflag:$0x4] =	stream.indirect_vreg.gather [hbm4b:s0+s8], $0x80, v6, vm10, $0xb8;
	[tilespmem:$0x10200] =	vst v63  }
0x330: {  	s23 =	simm.s32 $0xCA00;
	vm10 =	vnez.u8 v7  }
0x331: {  	[tilespmem:s23], [sflag:$0x4] =	stream.indirect_vreg.gather [hbm4b:s2+s8], $0x80, v6, vm10, $0xb8;
	v6 =	vld [tilespmem:$0x1FFF0]  }
0x332: {  	_ = 	snop  }
0x333: {  	v5 =	vperm.xlane v5, v4;
	_ =	sdelay $0x1  }
0x334: {  	v5 =	vadd.s32 v3, v5  }
0x335: {  	vm10 =	vnez.u8 v6;
	v6 =	vld [tilespmem:$0x1FFF0];
	_ =	sdelay $0x2  }
0x336: {  	s24 =	simm.s32 $0xD200  }
0x337: {  	[tilespmem:s24], [sflag:$0x4] =	stream.indirect_vreg.gather [hbm4b:s0+s8], $0x80, v5, vm10, $0xb8;
	[tilespmem:$0x10200] =	vst v63  }
0x338: {  	s18 =	simm.s32 $0xDA00;
	vm10 =	vnez.u8 v6  }
0x339: {  	[tilespmem:s18], [sflag:$0x4] =	stream.indirect_vreg.gather [hbm4b:s2+s8], $0x80, v5, vm10, $0xb8;
	[tilespmem:$0x10200] =	vst v63  }
0x33a: {  	v5 =	vld [tilespmem:$0x1F0];
	_ =	sdelay $0x4  }
0x33b: {  	v6 =	vshll.u32 v5, $0x2  }
0x33c: {  	v7 =	vld [tilespmem:$0x1FFF0];
	v5 =	vand.u32 $0x7, v5;
	v6 =	vand.u32 $0xFFFFFFE0, v6  }
0x33d: {  	v5 =	vor.u32 v5, v6  }
0x33e: {  	v6 =	vperm.xlane v5, v2;
	_ =	sdelay $0x1  }
0x33f: {  	v6 =	vadd.s32 v3, v6  }
0x340: {  	vm10 =	vnez.u8 v7;
	v7 =	vld [tilespmem:$0x1FFF0];
	_ =	sdelay $0x2  }
0x341: {  	s21 =	simm.s32 $0xE200  }
0x342: {  	[tilespmem:s21], [sflag:$0x4] =	stream.indirect_vreg.gather [hbm4b:s0+s8], $0x80, v6, vm10, $0xb8;
	[tilespmem:$0x10200] =	vst v63  }
0x343: {  	s22 =	simm.s32 $0xEA00;
	vm10 =	vnez.u8 v7  }
0x344: {  	[tilespmem:s22], [sflag:$0x4] =	stream.indirect_vreg.gather [hbm4b:s2+s8], $0x80, v6, vm10, $0xb8;
	v6 =	vld [tilespmem:$0x1FFF0]  }
0x345: {  	_ = 	snop  }
0x346: {  	v5 =	vperm.xlane v5, v4;
	_ =	sdelay $0x1  }
0x347: {  	v5 =	vadd.s32 v3, v5  }
0x348: {  	vm10 =	vnez.u8 v6;
	v6 =	vld [tilespmem:$0x1FFF0];
	_ =	sdelay $0x2  }
0x349: {  	s23 =	simm.s32 $0xF200  }
0x34a: {  	[tilespmem:s23], [sflag:$0x4] =	stream.indirect_vreg.gather [hbm4b:s0+s8], $0x80, v5, vm10, $0xb8;
	[tilespmem:$0x10200] =	vst v63  }
0x34b: {  	s14 =	simm.s32 $0xFA00;
	vm10 =	vnez.u8 v6  }
0x34c: {  	[tilespmem:s14], [sflag:$0x4] =	stream.indirect_vreg.gather [hbm4b:s2+s8], $0x80, v5, vm10, $0xb8;
	[tilespmem:$0x10200] =	vst v63  }
0x34d: {  	_ =	swait.ge [sflag:s10], $0x4000  }
0x34e: {  	[sflag:s10] =	ssyncset.done $0x0  }
0x34f: {  	s24 =	rddreg [dreg:$0x15];
	[sflag:s10] =	ssyncadd.s32 $0xFFFFC000  }
0x350: {  	[hbm4b:s24+s8] =	stream.linear.scatter [tilespmem:s13], [sflag:$0x5], $0x4000, $0x38;
	[tilespmem:$0x10200] =	vst v63  }
0x351: {  	_ =	swait.ge [sflag:s7], $0x4000  }
0x352: {  	[sflag:s7] =	ssyncset.done $0x0  }
0x353: {  	s25 =	rddreg [dreg:$0x16];
	[sflag:s7] =	ssyncadd.s32 $0xFFFFC000  }
0x354: {  	[hbm4b:s25+s8] =	stream.linear.scatter [tilespmem:s12], [sflag:$0x6], $0x4000, $0x38;
	[tilespmem:$0x10200] =	vst v63  }
0x355: {  	_ =	swait.ge [sflag:s5], $0x4000  }
0x356: {  	[sflag:s5] =	ssyncset.done $0x0  }
0x357: {  	s26 =	rddreg [dreg:$0x17];
	[sflag:s5] =	ssyncadd.s32 $0xFFFFC000  }
0x358: {  	[hbm4b:s26+s8] =	stream.linear.scatter [tilespmem:s20], [sflag:$0x7], $0x4000, $0x38;
	[tilespmem:$0x10200] =	vst v63  }
0x359: {  	_ =	swait.ge [sflag:s3], $0x4000  }
0x35a: {  	[sflag:s3] =	ssyncset.done $0x0  }
0x35b: {  	s28 =	rddreg [dreg:$0x18];
	[sflag:s3] =	ssyncadd.s32 $0xFFFFC000  }
0x35c: {  	[hbm4b:s28+s8] =	stream.linear.scatter [tilespmem:s29], [sflag:$0x8], $0x4000, $0x38;
	[tilespmem:$0x10200] =	vst v63  }
0x35d: {  	_ =	swait.ge [sflag:s11], $0x4000  }
0x35e: {  	[sflag:s11] =	ssyncset.done $0x0  }
0x35f: {  	[sflag:s11] =	ssyncadd.s32 $0xFFFFC000  }
0x360: {  	_ =	swait.ge [sflag:s9], $0x4000  }
0x361: {  	[sflag:s9] =	ssyncset.done $0x0  }
0x362: {  	[sflag:s9] =	ssyncadd.s32 $0xFFFFC000  }
0x363: {  	_ =	swait.ge [sflag:s6], $0x4000  }
0x364: {  	[sflag:s6] =	ssyncset.done $0x0  }
0x365: {  	[sflag:s6] =	ssyncadd.s32 $0xFFFFC000  }
0x366: {  	_ =	swait.ge [sflag:s4], $0x4000  }
0x367: {  	s30 =	rddreg [dreg:$0x1a]  }
0x368: {  	s31 =	rddreg [dreg:$0x19];
	s1 =	sadd.s32 $0x1, s30  }
0x369: {  	p0 =	sne.s32 s1, s31  }
.Ltmp1:
0x36a: {  	_ = 	snop;
	(pc) =	sbr.rel @p0 .LBB2_1-.Ltmp1, $3  }
0x36b: {  	_ =	sdelay $0x1  }
0x36c: {  	[sflag:s4] =	ssyncset.done $0x0  }
0x36d: {  	vm10 =	vcmask $0xF0C;
	[sflag:s4] =	ssyncadd.s32 $0xFFFFC000  }
0x36e: {  	_ =	sfence.sel $0x180000  }
0x36f: {  	[bflag:$0x0] =	sbarrier.arrive $0xFFFF  }
0x370: {  	_ =	strace $0x90000047  }
0x371: {  	s0 =	stileid.u32;
	[bflag:$0x2] =	sbarrier.arrive $0xFFFF  }
0x372: {  	p0 =	sne.s32 s0, $0x0;
	s0 =	rddreg [dreg:$0x3]  }
0x373: {  	s0 =	sadd.s32 @!p0 $0x100000, s0  }
0x374: {  	[sflag:s0] =	ssyncadd.tile.s32 @!p0 $0x1;
	_ =	shalt  }
.Lfunc_end2:
_tile_overlayer_lowered:
.L_overlay_start_2:
0x375: {  	(tag) =	ssettag $0x2  }
0x376: {  	s0 =	rddreg [dreg:$0x0];
	s2 =	stileid.u32  }
0x377: {  	s1 =	rddreg [dreg:$0x1];
	p0 =	sne.s32 s2, $0x0  }
0x378: {  	s3 =	rddreg [dreg:$0x2];
	[bflag:$0x3] =	sbarrier.arrive $0xFFFF;
	s2 =	simm.s32 @!p0 $0x1C09  }
0x379: {  	[timem:s3], [sflag:s2] =	dma.local @!p0 [hbm:s0], s1  }
0x37a: {  	s0 =	simm.s32 @!p0 $0x9  }
0x37b: {  	_ =	swait.ge @!p0 [sflag:s0], s1  }
0x37c: {  	s1 =	ssub.s32 @!p0 $0x0, s1;
	[sflag:s0] =	ssyncset.done @!p0 $0x0  }
0x37d: {  	[sflag:s0] =	ssyncadd.s32 @!p0 s1  }
0x37e: {  	[bflag:$0x3] =	sbarrier.arrive $0xFFFF  }
0x37f: {  	_ =	shalt  }

</sc_bundles>
